<compile_context>
chip_gen: v7x
topology: tpu7x:2x2x1
jax: 0.10.2.dev20260603
libtpu: 0.0.44.dev20260713+nightly
codegen_flags: <defaults>
</compile_context>

<pallas_src>
import jax
import jax.numpy as jnp
from jax import lax
from jax.experimental import pallas as pl
from jax.experimental.pallas import tpu as pltpu
from jax.experimental.pallas import tpu_sc as plsc

_NA = 10000
_E = 320000
_CH = 128
_NCHUNKS = _E // _CH
_D = 128
_RT = 624


def _zero_acc(z_hbm, acc, t):
    pltpu.sync_copy(z_hbm, acc.at[pl.ds(t * _RT, _RT)])

    @pl.when(t == 15)
    def _():
        pltpu.sync_copy(z_hbm.at[pl.ds(0, 16)], acc.at[pl.ds(16 * _RT, 16)])


def _write_acc(acc, out_hbm, c, t):
    pltpu.sync_copy(acc.at[pl.ds(t * _RT, _RT)],
                    out_hbm.at[c, pl.ds(t * _RT, _RT)])

    @pl.when(t == 15)
    def _():
        pltpu.sync_copy(acc.at[pl.ds(16 * _RT, 16)],
                        out_hbm.at[c, pl.ds(16 * _RT, 16)])


def _sc_l1_body(x_hbm, e_hbm, z_hbm, one_hbm, p_hbm, d_hbm,
                acc, src_i, dst_i, rows, src_b, dst_b, rows_b,
                src_c, dst_c, rows_c, sem, sem_b, sem_c):
    c = lax.axis_index("c")
    t = lax.axis_index("s")

    _zero_acc(z_hbm, acc, t)
    pltpu.sync_copy(one_hbm, rows)
    plsc.subcore_barrier()

    half = _NCHUNKS // 2
    base = c * half + t * 78

    def deg_trip(i, carry):
        e0 = (base + 3 * i) * _CH
        pltpu.sync_copy(e_hbm.at[1, pl.ds(e0, _CH)], dst_i)
        pltpu.async_copy(rows, acc.at[dst_i], sem, add=True)
        pltpu.sync_copy(e_hbm.at[1, pl.ds(e0 + _CH, _CH)], dst_b)
        pltpu.async_copy(rows, acc.at[dst_b], sem_b, add=True)
        pltpu.sync_copy(e_hbm.at[1, pl.ds(e0 + 2 * _CH, _CH)], dst_c)
        pltpu.async_copy(rows, acc.at[dst_c], sem_c, add=True)
        pltpu.make_async_copy(rows, acc.at[dst_i], sem).wait()
        pltpu.make_async_copy(rows, acc.at[dst_b], sem_b).wait()
        pltpu.make_async_copy(rows, acc.at[dst_c], sem_c).wait()
        return carry

    lax.fori_loop(0, 26, deg_trip, 0)

    @pl.when(t < half - 16 * 78)
    def _():
        e0 = (c * half + 16 * 78 + t) * _CH
        pltpu.sync_copy(e_hbm.at[1, pl.ds(e0, _CH)], dst_i)
        pltpu.sync_copy(rows, acc.at[dst_i], add=True)

    plsc.subcore_barrier()
    _write_acc(acc, d_hbm, c, t)
    _zero_acc(z_hbm, acc, t)
    plsc.subcore_barrier()

    def agg_trip(i, carry):
        e0 = (base + 3 * i) * _CH
        pltpu.sync_copy(e_hbm.at[0, pl.ds(e0, _CH)], src_i)
        pltpu.sync_copy(e_hbm.at[1, pl.ds(e0, _CH)], dst_i)
        pltpu.async_copy(x_hbm.at[src_i], rows, sem)
        e1 = e0 + _CH
        pltpu.sync_copy(e_hbm.at[0, pl.ds(e1, _CH)], src_b)
        pltpu.sync_copy(e_hbm.at[1, pl.ds(e1, _CH)], dst_b)
        pltpu.async_copy(x_hbm.at[src_b], rows_b, sem_b)
        e2 = e0 + 2 * _CH
        pltpu.sync_copy(e_hbm.at[0, pl.ds(e2, _CH)], src_c)
        pltpu.sync_copy(e_hbm.at[1, pl.ds(e2, _CH)], dst_c)
        pltpu.async_copy(x_hbm.at[src_c], rows_c, sem_c)
        pltpu.make_async_copy(x_hbm.at[src_i], rows, sem).wait()
        pltpu.sync_copy(rows, acc.at[dst_i], add=True)
        pltpu.make_async_copy(x_hbm.at[src_b], rows_b, sem_b).wait()
        pltpu.sync_copy(rows_b, acc.at[dst_b], add=True)
        pltpu.make_async_copy(x_hbm.at[src_c], rows_c, sem_c).wait()
        pltpu.sync_copy(rows_c, acc.at[dst_c], add=True)
        return carry

    lax.fori_loop(0, 26, agg_trip, 0)

    @pl.when(t < half - 16 * 78)
    def _():
        e0 = (c * half + 16 * 78 + t) * _CH
        pltpu.sync_copy(e_hbm.at[0, pl.ds(e0, _CH)], src_i)
        pltpu.sync_copy(e_hbm.at[1, pl.ds(e0, _CH)], dst_i)
        pltpu.async_copy(x_hbm.at[src_i], rows, sem).wait()
        pltpu.sync_copy(rows, acc.at[dst_i], add=True)

    plsc.subcore_barrier()
    _write_acc(acc, p_hbm, c, t)


def _sc_l2_body(h_hbm, e_hbm, z_hbm, a_hbm,
                acc, src_i, dst_i, rows, src_b, dst_b, rows_b,
                src_c, dst_c, rows_c, sem, sem_b, sem_c):
    c = lax.axis_index("c")
    t = lax.axis_index("s")

    _zero_acc(z_hbm, acc, t)
    plsc.subcore_barrier()

    off = c * _NA

    def load_adj(chunk_id, sbuf, dbuf):
        e0 = chunk_id * _CH
        pltpu.sync_copy(e_hbm.at[0, pl.ds(e0, _CH)], sbuf)
        pltpu.sync_copy(e_hbm.at[1, pl.ds(e0, _CH)], dbuf)
        for k in range(_CH // 16):
            sl = pl.ds(k * 16, 16)
            sbuf[sl] = sbuf[sl] + off

    def trip(i, carry):
        j0 = t * 156 + 3 * i
        load_adj(j0, src_i, dst_i)
        pltpu.async_copy(h_hbm.at[src_i], rows, sem)
        load_adj(j0 + 1, src_b, dst_b)
        pltpu.async_copy(h_hbm.at[src_b], rows_b, sem_b)
        load_adj(j0 + 2, src_c, dst_c)
        pltpu.async_copy(h_hbm.at[src_c], rows_c, sem_c)
        pltpu.make_async_copy(h_hbm.at[src_i], rows, sem).wait()
        pltpu.sync_copy(rows, acc.at[dst_i], add=True)
        pltpu.make_async_copy(h_hbm.at[src_b], rows_b, sem_b).wait()
        pltpu.sync_copy(rows_b, acc.at[dst_b], add=True)
        pltpu.make_async_copy(h_hbm.at[src_c], rows_c, sem_c).wait()
        pltpu.sync_copy(rows_c, acc.at[dst_c], add=True)
        return carry

    lax.fori_loop(0, 52, trip, 0)

    @pl.when(t < _NCHUNKS - 16 * 156)
    def _():
        load_adj(16 * 156 + t, src_i, dst_i)
        pltpu.async_copy(h_hbm.at[src_i], rows, sem).wait()
        pltpu.sync_copy(rows, acc.at[dst_i], add=True)

    plsc.subcore_barrier()
    _write_acc(acc, a_hbm, c, t)


def _sc_mesh():
    return plsc.VectorSubcoreMesh(core_axis_name="c", subcore_axis_name="s")


def _sc_scratch():
    return [
        pltpu.VMEM_SHARED((_NA, _D), jnp.float32),
        pltpu.VMEM((_CH,), jnp.int32),
        pltpu.VMEM((_CH,), jnp.int32),
        pltpu.VMEM((_CH, _D), jnp.float32),
        pltpu.VMEM((_CH,), jnp.int32),
        pltpu.VMEM((_CH,), jnp.int32),
        pltpu.VMEM((_CH, _D), jnp.float32),
        pltpu.VMEM((_CH,), jnp.int32),
        pltpu.VMEM((_CH,), jnp.int32),
        pltpu.VMEM((_CH, _D), jnp.float32),
        pltpu.SemaphoreType.DMA,
        pltpu.SemaphoreType.DMA,
        pltpu.SemaphoreType.DMA,
    ]


def _sc_aggregate_l1(x, edges, zeros, ones):
    k = pl.kernel(
        _sc_l1_body,
        out_type=(
            jax.ShapeDtypeStruct((2, _NA, _D), jnp.float32),
            jax.ShapeDtypeStruct((2, _NA, _D), jnp.float32),
        ),
        mesh=_sc_mesh(),
        scratch_types=_sc_scratch(),
    )
    return k(x, edges, zeros, ones)


def _sc_aggregate_l2(h_flat, edges, zeros):
    k = pl.kernel(
        _sc_l2_body,
        out_type=jax.ShapeDtypeStruct((2, _NA, _D), jnp.float32),
        mesh=_sc_mesh(),
        scratch_types=_sc_scratch(),
    )
    return k(h_flat, edges, zeros)



def _mm_body(x_ref, w_ref, b_ref, o_ref):
    acc = jnp.dot(x_ref[...], w_ref[...], preferred_element_type=jnp.float32)
    o_ref[...] = acc + b_ref[...]


def _tc_x(x_mean, W, b, bm=1000):
    return pl.pallas_call(
        _mm_body,
        grid=(_NA // bm,),
        in_specs=[
            pl.BlockSpec((bm, x_mean.shape[1]), lambda i: (i, 0)),
            pl.BlockSpec(W.shape, lambda i: (0, 0)),
            pl.BlockSpec((1, 128), lambda i: (0, 0)),
        ],
        out_specs=pl.BlockSpec((bm, 128), lambda i: (i, 0)),
        out_shape=jax.ShapeDtypeStruct((_NA, 128), jnp.float32),
    )(x_mean, W, b.reshape(1, 128))


def _h_body(p_ref, deg_ref, x_ref, wl_ref, wr_ref, b_ref, h_ref):
    agg = p_ref[0] + p_ref[1]
    deg = deg_ref[0][:, 0:1] + deg_ref[1][:, 0:1]
    rdeg = 1.0 / jnp.maximum(deg, 1.0)
    mean = agg * rdeg
    h = mean @ wl_ref[...] + x_ref[...] @ wr_ref[...] + b_ref[...]
    h = jnp.maximum(h, 0.0)
    h_ref[0] = h[:, 0:128]
    h_ref[1] = h[:, 128:256]


def _tc_sage1(p, deg, x, W_l1, b_l1, W_r1, bm=1000):
    return pl.pallas_call(
        _h_body,
        grid=(_NA // bm,),
        in_specs=[
            pl.BlockSpec((2, bm, 128), lambda i: (0, i, 0)),
            pl.BlockSpec((2, bm, 128), lambda i: (0, i, 0)),
            pl.BlockSpec((bm, 128), lambda i: (i, 0)),
            pl.BlockSpec((128, 256), lambda i: (0, 0)),
            pl.BlockSpec((128, 256), lambda i: (0, 0)),
            pl.BlockSpec((1, 256), lambda i: (0, 0)),
        ],
        out_specs=pl.BlockSpec((2, bm, 128), lambda i: (0, i, 0)),
        out_shape=jax.ShapeDtypeStruct((2, _NA, 128), jnp.float32),
    )(p, deg, x, W_l1, W_r1, b_l1.reshape(1, 256))


def _out_body(a_ref, deg_ref, h_ref, wl_ref, wr_ref, b_ref, o_ref):
    deg = deg_ref[0][:, 0:1] + deg_ref[1][:, 0:1]
    rdeg = 1.0 / jnp.maximum(deg, 1.0)
    m0 = a_ref[0] * rdeg
    m1 = a_ref[1] * rdeg
    o_ref[...] = (m0 @ wl_ref[0] + m1 @ wl_ref[1]
                  + h_ref[0] @ wr_ref[0] + h_ref[1] @ wr_ref[1]
                  + b_ref[...])


def _tc_sage2(agg2, deg, h_flat, W_l2, b_l2, W_r2, bm=1000):
    return pl.pallas_call(
        _out_body,
        grid=(_NA // bm,),
        in_specs=[
            pl.BlockSpec((2, bm, 128), lambda i: (0, i, 0)),
            pl.BlockSpec((2, bm, 128), lambda i: (0, i, 0)),
            pl.BlockSpec((2, bm, 128), lambda i: (0, i, 0)),
            pl.BlockSpec((2, 128, 64), lambda i: (0, 0, 0)),
            pl.BlockSpec((2, 128, 64), lambda i: (0, 0, 0)),
            pl.BlockSpec((1, 64), lambda i: (0, 0)),
        ],
        out_specs=pl.BlockSpec((bm, 64), lambda i: (i, 0)),
        out_shape=jax.ShapeDtypeStruct((_NA, 64), jnp.float32),
    )(agg2, deg, h_flat, W_l2.reshape(2, 128, 64), W_r2.reshape(2, 128, 64),
      b_l2.reshape(1, 64))


def kernel(x_mean_author, W_lin_author, b_lin_author, x_mean_paper,
           W_lin_paper, b_lin_paper, x_mean_term, W_lin_term, b_lin_term,
           x_mean_conference, W_lin_conference, b_lin_conference,
           x_target_init, W_lin_target, b_lin_target, W_src_paper,
           W_dst_paper, a_src_paper, a_dst_paper, b_gat_paper, W_src_term,
           W_dst_term, a_src_term, a_dst_term, b_gat_term, W_src_conference,
           W_dst_conference, a_src_conference, a_dst_conference,
           b_gat_conference, W_att, att_0, att_1, att_2, att_3, W_l1, b_l1,
           W_r1, W_l2, b_l2, W_r2, edge_index):
    edges = edge_index.astype(jnp.int32)
    zeros = jnp.zeros((_RT, _D), jnp.float32)
    ones = jnp.ones((_CH, _D), jnp.float32)

    x = _tc_x(x_mean_author, W_lin_author, b_lin_author)

    p, deg = _sc_aggregate_l1(x, edges, zeros, ones)

    h_flat = _tc_sage1(p, deg, x, W_l1, b_l1, W_r1)

    agg2 = _sc_aggregate_l2(h_flat.reshape(2 * _NA, _D), edges, zeros)

    return _tc_sage2(agg2, deg, h_flat, W_l2, b_l2, W_r2)

# --- scband reference (transcript-rebuilt; emitter-appended) ---
"""Pipeline reference for scband-feature-view-66924180407017 (READ-ONLY COPY).

The authoritative reference and input builder live on the scoring server;
editing this copy changes nothing except your own understanding.
"""

import jax, jax.numpy as jnp
import numpy as np

NA, NPAP, NT, NC = 10000, 2000, 1000, 500
DA, DP, DT, DC = 256, 128, 64, 32
E = 320000
THRESHOLD = 0.2
TYPES = ["paper", "term", "conference"]
DIMS = {"author": DA, "paper": DP, "term": DT, "conference": DC}
NNODES = {"author": NA, "paper": NPAP, "term": NT, "conference": NC}


def _forward(p, edge_index):
    # dimension_transform: per-type Linear(2*d_t -> 128) on x_dict_mean, plus lin_target on init-time target features
    x_homo = {}
    for t in ["author"] + TYPES:
        x_homo[t] = p["x_mean_" + t] @ p["W_lin_" + t] + p["b_lin_" + t]
    x_target = p["x_target_init"] @ p["W_lin_target"] + p["b_lin_target"]

    def normalize(x):
        n = jnp.sqrt(jnp.sum(x * x, axis=1, keepdims=True))
        return x / jnp.maximum(n, 1e-12)

    # heterogeneous_view: cosine-sim thresholded adjacency + bipartite GATConv((128,128),128, add_self_loops=False)
    # implemented densely (masked softmax over the thresholded adjacency == edge-based GAT softmax per dst node)
    xhn = normalize(x_homo["author"])  # note: heterogeneous_view receives x_dict_homo, so target = x_dict_homo['author']
    heter = {}
    for t in TYPES:
        sim = xhn @ normalize(x_homo[t]).T  # [NA, Nt]
        adj = (sim > THRESHOLD).astype(jnp.float32)
        m = min(sim.shape)
        ii = jnp.arange(m)
        adj = adj.at[ii, ii].set(0.0)  # fill_diagonal_(0)
        h_src = x_homo[t] @ p["W_src_" + t]
        h_dst = x_homo["author"] @ p["W_dst_" + t]
        a_s = h_src @ p["a_src_" + t]  # [Nt]
        a_d = h_dst @ p["a_dst_" + t]  # [NA]
        e = jax.nn.leaky_relu(a_d[:, None] + a_s[None, :], 0.2)
        e = jnp.where(adj > 0, e, -1e9)
        alpha = jax.nn.softmax(e, axis=1) * adj  # rows with no neighbors -> all-zero (matches scatter semantics)
        heter[t] = alpha @ h_src + p["b_gat_" + t]

    # AttentionInfo over {paper, term, conference, author} -- computed faithfully, but its
    # output is overwritten in the original forward (x = self.encoder(...)) and thus discarded
    x_all = [heter["paper"], heter["term"], heter["conference"], x_target]
    scores = []
    for i, x in enumerate(x_all):
        s = jax.nn.sigmoid(x @ p["W_att"])
        scores.append(jnp.mean(jnp.sum(s * p["att_" + str(i)], axis=-1)))
    alphas = jax.nn.softmax(jnp.stack(scores))
    _discarded = jnp.sum(jnp.stack(x_all, 0) * alphas[:, None, None], axis=0)

    # GraphSAGE(128,256,64) on x_dict_homo['author'] with edge_index (mean aggregation, lin_l(agg)+lin_r(x))
    src = edge_index[0]
    dst = edge_index[1]
    ones = jnp.ones((src.shape[0],), jnp.float32)
    deg = jnp.maximum(jax.ops.segment_sum(ones, dst, num_segments=NA), 1.0)[:, None]

    def sage(x, Wl, bl, Wr):
        mean = jax.ops.segment_sum(x[src], dst, num_segments=NA) / deg
        return mean @ Wl + bl + x @ Wr

    h = jax.nn.relu(sage(x_homo["author"], p["W_l1"], p["b_l1"], p["W_r1"]))
    return sage(h, p["W_l2"], p["b_l2"], p["W_r2"])


def setup_inputs():
    base = jax.random.key(0)
    c = [0]

    def nrm(shape, scale=1.0):
        c[0] += 1
        return jax.random.normal(jax.random.fold_in(base, c[0]), shape, dtype=jnp.float32) * scale

    def glorot(fan_in, fan_out):
        return nrm((fan_in, fan_out), float(np.sqrt(2.0 / (fan_in + fan_out))))

    inp = {}
    for t in ["author", "paper", "term", "conference"]:
        d = DIMS[t]
        n = NNODES[t]
        inp["x_mean_" + t] = nrm((n, 2 * d))
        inp["W_lin_" + t] = glorot(2 * d, 128)
        inp["b_lin_" + t] = jnp.zeros((128,), jnp.float32)
    inp["x_target_init"] = nrm((NA, DA))
    inp["W_lin_target"] = glorot(DA, 128)
    inp["b_lin_target"] = jnp.zeros((128,), jnp.float32)
    for t in TYPES:
        inp["W_src_" + t] = glorot(128, 128)
        inp["W_dst_" + t] = glorot(128, 128)
        inp["a_src_" + t] = nrm((128,), 0.1)
        inp["a_dst_" + t] = nrm((128,), 0.1)
        inp["b_gat_" + t] = jnp.zeros((128,), jnp.float32)
    inp["W_att"] = glorot(128, 64)
    for i in range(4):
        inp["att_" + str(i)] = nrm((64,), 0.1)
    inp["W_l1"] = glorot(128, 256)
    inp["b_l1"] = jnp.zeros((256,), jnp.float32)
    inp["W_r1"] = glorot(128, 256)
    inp["W_l2"] = glorot(256, 64)
    inp["b_l2"] = jnp.zeros((64,), jnp.float32)
    inp["W_r2"] = glorot(256, 64)
    inp["edge_index"] = jax.random.randint(jax.random.fold_in(base, 999), (2, E), 0, NA, dtype=jnp.int32)
    return inp


def reference(
    x_mean_author,
    W_lin_author,
    b_lin_author,
    x_mean_paper,
    W_lin_paper,
    b_lin_paper,
    x_mean_term,
    W_lin_term,
    b_lin_term,
    x_mean_conference,
    W_lin_conference,
    b_lin_conference,
    x_target_init,
    W_lin_target,
    b_lin_target,
    W_src_paper,
    W_dst_paper,
    a_src_paper,
    a_dst_paper,
    b_gat_paper,
    W_src_term,
    W_dst_term,
    a_src_term,
    a_dst_term,
    b_gat_term,
    W_src_conference,
    W_dst_conference,
    a_src_conference,
    a_dst_conference,
    b_gat_conference,
    W_att,
    att_0,
    att_1,
    att_2,
    att_3,
    W_l1,
    b_l1,
    W_r1,
    W_l2,
    b_l2,
    W_r2,
    edge_index,
):
    p = dict(locals())
    edge_index = p.pop("edge_index")
    return _forward(p, edge_index)

if __name__ == "__main__":
    import jax
    _d = setup_inputs()
    print(jax.jit(kernel)(*tuple(_d.values())))

</pallas_src>

<mosaic_0001>
#map = affine_map<(d0, d1) -> (0, 0)>
#map1 = affine_map<(d0, d1) -> (0, 0, 0)>
module attributes {stable_mosaic.version = 14 : i64} {
  func.func @_sc_l1_body(%arg0: i32, %arg1: i32, %arg2: memref<10000x128xf32, #tpu.memory_space<hbm>>, %arg3: memref<2x320000xi32, #tpu.memory_space<hbm>>, %arg4: memref<624x128xf32, #tpu.memory_space<hbm>>, %arg5: memref<128x128xf32, #tpu.memory_space<hbm>>, %arg6: memref<2x10000x128xf32, #tpu.memory_space<hbm>>, %arg7: memref<2x10000x128xf32, #tpu.memory_space<hbm>>, %arg8: memref<10000x128xf32, #tpu.memory_space<vmem_shared>>, %arg9: memref<128xi32, #tpu.memory_space<vmem>>, %arg10: memref<128xi32, #tpu.memory_space<vmem>>, %arg11: memref<128x128xf32, #tpu.memory_space<vmem>>, %arg12: memref<128xi32, #tpu.memory_space<vmem>>, %arg13: memref<128xi32, #tpu.memory_space<vmem>>, %arg14: memref<128x128xf32, #tpu.memory_space<vmem>>, %arg15: memref<128xi32, #tpu.memory_space<vmem>>, %arg16: memref<128xi32, #tpu.memory_space<vmem>>, %arg17: memref<128x128xf32, #tpu.memory_space<vmem>>, %arg18: memref<!tpu.dma_semaphore, #tpu.memory_space<semaphore_mem>>, %arg19: memref<!tpu.dma_semaphore, #tpu.memory_space<semaphore_mem>>, %arg20: memref<!tpu.dma_semaphore, #tpu.memory_space<semaphore_mem>>) attributes {dimension_semantics = [#tpu.dimension_semantics<core_parallel>, #tpu.dimension_semantics<subcore_parallel>], iteration_bounds = array<i64: 2, 16>, scalar_prefetch = 0 : i64, scratch_operands = 13 : i64, tpu.core_type = #tpu.core_type<sc_vector_subcore>, window_params = [{transform_indices = #map}, {transform_indices = #map}, {transform_indices = #map}, {transform_indices = #map}, {transform_indices = #map1}, {transform_indices = #map1}]} {
    %mul3A = arith.constant 624 : i32
    %mul3A_0 = arith.muli %arg1, %mul3A : i32
    "tpu.region"() ({
      %run_scoped3A = tpu.sem_alloc : memref<!tpu.dma_semaphore, #tpu.memory_space<semaphore_mem>>
      %dma_start3A = arith.constant 0 : i32
      %dma_start3A_55 = tpu.memref_slice %arg8[%mul3A_0, %dma_start3A] : memref<10000x128xf32, #tpu.memory_space<vmem_shared>> -> memref<624x128xf32, #tpu.memory_space<vmem_shared>>
      tpu.enqueue_dma source(%arg4 : memref<624x128xf32, #tpu.memory_space<hbm>>) target(%dma_start3A_55 : memref<624x128xf32, #tpu.memory_space<vmem_shared>>) target_semaphore(%run_scoped3A : memref<!tpu.dma_semaphore, #tpu.memory_space<semaphore_mem>>)
      %dma_wait3A = arith.constant 0 : i32
      %dma_wait3A_56 = tpu.memref_slice %arg8[%mul3A_0, %dma_wait3A] : memref<10000x128xf32, #tpu.memory_space<vmem_shared>> -> memref<624x128xf32, #tpu.memory_space<vmem_shared>>
      tpu.wait_dma2 semaphore(%run_scoped3A : memref<!tpu.dma_semaphore, #tpu.memory_space<semaphore_mem>>) src(%arg4 : memref<624x128xf32, #tpu.memory_space<hbm>>) dst(%dma_wait3A_56 : memref<624x128xf32, #tpu.memory_space<vmem_shared>>)
      tpu.yield
    }) : () -> ()
    %eq3A = arith.constant 15 : i32
    %eq3A_1 = arith.cmpi eq, %arg1, %eq3A : i32
    %convert_element_type3A = arith.extui %eq3A_1 : i1 to i32
    %cond3A = arith.constant 0 : i32
    %cond3A_2 = arith.cmpi ne, %convert_element_type3A, %cond3A : i32
    scf.if %cond3A_2 {
      "tpu.region"() ({
        %run_scoped3A = tpu.sem_alloc : memref<!tpu.dma_semaphore, #tpu.memory_space<semaphore_mem>>
        %dma_start3A = arith.constant 9984 : i32
        %dma_start3A_55 = arith.constant 0 : i32
        %dma_start3A_56 = tpu.memref_slice %arg8[%dma_start3A, %dma_start3A_55] : memref<10000x128xf32, #tpu.memory_space<vmem_shared>> -> memref<16x128xf32, #tpu.memory_space<vmem_shared>>
        %dma_start3A_57 = arith.constant 0 : i32
        %dma_start3A_58 = arith.constant 0 : i32
        %dma_start3A_59 = tpu.memref_slice %arg4[%dma_start3A_57, %dma_start3A_58] : memref<624x128xf32, #tpu.memory_space<hbm>> -> memref<16x128xf32, #tpu.memory_space<hbm>>
        tpu.enqueue_dma source(%dma_start3A_59 : memref<16x128xf32, #tpu.memory_space<hbm>>) target(%dma_start3A_56 : memref<16x128xf32, #tpu.memory_space<vmem_shared>>) target_semaphore(%run_scoped3A : memref<!tpu.dma_semaphore, #tpu.memory_space<semaphore_mem>>)
        %dma_wait3A = arith.constant 9984 : i32
        %dma_wait3A_60 = arith.constant 0 : i32
        %dma_wait3A_61 = tpu.memref_slice %arg8[%dma_wait3A, %dma_wait3A_60] : memref<10000x128xf32, #tpu.memory_space<vmem_shared>> -> memref<16x128xf32, #tpu.memory_space<vmem_shared>>
        %dma_wait3A_62 = arith.constant 0 : i32
        %dma_wait3A_63 = arith.constant 0 : i32
        %dma_wait3A_64 = tpu.memref_slice %arg4[%dma_wait3A_62, %dma_wait3A_63] : memref<624x128xf32, #tpu.memory_space<hbm>> -> memref<16x128xf32, #tpu.memory_space<hbm>>
        tpu.wait_dma2 semaphore(%run_scoped3A : memref<!tpu.dma_semaphore, #tpu.memory_space<semaphore_mem>>) src(%dma_wait3A_64 : memref<16x128xf32, #tpu.memory_space<hbm>>) dst(%dma_wait3A_61 : memref<16x128xf32, #tpu.memory_space<vmem_shared>>)
        tpu.yield
      }) : () -> ()
    } else {
    }
    "tpu.region"() ({
      %run_scoped3A = tpu.sem_alloc : memref<!tpu.dma_semaphore, #tpu.memory_space<semaphore_mem>>
      tpu.enqueue_dma source(%arg5 : memref<128x128xf32, #tpu.memory_space<hbm>>) target(%arg11 : memref<128x128xf32, #tpu.memory_space<vmem>>) target_semaphore(%run_scoped3A : memref<!tpu.dma_semaphore, #tpu.memory_space<semaphore_mem>>)
      tpu.wait_dma2 semaphore(%run_scoped3A : memref<!tpu.dma_semaphore, #tpu.memory_space<semaphore_mem>>) src(%arg5 : memref<128x128xf32, #tpu.memory_space<hbm>>) dst(%arg11 : memref<128x128xf32, #tpu.memory_space<vmem>>)
      tpu.yield
    }) : () -> ()
    %barrier3A = arith.constant 0 : index
    tpu.barrier barrier_id(%barrier3A)
    %mul3A_3 = arith.constant 1250 : i32
    %mul3A_4 = arith.muli %arg0, %mul3A_3 : i32
    %mul3A_5 = arith.constant 78 : i32
    %mul3A_6 = arith.muli %arg1, %mul3A_5 : i32
    %add3A = arith.addi %mul3A_4, %mul3A_6 : i32
    %scan3A = arith.constant 0 : i32
    %scan3A_7 = arith.constant 0 : i32
    %scan3A_8 = arith.constant 26 : i32
    %scan3A_9 = arith.addi %scan3A_7, %scan3A_8 : i32
    %scan3A_10 = arith.constant 1 : i32
    scf.for %scan3A_55 = %scan3A_7 to %scan3A_9 step %scan3A_10  : i32 {
      %mul3A_56 = arith.constant 3 : i32
      %mul3A_57 = arith.muli %mul3A_56, %scan3A_55 : i32
      %add3A_58 = arith.addi %add3A, %mul3A_57 : i32
      %mul3A_59 = arith.constant 128 : i32
      %mul3A_60 = arith.muli %add3A_58, %mul3A_59 : i32
      %run_scoped3A = arith.constant 1 : i32
      "tpu.region"() ({
        %run_scoped3A_83 = tpu.sem_alloc : memref<!tpu.dma_semaphore, #tpu.memory_space<semaphore_mem>>
        %dma_start3A_84 = tpu.memref_slice %arg3[%run_scoped3A, %mul3A_60] : memref<2x320000xi32, #tpu.memory_space<hbm>> -> memref<1x128xi32, #tpu.memory_space<hbm>>
        %dma_start3A_85 = tpu.memref_squeeze %dma_start3A_84 : memref<1x128xi32, #tpu.memory_space<hbm>> -> memref<128xi32, #tpu.memory_space<hbm>>
        %dma_start3A_86 = tpu.memref_slice %arg3[%run_scoped3A, %mul3A_60] : memref<2x320000xi32, #tpu.memory_space<hbm>> -> memref<1x128xi32, #tpu.memory_space<hbm>>
        %dma_start3A_87 = tpu.memref_squeeze %dma_start3A_86 : memref<1x128xi32, #tpu.memory_space<hbm>> -> memref<128xi32, #tpu.memory_space<hbm>>
        tpu.enqueue_dma source(%dma_start3A_87 : memref<128xi32, #tpu.memory_space<hbm>>) target(%arg10 : memref<128xi32, #tpu.memory_space<vmem>>) target_semaphore(%run_scoped3A_83 : memref<!tpu.dma_semaphore, #tpu.memory_space<semaphore_mem>>)
        %dma_wait3A_88 = tpu.memref_slice %arg3[%run_scoped3A, %mul3A_60] : memref<2x320000xi32, #tpu.memory_space<hbm>> -> memref<1x128xi32, #tpu.memory_space<hbm>>
        %dma_wait3A_89 = tpu.memref_squeeze %dma_wait3A_88 : memref<1x128xi32, #tpu.memory_space<hbm>> -> memref<128xi32, #tpu.memory_space<hbm>>
        %dma_wait3A_90 = tpu.memref_slice %arg3[%run_scoped3A, %mul3A_60] : memref<2x320000xi32, #tpu.memory_space<hbm>> -> memref<1x128xi32, #tpu.memory_space<hbm>>
        %dma_wait3A_91 = tpu.memref_squeeze %dma_wait3A_90 : memref<1x128xi32, #tpu.memory_space<hbm>> -> memref<128xi32, #tpu.memory_space<hbm>>
        tpu.wait_dma2 semaphore(%run_scoped3A_83 : memref<!tpu.dma_semaphore, #tpu.memory_space<semaphore_mem>>) src(%dma_wait3A_91 : memref<128xi32, #tpu.memory_space<hbm>>) dst(%arg10 : memref<128xi32, #tpu.memory_space<vmem>>)
        tpu.yield
      }) : () -> ()
      %dma_start3A = arith.constant 0 : i32
      %dma_start3A_61 = arith.constant 0 : i32
      %dma_start3A_62 = tpu.memref_slice %arg8[%dma_start3A, %dma_start3A_61] : memref<10000x128xf32, #tpu.memory_space<vmem_shared>> -> memref<10000x128xf32, #tpu.memory_space<vmem_shared>>
      tpu.enqueue_indirect_dma source(%arg11 : memref<128x128xf32, #tpu.memory_space<vmem>>) target(%dma_start3A_62 : memref<10000x128xf32, #tpu.memory_space<vmem_shared>>) offsets(%arg10 : memref<128xi32, #tpu.memory_space<vmem>>) semaphore(%arg18 : memref<!tpu.dma_semaphore, #tpu.memory_space<semaphore_mem>>) {add = true}
      %add3A_63 = arith.constant 128 : i32
      %add3A_64 = arith.addi %mul3A_60, %add3A_63 : i32
      %run_scoped3A_65 = arith.constant 1 : i32
      "tpu.region"() ({
        %run_scoped3A_83 = tpu.sem_alloc : memref<!tpu.dma_semaphore, #tpu.memory_space<semaphore_mem>>
        %dma_start3A_84 = tpu.memref_slice %arg3[%run_scoped3A_65, %add3A_64] : memref<2x320000xi32, #tpu.memory_space<hbm>> -> memref<1x128xi32, #tpu.memory_space<hbm>>
        %dma_start3A_85 = tpu.memref_squeeze %dma_start3A_84 : memref<1x128xi32, #tpu.memory_space<hbm>> -> memref<128xi32, #tpu.memory_space<hbm>>
        %dma_start3A_86 = tpu.memref_slice %arg3[%run_scoped3A_65, %add3A_64] : memref<2x320000xi32, #tpu.memory_space<hbm>> -> memref<1x128xi32, #tpu.memory_space<hbm>>
        %dma_start3A_87 = tpu.memref_squeeze %dma_start3A_86 : memref<1x128xi32, #tpu.memory_space<hbm>> -> memref<128xi32, #tpu.memory_space<hbm>>
        tpu.enqueue_dma source(%dma_start3A_87 : memref<128xi32, #tpu.memory_space<hbm>>) target(%arg13 : memref<128xi32, #tpu.memory_space<vmem>>) target_semaphore(%run_scoped3A_83 : memref<!tpu.dma_semaphore, #tpu.memory_space<semaphore_mem>>)
        %dma_wait3A_88 = tpu.memref_slice %arg3[%run_scoped3A_65, %add3A_64] : memref<2x320000xi32, #tpu.memory_space<hbm>> -> memref<1x128xi32, #tpu.memory_space<hbm>>
        %dma_wait3A_89 = tpu.memref_squeeze %dma_wait3A_88 : memref<1x128xi32, #tpu.memory_space<hbm>> -> memref<128xi32, #tpu.memory_space<hbm>>
        %dma_wait3A_90 = tpu.memref_slice %arg3[%run_scoped3A_65, %add3A_64] : memref<2x320000xi32, #tpu.memory_space<hbm>> -> memref<1x128xi32, #tpu.memory_space<hbm>>
        %dma_wait3A_91 = tpu.memref_squeeze %dma_wait3A_90 : memref<1x128xi32, #tpu.memory_space<hbm>> -> memref<128xi32, #tpu.memory_space<hbm>>
        tpu.wait_dma2 semaphore(%run_scoped3A_83 : memref<!tpu.dma_semaphore, #tpu.memory_space<semaphore_mem>>) src(%dma_wait3A_91 : memref<128xi32, #tpu.memory_space<hbm>>) dst(%arg13 : memref<128xi32, #tpu.memory_space<vmem>>)
        tpu.yield
      }) : () -> ()
      %dma_start3A_66 = arith.constant 0 : i32
      %dma_start3A_67 = arith.constant 0 : i32
      %dma_start3A_68 = tpu.memref_slice %arg8[%dma_start3A_66, %dma_start3A_67] : memref<10000x128xf32, #tpu.memory_space<vmem_shared>> -> memref<10000x128xf32, #tpu.memory_space<vmem_shared>>
      tpu.enqueue_indirect_dma source(%arg11 : memref<128x128xf32, #tpu.memory_space<vmem>>) target(%dma_start3A_68 : memref<10000x128xf32, #tpu.memory_space<vmem_shared>>) offsets(%arg13 : memref<128xi32, #tpu.memory_space<vmem>>) semaphore(%arg19 : memref<!tpu.dma_semaphore, #tpu.memory_space<semaphore_mem>>) {add = true}
      %add3A_69 = arith.constant 256 : i32
      %add3A_70 = arith.addi %mul3A_60, %add3A_69 : i32
      %run_scoped3A_71 = arith.constant 1 : i32
      "tpu.region"() ({
        %run_scoped3A_83 = tpu.sem_alloc : memref<!tpu.dma_semaphore, #tpu.memory_space<semaphore_mem>>
        %dma_start3A_84 = tpu.memref_slice %arg3[%run_scoped3A_71, %add3A_70] : memref<2x320000xi32, #tpu.memory_space<hbm>> -> memref<1x128xi32, #tpu.memory_space<hbm>>
        %dma_start3A_85 = tpu.memref_squeeze %dma_start3A_84 : memref<1x128xi32, #tpu.memory_space<hbm>> -> memref<128xi32, #tpu.memory_space<hbm>>
        %dma_start3A_86 = tpu.memref_slice %arg3[%run_scoped3A_71, %add3A_70] : memref<2x320000xi32, #tpu.memory_space<hbm>> -> memref<1x128xi32, #tpu.memory_space<hbm>>
        %dma_start3A_87 = tpu.memref_squeeze %dma_start3A_86 : memref<1x128xi32, #tpu.memory_space<hbm>> -> memref<128xi32, #tpu.memory_space<hbm>>
        tpu.enqueue_dma source(%dma_start3A_87 : memref<128xi32, #tpu.memory_space<hbm>>) target(%arg16 : memref<128xi32, #tpu.memory_space<vmem>>) target_semaphore(%run_scoped3A_83 : memref<!tpu.dma_semaphore, #tpu.memory_space<semaphore_mem>>)
        %dma_wait3A_88 = tpu.memref_slice %arg3[%run_scoped3A_71, %add3A_70] : memref<2x320000xi32, #tpu.memory_space<hbm>> -> memref<1x128xi32, #tpu.memory_space<hbm>>
        %dma_wait3A_89 = tpu.memref_squeeze %dma_wait3A_88 : memref<1x128xi32, #tpu.memory_space<hbm>> -> memref<128xi32, #tpu.memory_space<hbm>>
        %dma_wait3A_90 = tpu.memref_slice %arg3[%run_scoped3A_71, %add3A_70] : memref<2x320000xi32, #tpu.memory_space<hbm>> -> memref<1x128xi32, #tpu.memory_space<hbm>>
        %dma_wait3A_91 = tpu.memref_squeeze %dma_wait3A_90 : memref<1x128xi32, #tpu.memory_space<hbm>> -> memref<128xi32, #tpu.memory_space<hbm>>
        tpu.wait_dma2 semaphore(%run_scoped3A_83 : memref<!tpu.dma_semaphore, #tpu.memory_space<semaphore_mem>>) src(%dma_wait3A_91 : memref<128xi32, #tpu.memory_space<hbm>>) dst(%arg16 : memref<128xi32, #tpu.memory_space<vmem>>)
        tpu.yield
      }) : () -> ()
      %dma_start3A_72 = arith.constant 0 : i32
      %dma_start3A_73 = arith.constant 0 : i32
      %dma_start3A_74 = tpu.memref_slice %arg8[%dma_start3A_72, %dma_start3A_73] : memref<10000x128xf32, #tpu.memory_space<vmem_shared>> -> memref<10000x128xf32, #tpu.memory_space<vmem_shared>>
      tpu.enqueue_indirect_dma source(%arg11 : memref<128x128xf32, #tpu.memory_space<vmem>>) target(%dma_start3A_74 : memref<10000x128xf32, #tpu.memory_space<vmem_shared>>) offsets(%arg16 : memref<128xi32, #tpu.memory_space<vmem>>) semaphore(%arg20 : memref<!tpu.dma_semaphore, #tpu.memory_space<semaphore_mem>>) {add = true}
      %dma_wait3A = arith.constant 0 : i32
      %dma_wait3A_75 = arith.constant 0 : i32
      %dma_wait3A_76 = tpu.memref_slice %arg8[%dma_wait3A, %dma_wait3A_75] : memref<10000x128xf32, #tpu.memory_space<vmem_shared>> -> memref<10000x128xf32, #tpu.memory_space<vmem_shared>>
      tpu.wait_indirect_dma semaphore(%arg18 : memref<!tpu.dma_semaphore, #tpu.memory_space<semaphore_mem>>) src(%arg11 : memref<128x128xf32, #tpu.memory_space<vmem>>) dst(%dma_wait3A_76 : memref<10000x128xf32, #tpu.memory_space<vmem_shared>>)
      %dma_wait3A_77 = arith.constant 0 : i32
      %dma_wait3A_78 = arith.constant 0 : i32
      %dma_wait3A_79 = tpu.memref_slice %arg8[%dma_wait3A_77, %dma_wait3A_78] : memref<10000x128xf32, #tpu.memory_space<vmem_shared>> -> memref<10000x128xf32, #tpu.memory_space<vmem_shared>>
      tpu.wait_indirect_dma semaphore(%arg19 : memref<!tpu.dma_semaphore, #tpu.memory_space<semaphore_mem>>) src(%arg11 : memref<128x128xf32, #tpu.memory_space<vmem>>) dst(%dma_wait3A_79 : memref<10000x128xf32, #tpu.memory_space<vmem_shared>>)
      %dma_wait3A_80 = arith.constant 0 : i32
      %dma_wait3A_81 = arith.constant 0 : i32
      %dma_wait3A_82 = tpu.memref_slice %arg8[%dma_wait3A_80, %dma_wait3A_81] : memref<10000x128xf32, #tpu.memory_space<vmem_shared>> -> memref<10000x128xf32, #tpu.memory_space<vmem_shared>>
      tpu.wait_indirect_dma semaphore(%arg20 : memref<!tpu.dma_semaphore, #tpu.memory_space<semaphore_mem>>) src(%arg11 : memref<128x128xf32, #tpu.memory_space<vmem>>) dst(%dma_wait3A_82 : memref<10000x128xf32, #tpu.memory_space<vmem_shared>>)
    }
    %scan3A_11 = arith.constant 26 : i32
    %lt3A = arith.constant 2 : i32
    %lt3A_12 = arith.cmpi slt, %arg1, %lt3A : i32
    %convert_element_type3A_13 = arith.extui %lt3A_12 : i1 to i32
    %cond3A_14 = arith.constant 0 : i32
    %cond3A_15 = arith.cmpi ne, %convert_element_type3A_13, %cond3A_14 : i32
    scf.if %cond3A_15 {
      %mul3A_55 = arith.constant 1250 : i32
      %mul3A_56 = arith.muli %arg0, %mul3A_55 : i32
      %add3A_57 = arith.constant 1248 : i32
      %add3A_58 = arith.addi %mul3A_56, %add3A_57 : i32
      %add3A_59 = arith.addi %add3A_58, %arg1 : i32
      %mul3A_60 = arith.constant 128 : i32
      %mul3A_61 = arith.muli %add3A_59, %mul3A_60 : i32
      %run_scoped3A = arith.constant 1 : i32
      "tpu.region"() ({
        %run_scoped3A_62 = tpu.sem_alloc : memref<!tpu.dma_semaphore, #tpu.memory_space<semaphore_mem>>
        %dma_start3A = tpu.memref_slice %arg3[%run_scoped3A, %mul3A_61] : memref<2x320000xi32, #tpu.memory_space<hbm>> -> memref<1x128xi32, #tpu.memory_space<hbm>>
        %dma_start3A_63 = tpu.memref_squeeze %dma_start3A : memref<1x128xi32, #tpu.memory_space<hbm>> -> memref<128xi32, #tpu.memory_space<hbm>>
        %dma_start3A_64 = tpu.memref_slice %arg3[%run_scoped3A, %mul3A_61] : memref<2x320000xi32, #tpu.memory_space<hbm>> -> memref<1x128xi32, #tpu.memory_space<hbm>>
        %dma_start3A_65 = tpu.memref_squeeze %dma_start3A_64 : memref<1x128xi32, #tpu.memory_space<hbm>> -> memref<128xi32, #tpu.memory_space<hbm>>
        tpu.enqueue_dma source(%dma_start3A_65 : memref<128xi32, #tpu.memory_space<hbm>>) target(%arg10 : memref<128xi32, #tpu.memory_space<vmem>>) target_semaphore(%run_scoped3A_62 : memref<!tpu.dma_semaphore, #tpu.memory_space<semaphore_mem>>)
        %dma_wait3A = tpu.memref_slice %arg3[%run_scoped3A, %mul3A_61] : memref<2x320000xi32, #tpu.memory_space<hbm>> -> memref<1x128xi32, #tpu.memory_space<hbm>>
        %dma_wait3A_66 = tpu.memref_squeeze %dma_wait3A : memref<1x128xi32, #tpu.memory_space<hbm>> -> memref<128xi32, #tpu.memory_space<hbm>>
        %dma_wait3A_67 = tpu.memref_slice %arg3[%run_scoped3A, %mul3A_61] : memref<2x320000xi32, #tpu.memory_space<hbm>> -> memref<1x128xi32, #tpu.memory_space<hbm>>
        %dma_wait3A_68 = tpu.memref_squeeze %dma_wait3A_67 : memref<1x128xi32, #tpu.memory_space<hbm>> -> memref<128xi32, #tpu.memory_space<hbm>>
        tpu.wait_dma2 semaphore(%run_scoped3A_62 : memref<!tpu.dma_semaphore, #tpu.memory_space<semaphore_mem>>) src(%dma_wait3A_68 : memref<128xi32, #tpu.memory_space<hbm>>) dst(%arg10 : memref<128xi32, #tpu.memory_space<vmem>>)
        tpu.yield
      }) : () -> ()
      "tpu.region"() ({
        %run_scoped3A_62 = tpu.sem_alloc : memref<!tpu.dma_semaphore, #tpu.memory_space<semaphore_mem>>
        %dma_start3A = arith.constant 0 : i32
        %dma_start3A_63 = arith.constant 0 : i32
        %dma_start3A_64 = tpu.memref_slice %arg8[%dma_start3A, %dma_start3A_63] : memref<10000x128xf32, #tpu.memory_space<vmem_shared>> -> memref<10000x128xf32, #tpu.memory_space<vmem_shared>>
        tpu.enqueue_indirect_dma source(%arg11 : memref<128x128xf32, #tpu.memory_space<vmem>>) target(%dma_start3A_64 : memref<10000x128xf32, #tpu.memory_space<vmem_shared>>) offsets(%arg10 : memref<128xi32, #tpu.memory_space<vmem>>) semaphore(%run_scoped3A_62 : memref<!tpu.dma_semaphore, #tpu.memory_space<semaphore_mem>>) {add = true}
        %dma_wait3A = arith.constant 0 : i32
        %dma_wait3A_65 = arith.constant 0 : i32
        %dma_wait3A_66 = tpu.memref_slice %arg8[%dma_wait3A, %dma_wait3A_65] : memref<10000x128xf32, #tpu.memory_space<vmem_shared>> -> memref<10000x128xf32, #tpu.memory_space<vmem_shared>>
        tpu.wait_indirect_dma semaphore(%run_scoped3A_62 : memref<!tpu.dma_semaphore, #tpu.memory_space<semaphore_mem>>) src(%arg11 : memref<128x128xf32, #tpu.memory_space<vmem>>) dst(%dma_wait3A_66 : memref<10000x128xf32, #tpu.memory_space<vmem_shared>>)
        tpu.yield
      }) : () -> ()
    } else {
    }
    %barrier3A_16 = arith.constant 0 : index
    tpu.barrier barrier_id(%barrier3A_16)
    %mul3A_17 = arith.constant 624 : i32
    %mul3A_18 = arith.muli %arg1, %mul3A_17 : i32
    %mul3A_19 = arith.constant 624 : i32
    %mul3A_20 = arith.muli %arg1, %mul3A_19 : i32
    "tpu.region"() ({
      %run_scoped3A = tpu.sem_alloc : memref<!tpu.dma_semaphore, #tpu.memory_space<semaphore_mem>>
      %dma_start3A = arith.constant 0 : i32
      %dma_start3A_55 = tpu.memref_slice %arg7[%arg0, %mul3A_20, %dma_start3A] : memref<2x10000x128xf32, #tpu.memory_space<hbm>> -> memref<1x624x128xf32, #tpu.memory_space<hbm>>
      %dma_start3A_56 = tpu.memref_squeeze %dma_start3A_55 : memref<1x624x128xf32, #tpu.memory_space<hbm>> -> memref<624x128xf32, #tpu.memory_space<hbm>>
      %dma_start3A_57 = arith.constant 0 : i32
      %dma_start3A_58 = tpu.memref_slice %arg8[%mul3A_18, %dma_start3A_57] : memref<10000x128xf32, #tpu.memory_space<vmem_shared>> -> memref<624x128xf32, #tpu.memory_space<vmem_shared>>
      tpu.enqueue_dma source(%dma_start3A_58 : memref<624x128xf32, #tpu.memory_space<vmem_shared>>) target(%dma_start3A_56 : memref<624x128xf32, #tpu.memory_space<hbm>>) target_semaphore(%run_scoped3A : memref<!tpu.dma_semaphore, #tpu.memory_space<semaphore_mem>>)
      %dma_wait3A = arith.constant 0 : i32
      %dma_wait3A_59 = tpu.memref_slice %arg7[%arg0, %mul3A_20, %dma_wait3A] : memref<2x10000x128xf32, #tpu.memory_space<hbm>> -> memref<1x624x128xf32, #tpu.memory_space<hbm>>
      %dma_wait3A_60 = tpu.memref_squeeze %dma_wait3A_59 : memref<1x624x128xf32, #tpu.memory_space<hbm>> -> memref<624x128xf32, #tpu.memory_space<hbm>>
      %dma_wait3A_61 = arith.constant 0 : i32
      %dma_wait3A_62 = tpu.memref_slice %arg8[%mul3A_18, %dma_wait3A_61] : memref<10000x128xf32, #tpu.memory_space<vmem_shared>> -> memref<624x128xf32, #tpu.memory_space<vmem_shared>>
      tpu.wait_dma2 semaphore(%run_scoped3A : memref<!tpu.dma_semaphore, #tpu.memory_space<semaphore_mem>>) src(%dma_wait3A_62 : memref<624x128xf32, #tpu.memory_space<vmem_shared>>) dst(%dma_wait3A_60 : memref<624x128xf32, #tpu.memory_space<hbm>>)
      tpu.yield
    }) : () -> ()
    %eq3A_21 = arith.constant 15 : i32
    %eq3A_22 = arith.cmpi eq, %arg1, %eq3A_21 : i32
    %convert_element_type3A_23 = arith.extui %eq3A_22 : i1 to i32
    %cond3A_24 = arith.constant 0 : i32
    %cond3A_25 = arith.cmpi ne, %convert_element_type3A_23, %cond3A_24 : i32
    scf.if %cond3A_25 {
      "tpu.region"() ({
        %run_scoped3A = tpu.sem_alloc : memref<!tpu.dma_semaphore, #tpu.memory_space<semaphore_mem>>
        %dma_start3A = arith.constant 9984 : i32
        %dma_start3A_55 = arith.constant 0 : i32
        %dma_start3A_56 = tpu.memref_slice %arg7[%arg0, %dma_start3A, %dma_start3A_55] : memref<2x10000x128xf32, #tpu.memory_space<hbm>> -> memref<1x16x128xf32, #tpu.memory_space<hbm>>
        %dma_start3A_57 = tpu.memref_squeeze %dma_start3A_56 : memref<1x16x128xf32, #tpu.memory_space<hbm>> -> memref<16x128xf32, #tpu.memory_space<hbm>>
        %dma_start3A_58 = arith.constant 9984 : i32
        %dma_start3A_59 = arith.constant 0 : i32
        %dma_start3A_60 = tpu.memref_slice %arg8[%dma_start3A_58, %dma_start3A_59] : memref<10000x128xf32, #tpu.memory_space<vmem_shared>> -> memref<16x128xf32, #tpu.memory_space<vmem_shared>>
        tpu.enqueue_dma source(%dma_start3A_60 : memref<16x128xf32, #tpu.memory_space<vmem_shared>>) target(%dma_start3A_57 : memref<16x128xf32, #tpu.memory_space<hbm>>) target_semaphore(%run_scoped3A : memref<!tpu.dma_semaphore, #tpu.memory_space<semaphore_mem>>)
        %dma_wait3A = arith.constant 9984 : i32
        %dma_wait3A_61 = arith.constant 0 : i32
        %dma_wait3A_62 = tpu.memref_slice %arg7[%arg0, %dma_wait3A, %dma_wait3A_61] : memref<2x10000x128xf32, #tpu.memory_space<hbm>> -> memref<1x16x128xf32, #tpu.memory_space<hbm>>
        %dma_wait3A_63 = tpu.memref_squeeze %dma_wait3A_62 : memref<1x16x128xf32, #tpu.memory_space<hbm>> -> memref<16x128xf32, #tpu.memory_space<hbm>>
        %dma_wait3A_64 = arith.constant 9984 : i32
        %dma_wait3A_65 = arith.constant 0 : i32
        %dma_wait3A_66 = tpu.memref_slice %arg8[%dma_wait3A_64, %dma_wait3A_65] : memref<10000x128xf32, #tpu.memory_space<vmem_shared>> -> memref<16x128xf32, #tpu.memory_space<vmem_shared>>
        tpu.wait_dma2 semaphore(%run_scoped3A : memref<!tpu.dma_semaphore, #tpu.memory_space<semaphore_mem>>) src(%dma_wait3A_66 : memref<16x128xf32, #tpu.memory_space<vmem_shared>>) dst(%dma_wait3A_63 : memref<16x128xf32, #tpu.memory_space<hbm>>)
        tpu.yield
      }) : () -> ()
    } else {
    }
    %mul3A_26 = arith.constant 624 : i32
    %mul3A_27 = arith.muli %arg1, %mul3A_26 : i32
    "tpu.region"() ({
      %run_scoped3A = tpu.sem_alloc : memref<!tpu.dma_semaphore, #tpu.memory_space<semaphore_mem>>
      %dma_start3A = arith.constant 0 : i32
      %dma_start3A_55 = tpu.memref_slice %arg8[%mul3A_27, %dma_start3A] : memref<10000x128xf32, #tpu.memory_space<vmem_shared>> -> memref<624x128xf32, #tpu.memory_space<vmem_shared>>
      tpu.enqueue_dma source(%arg4 : memref<624x128xf32, #tpu.memory_space<hbm>>) target(%dma_start3A_55 : memref<624x128xf32, #tpu.memory_space<vmem_shared>>) target_semaphore(%run_scoped3A : memref<!tpu.dma_semaphore, #tpu.memory_space<semaphore_mem>>)
      %dma_wait3A = arith.constant 0 : i32
      %dma_wait3A_56 = tpu.memref_slice %arg8[%mul3A_27, %dma_wait3A] : memref<10000x128xf32, #tpu.memory_space<vmem_shared>> -> memref<624x128xf32, #tpu.memory_space<vmem_shared>>
      tpu.wait_dma2 semaphore(%run_scoped3A : memref<!tpu.dma_semaphore, #tpu.memory_space<semaphore_mem>>) src(%arg4 : memref<624x128xf32, #tpu.memory_space<hbm>>) dst(%dma_wait3A_56 : memref<624x128xf32, #tpu.memory_space<vmem_shared>>)
      tpu.yield
    }) : () -> ()
    %eq3A_28 = arith.constant 15 : i32
    %eq3A_29 = arith.cmpi eq, %arg1, %eq3A_28 : i32
    %convert_element_type3A_30 = arith.extui %eq3A_29 : i1 to i32
    %cond3A_31 = arith.constant 0 : i32
    %cond3A_32 = arith.cmpi ne, %convert_element_type3A_30, %cond3A_31 : i32
    scf.if %cond3A_32 {
      "tpu.region"() ({
        %run_scoped3A = tpu.sem_alloc : memref<!tpu.dma_semaphore, #tpu.memory_space<semaphore_mem>>
        %dma_start3A = arith.constant 9984 : i32
        %dma_start3A_55 = arith.constant 0 : i32
        %dma_start3A_56 = tpu.memref_slice %arg8[%dma_start3A, %dma_start3A_55] : memref<10000x128xf32, #tpu.memory_space<vmem_shared>> -> memref<16x128xf32, #tpu.memory_space<vmem_shared>>
        %dma_start3A_57 = arith.constant 0 : i32
        %dma_start3A_58 = arith.constant 0 : i32
        %dma_start3A_59 = tpu.memref_slice %arg4[%dma_start3A_57, %dma_start3A_58] : memref<624x128xf32, #tpu.memory_space<hbm>> -> memref<16x128xf32, #tpu.memory_space<hbm>>
        tpu.enqueue_dma source(%dma_start3A_59 : memref<16x128xf32, #tpu.memory_space<hbm>>) target(%dma_start3A_56 : memref<16x128xf32, #tpu.memory_space<vmem_shared>>) target_semaphore(%run_scoped3A : memref<!tpu.dma_semaphore, #tpu.memory_space<semaphore_mem>>)
        %dma_wait3A = arith.constant 9984 : i32
        %dma_wait3A_60 = arith.constant 0 : i32
        %dma_wait3A_61 = tpu.memref_slice %arg8[%dma_wait3A, %dma_wait3A_60] : memref<10000x128xf32, #tpu.memory_space<vmem_shared>> -> memref<16x128xf32, #tpu.memory_space<vmem_shared>>
        %dma_wait3A_62 = arith.constant 0 : i32
        %dma_wait3A_63 = arith.constant 0 : i32
        %dma_wait3A_64 = tpu.memref_slice %arg4[%dma_wait3A_62, %dma_wait3A_63] : memref<624x128xf32, #tpu.memory_space<hbm>> -> memref<16x128xf32, #tpu.memory_space<hbm>>
        tpu.wait_dma2 semaphore(%run_scoped3A : memref<!tpu.dma_semaphore, #tpu.memory_space<semaphore_mem>>) src(%dma_wait3A_64 : memref<16x128xf32, #tpu.memory_space<hbm>>) dst(%dma_wait3A_61 : memref<16x128xf32, #tpu.memory_space<vmem_shared>>)
        tpu.yield
      }) : () -> ()
    } else {
    }
    %barrier3A_33 = arith.constant 0 : index
    tpu.barrier barrier_id(%barrier3A_33)
    %scan3A_34 = arith.constant 0 : i32
    %scan3A_35 = arith.constant 0 : i32
    %scan3A_36 = arith.constant 26 : i32
    %scan3A_37 = arith.addi %scan3A_35, %scan3A_36 : i32
    %scan3A_38 = arith.constant 1 : i32
    scf.for %scan3A_55 = %scan3A_35 to %scan3A_37 step %scan3A_38  : i32 {
      %mul3A_56 = arith.constant 3 : i32
      %mul3A_57 = arith.muli %mul3A_56, %scan3A_55 : i32
      %add3A_58 = arith.addi %add3A, %mul3A_57 : i32
      %mul3A_59 = arith.constant 128 : i32
      %mul3A_60 = arith.muli %add3A_58, %mul3A_59 : i32
      %run_scoped3A = arith.constant 0 : i32
      "tpu.region"() ({
        %run_scoped3A_86 = tpu.sem_alloc : memref<!tpu.dma_semaphore, #tpu.memory_space<semaphore_mem>>
        %dma_start3A_87 = tpu.memref_slice %arg3[%run_scoped3A, %mul3A_60] : memref<2x320000xi32, #tpu.memory_space<hbm>> -> memref<1x128xi32, #tpu.memory_space<hbm>>
        %dma_start3A_88 = tpu.memref_squeeze %dma_start3A_87 : memref<1x128xi32, #tpu.memory_space<hbm>> -> memref<128xi32, #tpu.memory_space<hbm>>
        %dma_start3A_89 = tpu.memref_slice %arg3[%run_scoped3A, %mul3A_60] : memref<2x320000xi32, #tpu.memory_space<hbm>> -> memref<1x128xi32, #tpu.memory_space<hbm>>
        %dma_start3A_90 = tpu.memref_squeeze %dma_start3A_89 : memref<1x128xi32, #tpu.memory_space<hbm>> -> memref<128xi32, #tpu.memory_space<hbm>>
        tpu.enqueue_dma source(%dma_start3A_90 : memref<128xi32, #tpu.memory_space<hbm>>) target(%arg9 : memref<128xi32, #tpu.memory_space<vmem>>) target_semaphore(%run_scoped3A_86 : memref<!tpu.dma_semaphore, #tpu.memory_space<semaphore_mem>>)
        %dma_wait3A_91 = tpu.memref_slice %arg3[%run_scoped3A, %mul3A_60] : memref<2x320000xi32, #tpu.memory_space<hbm>> -> memref<1x128xi32, #tpu.memory_space<hbm>>
        %dma_wait3A_92 = tpu.memref_squeeze %dma_wait3A_91 : memref<1x128xi32, #tpu.memory_space<hbm>> -> memref<128xi32, #tpu.memory_space<hbm>>
        %dma_wait3A_93 = tpu.memref_slice %arg3[%run_scoped3A, %mul3A_60] : memref<2x320000xi32, #tpu.memory_space<hbm>> -> memref<1x128xi32, #tpu.memory_space<hbm>>
        %dma_wait3A_94 = tpu.memref_squeeze %dma_wait3A_93 : memref<1x128xi32, #tpu.memory_space<hbm>> -> memref<128xi32, #tpu.memory_space<hbm>>
        tpu.wait_dma2 semaphore(%run_scoped3A_86 : memref<!tpu.dma_semaphore, #tpu.memory_space<semaphore_mem>>) src(%dma_wait3A_94 : memref<128xi32, #tpu.memory_space<hbm>>) dst(%arg9 : memref<128xi32, #tpu.memory_space<vmem>>)
        tpu.yield
      }) : () -> ()
      %run_scoped3A_61 = arith.constant 1 : i32
      "tpu.region"() ({
        %run_scoped3A_86 = tpu.sem_alloc : memref<!tpu.dma_semaphore, #tpu.memory_space<semaphore_mem>>
        %dma_start3A_87 = tpu.memref_slice %arg3[%run_scoped3A_61, %mul3A_60] : memref<2x320000xi32, #tpu.memory_space<hbm>> -> memref<1x128xi32, #tpu.memory_space<hbm>>
        %dma_start3A_88 = tpu.memref_squeeze %dma_start3A_87 : memref<1x128xi32, #tpu.memory_space<hbm>> -> memref<128xi32, #tpu.memory_space<hbm>>
        %dma_start3A_89 = tpu.memref_slice %arg3[%run_scoped3A_61, %mul3A_60] : memref<2x320000xi32, #tpu.memory_space<hbm>> -> memref<1x128xi32, #tpu.memory_space<hbm>>
        %dma_start3A_90 = tpu.memref_squeeze %dma_start3A_89 : memref<1x128xi32, #tpu.memory_space<hbm>> -> memref<128xi32, #tpu.memory_space<hbm>>
        tpu.enqueue_dma source(%dma_start3A_90 : memref<128xi32, #tpu.memory_space<hbm>>) target(%arg10 : memref<128xi32, #tpu.memory_space<vmem>>) target_semaphore(%run_scoped3A_86 : memref<!tpu.dma_semaphore, #tpu.memory_space<semaphore_mem>>)
        %dma_wait3A_91 = tpu.memref_slice %arg3[%run_scoped3A_61, %mul3A_60] : memref<2x320000xi32, #tpu.memory_space<hbm>> -> memref<1x128xi32, #tpu.memory_space<hbm>>
        %dma_wait3A_92 = tpu.memref_squeeze %dma_wait3A_91 : memref<1x128xi32, #tpu.memory_space<hbm>> -> memref<128xi32, #tpu.memory_space<hbm>>
        %dma_wait3A_93 = tpu.memref_slice %arg3[%run_scoped3A_61, %mul3A_60] : memref<2x320000xi32, #tpu.memory_space<hbm>> -> memref<1x128xi32, #tpu.memory_space<hbm>>
        %dma_wait3A_94 = tpu.memref_squeeze %dma_wait3A_93 : memref<1x128xi32, #tpu.memory_space<hbm>> -> memref<128xi32, #tpu.memory_space<hbm>>
        tpu.wait_dma2 semaphore(%run_scoped3A_86 : memref<!tpu.dma_semaphore, #tpu.memory_space<semaphore_mem>>) src(%dma_wait3A_94 : memref<128xi32, #tpu.memory_space<hbm>>) dst(%arg10 : memref<128xi32, #tpu.memory_space<vmem>>)
        tpu.yield
      }) : () -> ()
      %dma_start3A = arith.constant 0 : i32
      %dma_start3A_62 = arith.constant 0 : i32
      %dma_start3A_63 = tpu.memref_slice %arg2[%dma_start3A, %dma_start3A_62] : memref<10000x128xf32, #tpu.memory_space<hbm>> -> memref<10000x128xf32, #tpu.memory_space<hbm>>
      tpu.enqueue_indirect_dma source(%dma_start3A_63 : memref<10000x128xf32, #tpu.memory_space<hbm>>) target(%arg11 : memref<128x128xf32, #tpu.memory_space<vmem>>) offsets(%arg9 : memref<128xi32, #tpu.memory_space<vmem>>) semaphore(%arg18 : memref<!tpu.dma_semaphore, #tpu.memory_space<semaphore_mem>>)
      %add3A_64 = arith.constant 128 : i32
      %add3A_65 = arith.addi %mul3A_60, %add3A_64 : i32
      %run_scoped3A_66 = arith.constant 0 : i32
      "tpu.region"() ({
        %run_scoped3A_86 = tpu.sem_alloc : memref<!tpu.dma_semaphore, #tpu.memory_space<semaphore_mem>>
        %dma_start3A_87 = tpu.memref_slice %arg3[%run_scoped3A_66, %add3A_65] : memref<2x320000xi32, #tpu.memory_space<hbm>> -> memref<1x128xi32, #tpu.memory_space<hbm>>
        %dma_start3A_88 = tpu.memref_squeeze %dma_start3A_87 : memref<1x128xi32, #tpu.memory_space<hbm>> -> memref<128xi32, #tpu.memory_space<hbm>>
        %dma_start3A_89 = tpu.memref_slice %arg3[%run_scoped3A_66, %add3A_65] : memref<2x320000xi32, #tpu.memory_space<hbm>> -> memref<1x128xi32, #tpu.memory_space<hbm>>
        %dma_start3A_90 = tpu.memref_squeeze %dma_start3A_89 : memref<1x128xi32, #tpu.memory_space<hbm>> -> memref<128xi32, #tpu.memory_space<hbm>>
        tpu.enqueue_dma source(%dma_start3A_90 : memref<128xi32, #tpu.memory_space<hbm>>) target(%arg12 : memref<128xi32, #tpu.memory_space<vmem>>) target_semaphore(%run_scoped3A_86 : memref<!tpu.dma_semaphore, #tpu.memory_space<semaphore_mem>>)
        %dma_wait3A_91 = tpu.memref_slice %arg3[%run_scoped3A_66, %add3A_65] : memref<2x320000xi32, #tpu.memory_space<hbm>> -> memref<1x128xi32, #tpu.memory_space<hbm>>
        %dma_wait3A_92 = tpu.memref_squeeze %dma_wait3A_91 : memref<1x128xi32, #tpu.memory_space<hbm>> -> memref<128xi32, #tpu.memory_space<hbm>>
        %dma_wait3A_93 = tpu.memref_slice %arg3[%run_scoped3A_66, %add3A_65] : memref<2x320000xi32, #tpu.memory_space<hbm>> -> memref<1x128xi32, #tpu.memory_space<hbm>>
        %dma_wait3A_94 = tpu.memref_squeeze %dma_wait3A_93 : memref<1x128xi32, #tpu.memory_space<hbm>> -> memref<128xi32, #tpu.memory_space<hbm>>
        tpu.wait_dma2 semaphore(%run_scoped3A_86 : memref<!tpu.dma_semaphore, #tpu.memory_space<semaphore_mem>>) src(%dma_wait3A_94 : memref<128xi32, #tpu.memory_space<hbm>>) dst(%arg12 : memref<128xi32, #tpu.memory_space<vmem>>)
        tpu.yield
      }) : () -> ()
      %run_scoped3A_67 = arith.constant 1 : i32
      "tpu.region"() ({
        %run_scoped3A_86 = tpu.sem_alloc : memref<!tpu.dma_semaphore, #tpu.memory_space<semaphore_mem>>
        %dma_start3A_87 = tpu.memref_slice %arg3[%run_scoped3A_67, %add3A_65] : memref<2x320000xi32, #tpu.memory_space<hbm>> -> memref<1x128xi32, #tpu.memory_space<hbm>>
        %dma_start3A_88 = tpu.memref_squeeze %dma_start3A_87 : memref<1x128xi32, #tpu.memory_space<hbm>> -> memref<128xi32, #tpu.memory_space<hbm>>
        %dma_start3A_89 = tpu.memref_slice %arg3[%run_scoped3A_67, %add3A_65] : memref<2x320000xi32, #tpu.memory_space<hbm>> -> memref<1x128xi32, #tpu.memory_space<hbm>>
        %dma_start3A_90 = tpu.memref_squeeze %dma_start3A_89 : memref<1x128xi32, #tpu.memory_space<hbm>> -> memref<128xi32, #tpu.memory_space<hbm>>
        tpu.enqueue_dma source(%dma_start3A_90 : memref<128xi32, #tpu.memory_space<hbm>>) target(%arg13 : memref<128xi32, #tpu.memory_space<vmem>>) target_semaphore(%run_scoped3A_86 : memref<!tpu.dma_semaphore, #tpu.memory_space<semaphore_mem>>)
        %dma_wait3A_91 = tpu.memref_slice %arg3[%run_scoped3A_67, %add3A_65] : memref<2x320000xi32, #tpu.memory_space<hbm>> -> memref<1x128xi32, #tpu.memory_space<hbm>>
        %dma_wait3A_92 = tpu.memref_squeeze %dma_wait3A_91 : memref<1x128xi32, #tpu.memory_space<hbm>> -> memref<128xi32, #tpu.memory_space<hbm>>
        %dma_wait3A_93 = tpu.memref_slice %arg3[%run_scoped3A_67, %add3A_65] : memref<2x320000xi32, #tpu.memory_space<hbm>> -> memref<1x128xi32, #tpu.memory_space<hbm>>
        %dma_wait3A_94 = tpu.memref_squeeze %dma_wait3A_93 : memref<1x128xi32, #tpu.memory_space<hbm>> -> memref<128xi32, #tpu.memory_space<hbm>>
        tpu.wait_dma2 semaphore(%run_scoped3A_86 : memref<!tpu.dma_semaphore, #tpu.memory_space<semaphore_mem>>) src(%dma_wait3A_94 : memref<128xi32, #tpu.memory_space<hbm>>) dst(%arg13 : memref<128xi32, #tpu.memory_space<vmem>>)
        tpu.yield
      }) : () -> ()
      %dma_start3A_68 = arith.constant 0 : i32
      %dma_start3A_69 = arith.constant 0 : i32
      %dma_start3A_70 = tpu.memref_slice %arg2[%dma_start3A_68, %dma_start3A_69] : memref<10000x128xf32, #tpu.memory_space<hbm>> -> memref<10000x128xf32, #tpu.memory_space<hbm>>
      tpu.enqueue_indirect_dma source(%dma_start3A_70 : memref<10000x128xf32, #tpu.memory_space<hbm>>) target(%arg14 : memref<128x128xf32, #tpu.memory_space<vmem>>) offsets(%arg12 : memref<128xi32, #tpu.memory_space<vmem>>) semaphore(%arg19 : memref<!tpu.dma_semaphore, #tpu.memory_space<semaphore_mem>>)
      %add3A_71 = arith.constant 256 : i32
      %add3A_72 = arith.addi %mul3A_60, %add3A_71 : i32
      %run_scoped3A_73 = arith.constant 0 : i32
      "tpu.region"() ({
        %run_scoped3A_86 = tpu.sem_alloc : memref<!tpu.dma_semaphore, #tpu.memory_space<semaphore_mem>>
        %dma_start3A_87 = tpu.memref_slice %arg3[%run_scoped3A_73, %add3A_72] : memref<2x320000xi32, #tpu.memory_space<hbm>> -> memref<1x128xi32, #tpu.memory_space<hbm>>
        %dma_start3A_88 = tpu.memref_squeeze %dma_start3A_87 : memref<1x128xi32, #tpu.memory_space<hbm>> -> memref<128xi32, #tpu.memory_space<hbm>>
        %dma_start3A_89 = tpu.memref_slice %arg3[%run_scoped3A_73, %add3A_72] : memref<2x320000xi32, #tpu.memory_space<hbm>> -> memref<1x128xi32, #tpu.memory_space<hbm>>
        %dma_start3A_90 = tpu.memref_squeeze %dma_start3A_89 : memref<1x128xi32, #tpu.memory_space<hbm>> -> memref<128xi32, #tpu.memory_space<hbm>>
        tpu.enqueue_dma source(%dma_start3A_90 : memref<128xi32, #tpu.memory_space<hbm>>) target(%arg15 : memref<128xi32, #tpu.memory_space<vmem>>) target_semaphore(%run_scoped3A_86 : memref<!tpu.dma_semaphore, #tpu.memory_space<semaphore_mem>>)
        %dma_wait3A_91 = tpu.memref_slice %arg3[%run_scoped3A_73, %add3A_72] : memref<2x320000xi32, #tpu.memory_space<hbm>> -> memref<1x128xi32, #tpu.memory_space<hbm>>
        %dma_wait3A_92 = tpu.memref_squeeze %dma_wait3A_91 : memref<1x128xi32, #tpu.memory_space<hbm>> -> memref<128xi32, #tpu.memory_space<hbm>>
        %dma_wait3A_93 = tpu.memref_slice %arg3[%run_scoped3A_73, %add3A_72] : memref<2x320000xi32, #tpu.memory_space<hbm>> -> memref<1x128xi32, #tpu.memory_space<hbm>>
        %dma_wait3A_94 = tpu.memref_squeeze %dma_wait3A_93 : memref<1x128xi32, #tpu.memory_space<hbm>> -> memref<128xi32, #tpu.memory_space<hbm>>
        tpu.wait_dma2 semaphore(%run_scoped3A_86 : memref<!tpu.dma_semaphore, #tpu.memory_space<semaphore_mem>>) src(%dma_wait3A_94 : memref<128xi32, #tpu.memory_space<hbm>>) dst(%arg15 : memref<128xi32, #tpu.memory_space<vmem>>)
        tpu.yield
      }) : () -> ()
      %run_scoped3A_74 = arith.constant 1 : i32
      "tpu.region"() ({
        %run_scoped3A_86 = tpu.sem_alloc : memref<!tpu.dma_semaphore, #tpu.memory_space<semaphore_mem>>
        %dma_start3A_87 = tpu.memref_slice %arg3[%run_scoped3A_74, %add3A_72] : memref<2x320000xi32, #tpu.memory_space<hbm>> -> memref<1x128xi32, #tpu.memory_space<hbm>>
        %dma_start3A_88 = tpu.memref_squeeze %dma_start3A_87 : memref<1x128xi32, #tpu.memory_space<hbm>> -> memref<128xi32, #tpu.memory_space<hbm>>
        %dma_start3A_89 = tpu.memref_slice %arg3[%run_scoped3A_74, %add3A_72] : memref<2x320000xi32, #tpu.memory_space<hbm>> -> memref<1x128xi32, #tpu.memory_space<hbm>>
        %dma_start3A_90 = tpu.memref_squeeze %dma_start3A_89 : memref<1x128xi32, #tpu.memory_space<hbm>> -> memref<128xi32, #tpu.memory_space<hbm>>
        tpu.enqueue_dma source(%dma_start3A_90 : memref<128xi32, #tpu.memory_space<hbm>>) target(%arg16 : memref<128xi32, #tpu.memory_space<vmem>>) target_semaphore(%run_scoped3A_86 : memref<!tpu.dma_semaphore, #tpu.memory_space<semaphore_mem>>)
        %dma_wait3A_91 = tpu.memref_slice %arg3[%run_scoped3A_74, %add3A_72] : memref<2x320000xi32, #tpu.memory_space<hbm>> -> memref<1x128xi32, #tpu.memory_space<hbm>>
        %dma_wait3A_92 = tpu.memref_squeeze %dma_wait3A_91 : memref<1x128xi32, #tpu.memory_space<hbm>> -> memref<128xi32, #tpu.memory_space<hbm>>
        %dma_wait3A_93 = tpu.memref_slice %arg3[%run_scoped3A_74, %add3A_72] : memref<2x320000xi32, #tpu.memory_space<hbm>> -> memref<1x128xi32, #tpu.memory_space<hbm>>
        %dma_wait3A_94 = tpu.memref_squeeze %dma_wait3A_93 : memref<1x128xi32, #tpu.memory_space<hbm>> -> memref<128xi32, #tpu.memory_space<hbm>>
        tpu.wait_dma2 semaphore(%run_scoped3A_86 : memref<!tpu.dma_semaphore, #tpu.memory_space<semaphore_mem>>) src(%dma_wait3A_94 : memref<128xi32, #tpu.memory_space<hbm>>) dst(%arg16 : memref<128xi32, #tpu.memory_space<vmem>>)
        tpu.yield
      }) : () -> ()
      %dma_start3A_75 = arith.constant 0 : i32
      %dma_start3A_76 = arith.constant 0 : i32
      %dma_start3A_77 = tpu.memref_slice %arg2[%dma_start3A_75, %dma_start3A_76] : memref<10000x128xf32, #tpu.memory_space<hbm>> -> memref<10000x128xf32, #tpu.memory_space<hbm>>
      tpu.enqueue_indirect_dma source(%dma_start3A_77 : memref<10000x128xf32, #tpu.memory_space<hbm>>) target(%arg17 : memref<128x128xf32, #tpu.memory_space<vmem>>) offsets(%arg15 : memref<128xi32, #tpu.memory_space<vmem>>) semaphore(%arg20 : memref<!tpu.dma_semaphore, #tpu.memory_space<semaphore_mem>>)
      %dma_wait3A = arith.constant 0 : i32
      %dma_wait3A_78 = arith.constant 0 : i32
      %dma_wait3A_79 = tpu.memref_slice %arg2[%dma_wait3A, %dma_wait3A_78] : memref<10000x128xf32, #tpu.memory_space<hbm>> -> memref<10000x128xf32, #tpu.memory_space<hbm>>
      tpu.wait_indirect_dma semaphore(%arg18 : memref<!tpu.dma_semaphore, #tpu.memory_space<semaphore_mem>>) src(%dma_wait3A_79 : memref<10000x128xf32, #tpu.memory_space<hbm>>) dst(%arg11 : memref<128x128xf32, #tpu.memory_space<vmem>>)
      "tpu.region"() ({
        %run_scoped3A_86 = tpu.sem_alloc : memref<!tpu.dma_semaphore, #tpu.memory_space<semaphore_mem>>
        %dma_start3A_87 = arith.constant 0 : i32
        %dma_start3A_88 = arith.constant 0 : i32
        %dma_start3A_89 = tpu.memref_slice %arg8[%dma_start3A_87, %dma_start3A_88] : memref<10000x128xf32, #tpu.memory_space<vmem_shared>> -> memref<10000x128xf32, #tpu.memory_space<vmem_shared>>
        tpu.enqueue_indirect_dma source(%arg11 : memref<128x128xf32, #tpu.memory_space<vmem>>) target(%dma_start3A_89 : memref<10000x128xf32, #tpu.memory_space<vmem_shared>>) offsets(%arg10 : memref<128xi32, #tpu.memory_space<vmem>>) semaphore(%run_scoped3A_86 : memref<!tpu.dma_semaphore, #tpu.memory_space<semaphore_mem>>) {add = true}
        %dma_wait3A_90 = arith.constant 0 : i32
        %dma_wait3A_91 = arith.constant 0 : i32
        %dma_wait3A_92 = tpu.memref_slice %arg8[%dma_wait3A_90, %dma_wait3A_91] : memref<10000x128xf32, #tpu.memory_space<vmem_shared>> -> memref<10000x128xf32, #tpu.memory_space<vmem_shared>>
        tpu.wait_indirect_dma semaphore(%run_scoped3A_86 : memref<!tpu.dma_semaphore, #tpu.memory_space<semaphore_mem>>) src(%arg11 : memref<128x128xf32, #tpu.memory_space<vmem>>) dst(%dma_wait3A_92 : memref<10000x128xf32, #tpu.memory_space<vmem_shared>>)
        tpu.yield
      }) : () -> ()
      %dma_wait3A_80 = arith.constant 0 : i32
      %dma_wait3A_81 = arith.constant 0 : i32
      %dma_wait3A_82 = tpu.memref_slice %arg2[%dma_wait3A_80, %dma_wait3A_81] : memref<10000x128xf32, #tpu.memory_space<hbm>> -> memref<10000x128xf32, #tpu.memory_space<hbm>>
      tpu.wait_indirect_dma semaphore(%arg19 : memref<!tpu.dma_semaphore, #tpu.memory_space<semaphore_mem>>) src(%dma_wait3A_82 : memref<10000x128xf32, #tpu.memory_space<hbm>>) dst(%arg14 : memref<128x128xf32, #tpu.memory_space<vmem>>)
      "tpu.region"() ({
        %run_scoped3A_86 = tpu.sem_alloc : memref<!tpu.dma_semaphore, #tpu.memory_space<semaphore_mem>>
        %dma_start3A_87 = arith.constant 0 : i32
        %dma_start3A_88 = arith.constant 0 : i32
        %dma_start3A_89 = tpu.memref_slice %arg8[%dma_start3A_87, %dma_start3A_88] : memref<10000x128xf32, #tpu.memory_space<vmem_shared>> -> memref<10000x128xf32, #tpu.memory_space<vmem_shared>>
        tpu.enqueue_indirect_dma source(%arg14 : memref<128x128xf32, #tpu.memory_space<vmem>>) target(%dma_start3A_89 : memref<10000x128xf32, #tpu.memory_space<vmem_shared>>) offsets(%arg13 : memref<128xi32, #tpu.memory_space<vmem>>) semaphore(%run_scoped3A_86 : memref<!tpu.dma_semaphore, #tpu.memory_space<semaphore_mem>>) {add = true}
        %dma_wait3A_90 = arith.constant 0 : i32
        %dma_wait3A_91 = arith.constant 0 : i32
        %dma_wait3A_92 = tpu.memref_slice %arg8[%dma_wait3A_90, %dma_wait3A_91] : memref<10000x128xf32, #tpu.memory_space<vmem_shared>> -> memref<10000x128xf32, #tpu.memory_space<vmem_shared>>
        tpu.wait_indirect_dma semaphore(%run_scoped3A_86 : memref<!tpu.dma_semaphore, #tpu.memory_space<semaphore_mem>>) src(%arg14 : memref<128x128xf32, #tpu.memory_space<vmem>>) dst(%dma_wait3A_92 : memref<10000x128xf32, #tpu.memory_space<vmem_shared>>)
        tpu.yield
      }) : () -> ()
      %dma_wait3A_83 = arith.constant 0 : i32
      %dma_wait3A_84 = arith.constant 0 : i32
      %dma_wait3A_85 = tpu.memref_slice %arg2[%dma_wait3A_83, %dma_wait3A_84] : memref<10000x128xf32, #tpu.memory_space<hbm>> -> memref<10000x128xf32, #tpu.memory_space<hbm>>
      tpu.wait_indirect_dma semaphore(%arg20 : memref<!tpu.dma_semaphore, #tpu.memory_space<semaphore_mem>>) src(%dma_wait3A_85 : memref<10000x128xf32, #tpu.memory_space<hbm>>) dst(%arg17 : memref<128x128xf32, #tpu.memory_space<vmem>>)
      "tpu.region"() ({
        %run_scoped3A_86 = tpu.sem_alloc : memref<!tpu.dma_semaphore, #tpu.memory_space<semaphore_mem>>
        %dma_start3A_87 = arith.constant 0 : i32
        %dma_start3A_88 = arith.constant 0 : i32
        %dma_start3A_89 = tpu.memref_slice %arg8[%dma_start3A_87, %dma_start3A_88] : memref<10000x128xf32, #tpu.memory_space<vmem_shared>> -> memref<10000x128xf32, #tpu.memory_space<vmem_shared>>
        tpu.enqueue_indirect_dma source(%arg17 : memref<128x128xf32, #tpu.memory_space<vmem>>) target(%dma_start3A_89 : memref<10000x128xf32, #tpu.memory_space<vmem_shared>>) offsets(%arg16 : memref<128xi32, #tpu.memory_space<vmem>>) semaphore(%run_scoped3A_86 : memref<!tpu.dma_semaphore, #tpu.memory_space<semaphore_mem>>) {add = true}
        %dma_wait3A_90 = arith.constant 0 : i32
        %dma_wait3A_91 = arith.constant 0 : i32
        %dma_wait3A_92 = tpu.memref_slice %arg8[%dma_wait3A_90, %dma_wait3A_91] : memref<10000x128xf32, #tpu.memory_space<vmem_shared>> -> memref<10000x128xf32, #tpu.memory_space<vmem_shared>>
        tpu.wait_indirect_dma semaphore(%run_scoped3A_86 : memref<!tpu.dma_semaphore, #tpu.memory_space<semaphore_mem>>) src(%arg17 : memref<128x128xf32, #tpu.memory_space<vmem>>) dst(%dma_wait3A_92 : memref<10000x128xf32, #tpu.memory_space<vmem_shared>>)
        tpu.yield
      }) : () -> ()
    }
    %scan3A_39 = arith.constant 26 : i32
    %lt3A_40 = arith.constant 2 : i32
    %lt3A_41 = arith.cmpi slt, %arg1, %lt3A_40 : i32
    %convert_element_type3A_42 = arith.extui %lt3A_41 : i1 to i32
    %cond3A_43 = arith.constant 0 : i32
    %cond3A_44 = arith.cmpi ne, %convert_element_type3A_42, %cond3A_43 : i32
    scf.if %cond3A_44 {
      %mul3A_55 = arith.constant 1250 : i32
      %mul3A_56 = arith.muli %arg0, %mul3A_55 : i32
      %add3A_57 = arith.constant 1248 : i32
      %add3A_58 = arith.addi %mul3A_56, %add3A_57 : i32
      %add3A_59 = arith.addi %add3A_58, %arg1 : i32
      %mul3A_60 = arith.constant 128 : i32
      %mul3A_61 = arith.muli %add3A_59, %mul3A_60 : i32
      %run_scoped3A = arith.constant 0 : i32
      "tpu.region"() ({
        %run_scoped3A_67 = tpu.sem_alloc : memref<!tpu.dma_semaphore, #tpu.memory_space<semaphore_mem>>
        %dma_start3A_68 = tpu.memref_slice %arg3[%run_scoped3A, %mul3A_61] : memref<2x320000xi32, #tpu.memory_space<hbm>> -> memref<1x128xi32, #tpu.memory_space<hbm>>
        %dma_start3A_69 = tpu.memref_squeeze %dma_start3A_68 : memref<1x128xi32, #tpu.memory_space<hbm>> -> memref<128xi32, #tpu.memory_space<hbm>>
        %dma_start3A_70 = tpu.memref_slice %arg3[%run_scoped3A, %mul3A_61] : memref<2x320000xi32, #tpu.memory_space<hbm>> -> memref<1x128xi32, #tpu.memory_space<hbm>>
        %dma_start3A_71 = tpu.memref_squeeze %dma_start3A_70 : memref<1x128xi32, #tpu.memory_space<hbm>> -> memref<128xi32, #tpu.memory_space<hbm>>
        tpu.enqueue_dma source(%dma_start3A_71 : memref<128xi32, #tpu.memory_space<hbm>>) target(%arg9 : memref<128xi32, #tpu.memory_space<vmem>>) target_semaphore(%run_scoped3A_67 : memref<!tpu.dma_semaphore, #tpu.memory_space<semaphore_mem>>)
        %dma_wait3A_72 = tpu.memref_slice %arg3[%run_scoped3A, %mul3A_61] : memref<2x320000xi32, #tpu.memory_space<hbm>> -> memref<1x128xi32, #tpu.memory_space<hbm>>
        %dma_wait3A_73 = tpu.memref_squeeze %dma_wait3A_72 : memref<1x128xi32, #tpu.memory_space<hbm>> -> memref<128xi32, #tpu.memory_space<hbm>>
        %dma_wait3A_74 = tpu.memref_slice %arg3[%run_scoped3A, %mul3A_61] : memref<2x320000xi32, #tpu.memory_space<hbm>> -> memref<1x128xi32, #tpu.memory_space<hbm>>
        %dma_wait3A_75 = tpu.memref_squeeze %dma_wait3A_74 : memref<1x128xi32, #tpu.memory_space<hbm>> -> memref<128xi32, #tpu.memory_space<hbm>>
        tpu.wait_dma2 semaphore(%run_scoped3A_67 : memref<!tpu.dma_semaphore, #tpu.memory_space<semaphore_mem>>) src(%dma_wait3A_75 : memref<128xi32, #tpu.memory_space<hbm>>) dst(%arg9 : memref<128xi32, #tpu.memory_space<vmem>>)
        tpu.yield
      }) : () -> ()
      %run_scoped3A_62 = arith.constant 1 : i32
      "tpu.region"() ({
        %run_scoped3A_67 = tpu.sem_alloc : memref<!tpu.dma_semaphore, #tpu.memory_space<semaphore_mem>>
        %dma_start3A_68 = tpu.memref_slice %arg3[%run_scoped3A_62, %mul3A_61] : memref<2x320000xi32, #tpu.memory_space<hbm>> -> memref<1x128xi32, #tpu.memory_space<hbm>>
        %dma_start3A_69 = tpu.memref_squeeze %dma_start3A_68 : memref<1x128xi32, #tpu.memory_space<hbm>> -> memref<128xi32, #tpu.memory_space<hbm>>
        %dma_start3A_70 = tpu.memref_slice %arg3[%run_scoped3A_62, %mul3A_61] : memref<2x320000xi32, #tpu.memory_space<hbm>> -> memref<1x128xi32, #tpu.memory_space<hbm>>
        %dma_start3A_71 = tpu.memref_squeeze %dma_start3A_70 : memref<1x128xi32, #tpu.memory_space<hbm>> -> memref<128xi32, #tpu.memory_space<hbm>>
        tpu.enqueue_dma source(%dma_start3A_71 : memref<128xi32, #tpu.memory_space<hbm>>) target(%arg10 : memref<128xi32, #tpu.memory_space<vmem>>) target_semaphore(%run_scoped3A_67 : memref<!tpu.dma_semaphore, #tpu.memory_space<semaphore_mem>>)
        %dma_wait3A_72 = tpu.memref_slice %arg3[%run_scoped3A_62, %mul3A_61] : memref<2x320000xi32, #tpu.memory_space<hbm>> -> memref<1x128xi32, #tpu.memory_space<hbm>>
        %dma_wait3A_73 = tpu.memref_squeeze %dma_wait3A_72 : memref<1x128xi32, #tpu.memory_space<hbm>> -> memref<128xi32, #tpu.memory_space<hbm>>
        %dma_wait3A_74 = tpu.memref_slice %arg3[%run_scoped3A_62, %mul3A_61] : memref<2x320000xi32, #tpu.memory_space<hbm>> -> memref<1x128xi32, #tpu.memory_space<hbm>>
        %dma_wait3A_75 = tpu.memref_squeeze %dma_wait3A_74 : memref<1x128xi32, #tpu.memory_space<hbm>> -> memref<128xi32, #tpu.memory_space<hbm>>
        tpu.wait_dma2 semaphore(%run_scoped3A_67 : memref<!tpu.dma_semaphore, #tpu.memory_space<semaphore_mem>>) src(%dma_wait3A_75 : memref<128xi32, #tpu.memory_space<hbm>>) dst(%arg10 : memref<128xi32, #tpu.memory_space<vmem>>)
        tpu.yield
      }) : () -> ()
      %dma_start3A = arith.constant 0 : i32
      %dma_start3A_63 = arith.constant 0 : i32
      %dma_start3A_64 = tpu.memref_slice %arg2[%dma_start3A, %dma_start3A_63] : memref<10000x128xf32, #tpu.memory_space<hbm>> -> memref<10000x128xf32, #tpu.memory_space<hbm>>
      tpu.enqueue_indirect_dma source(%dma_start3A_64 : memref<10000x128xf32, #tpu.memory_space<hbm>>) target(%arg11 : memref<128x128xf32, #tpu.memory_space<vmem>>) offsets(%arg9 : memref<128xi32, #tpu.memory_space<vmem>>) semaphore(%arg18 : memref<!tpu.dma_semaphore, #tpu.memory_space<semaphore_mem>>)
      %dma_wait3A = arith.constant 0 : i32
      %dma_wait3A_65 = arith.constant 0 : i32
      %dma_wait3A_66 = tpu.memref_slice %arg2[%dma_wait3A, %dma_wait3A_65] : memref<10000x128xf32, #tpu.memory_space<hbm>> -> memref<10000x128xf32, #tpu.memory_space<hbm>>
      tpu.wait_indirect_dma semaphore(%arg18 : memref<!tpu.dma_semaphore, #tpu.memory_space<semaphore_mem>>) src(%dma_wait3A_66 : memref<10000x128xf32, #tpu.memory_space<hbm>>) dst(%arg11 : memref<128x128xf32, #tpu.memory_space<vmem>>)
      "tpu.region"() ({
        %run_scoped3A_67 = tpu.sem_alloc : memref<!tpu.dma_semaphore, #tpu.memory_space<semaphore_mem>>
        %dma_start3A_68 = arith.constant 0 : i32
        %dma_start3A_69 = arith.constant 0 : i32
        %dma_start3A_70 = tpu.memref_slice %arg8[%dma_start3A_68, %dma_start3A_69] : memref<10000x128xf32, #tpu.memory_space<vmem_shared>> -> memref<10000x128xf32, #tpu.memory_space<vmem_shared>>
        tpu.enqueue_indirect_dma source(%arg11 : memref<128x128xf32, #tpu.memory_space<vmem>>) target(%dma_start3A_70 : memref<10000x128xf32, #tpu.memory_space<vmem_shared>>) offsets(%arg10 : memref<128xi32, #tpu.memory_space<vmem>>) semaphore(%run_scoped3A_67 : memref<!tpu.dma_semaphore, #tpu.memory_space<semaphore_mem>>) {add = true}
        %dma_wait3A_71 = arith.constant 0 : i32
        %dma_wait3A_72 = arith.constant 0 : i32
        %dma_wait3A_73 = tpu.memref_slice %arg8[%dma_wait3A_71, %dma_wait3A_72] : memref<10000x128xf32, #tpu.memory_space<vmem_shared>> -> memref<10000x128xf32, #tpu.memory_space<vmem_shared>>
        tpu.wait_indirect_dma semaphore(%run_scoped3A_67 : memref<!tpu.dma_semaphore, #tpu.memory_space<semaphore_mem>>) src(%arg11 : memref<128x128xf32, #tpu.memory_space<vmem>>) dst(%dma_wait3A_73 : memref<10000x128xf32, #tpu.memory_space<vmem_shared>>)
        tpu.yield
      }) : () -> ()
    } else {
    }
    %barrier3A_45 = arith.constant 0 : index
    tpu.barrier barrier_id(%barrier3A_45)
    %mul3A_46 = arith.constant 624 : i32
    %mul3A_47 = arith.muli %arg1, %mul3A_46 : i32
    %mul3A_48 = arith.constant 624 : i32
    %mul3A_49 = arith.muli %arg1, %mul3A_48 : i32
    "tpu.region"() ({
      %run_scoped3A = tpu.sem_alloc : memref<!tpu.dma_semaphore, #tpu.memory_space<semaphore_mem>>
      %dma_start3A = arith.constant 0 : i32
      %dma_start3A_55 = tpu.memref_slice %arg6[%arg0, %mul3A_49, %dma_start3A] : memref<2x10000x128xf32, #tpu.memory_space<hbm>> -> memref<1x624x128xf32, #tpu.memory_space<hbm>>
      %dma_start3A_56 = tpu.memref_squeeze %dma_start3A_55 : memref<1x624x128xf32, #tpu.memory_space<hbm>> -> memref<624x128xf32, #tpu.memory_space<hbm>>
      %dma_start3A_57 = arith.constant 0 : i32
      %dma_start3A_58 = tpu.memref_slice %arg8[%mul3A_47, %dma_start3A_57] : memref<10000x128xf32, #tpu.memory_space<vmem_shared>> -> memref<624x128xf32, #tpu.memory_space<vmem_shared>>
      tpu.enqueue_dma source(%dma_start3A_58 : memref<624x128xf32, #tpu.memory_space<vmem_shared>>) target(%dma_start3A_56 : memref<624x128xf32, #tpu.memory_space<hbm>>) target_semaphore(%run_scoped3A : memref<!tpu.dma_semaphore, #tpu.memory_space<semaphore_mem>>)
      %dma_wait3A = arith.constant 0 : i32
      %dma_wait3A_59 = tpu.memref_slice %arg6[%arg0, %mul3A_49, %dma_wait3A] : memref<2x10000x128xf32, #tpu.memory_space<hbm>> -> memref<1x624x128xf32, #tpu.memory_space<hbm>>
      %dma_wait3A_60 = tpu.memref_squeeze %dma_wait3A_59 : memref<1x624x128xf32, #tpu.memory_space<hbm>> -> memref<624x128xf32, #tpu.memory_space<hbm>>
      %dma_wait3A_61 = arith.constant 0 : i32
      %dma_wait3A_62 = tpu.memref_slice %arg8[%mul3A_47, %dma_wait3A_61] : memref<10000x128xf32, #tpu.memory_space<vmem_shared>> -> memref<624x128xf32, #tpu.memory_space<vmem_shared>>
      tpu.wait_dma2 semaphore(%run_scoped3A : memref<!tpu.dma_semaphore, #tpu.memory_space<semaphore_mem>>) src(%dma_wait3A_62 : memref<624x128xf32, #tpu.memory_space<vmem_shared>>) dst(%dma_wait3A_60 : memref<624x128xf32, #tpu.memory_space<hbm>>)
      tpu.yield
    }) : () -> ()
    %eq3A_50 = arith.constant 15 : i32
    %eq3A_51 = arith.cmpi eq, %arg1, %eq3A_50 : i32
    %convert_element_type3A_52 = arith.extui %eq3A_51 : i1 to i32
    %cond3A_53 = arith.constant 0 : i32
    %cond3A_54 = arith.cmpi ne, %convert_element_type3A_52, %cond3A_53 : i32
    scf.if %cond3A_54 {
      "tpu.region"() ({
        %run_scoped3A = tpu.sem_alloc : memref<!tpu.dma_semaphore, #tpu.memory_space<semaphore_mem>>
        %dma_start3A = arith.constant 9984 : i32
        %dma_start3A_55 = arith.constant 0 : i32
        %dma_start3A_56 = tpu.memref_slice %arg6[%arg0, %dma_start3A, %dma_start3A_55] : memref<2x10000x128xf32, #tpu.memory_space<hbm>> -> memref<1x16x128xf32, #tpu.memory_space<hbm>>
        %dma_start3A_57 = tpu.memref_squeeze %dma_start3A_56 : memref<1x16x128xf32, #tpu.memory_space<hbm>> -> memref<16x128xf32, #tpu.memory_space<hbm>>
        %dma_start3A_58 = arith.constant 9984 : i32
        %dma_start3A_59 = arith.constant 0 : i32
        %dma_start3A_60 = tpu.memref_slice %arg8[%dma_start3A_58, %dma_start3A_59] : memref<10000x128xf32, #tpu.memory_space<vmem_shared>> -> memref<16x128xf32, #tpu.memory_space<vmem_shared>>
        tpu.enqueue_dma source(%dma_start3A_60 : memref<16x128xf32, #tpu.memory_space<vmem_shared>>) target(%dma_start3A_57 : memref<16x128xf32, #tpu.memory_space<hbm>>) target_semaphore(%run_scoped3A : memref<!tpu.dma_semaphore, #tpu.memory_space<semaphore_mem>>)
        %dma_wait3A = arith.constant 9984 : i32
        %dma_wait3A_61 = arith.constant 0 : i32
        %dma_wait3A_62 = tpu.memref_slice %arg6[%arg0, %dma_wait3A, %dma_wait3A_61] : memref<2x10000x128xf32, #tpu.memory_space<hbm>> -> memref<1x16x128xf32, #tpu.memory_space<hbm>>
        %dma_wait3A_63 = tpu.memref_squeeze %dma_wait3A_62 : memref<1x16x128xf32, #tpu.memory_space<hbm>> -> memref<16x128xf32, #tpu.memory_space<hbm>>
        %dma_wait3A_64 = arith.constant 9984 : i32
        %dma_wait3A_65 = arith.constant 0 : i32
        %dma_wait3A_66 = tpu.memref_slice %arg8[%dma_wait3A_64, %dma_wait3A_65] : memref<10000x128xf32, #tpu.memory_space<vmem_shared>> -> memref<16x128xf32, #tpu.memory_space<vmem_shared>>
        tpu.wait_dma2 semaphore(%run_scoped3A : memref<!tpu.dma_semaphore, #tpu.memory_space<semaphore_mem>>) src(%dma_wait3A_66 : memref<16x128xf32, #tpu.memory_space<vmem_shared>>) dst(%dma_wait3A_63 : memref<16x128xf32, #tpu.memory_space<hbm>>)
        tpu.yield
      }) : () -> ()
    } else {
    }
    return
  }
}

#map = affine_map<(d0, d1) -> (0, 0)>
#map1 = affine_map<(d0, d1) -> (0, 0, 0)>
module attributes {stable_mosaic.version = 14 : i64} {
  func.func @_sc_l2_body(%arg0: i32, %arg1: i32, %arg2: memref<20000x128xf32, #tpu.memory_space<hbm>>, %arg3: memref<2x320000xi32, #tpu.memory_space<hbm>>, %arg4: memref<624x128xf32, #tpu.memory_space<hbm>>, %arg5: memref<2x10000x128xf32, #tpu.memory_space<hbm>>, %arg6: memref<10000x128xf32, #tpu.memory_space<vmem_shared>>, %arg7: memref<128xi32, #tpu.memory_space<vmem>>, %arg8: memref<128xi32, #tpu.memory_space<vmem>>, %arg9: memref<128x128xf32, #tpu.memory_space<vmem>>, %arg10: memref<128xi32, #tpu.memory_space<vmem>>, %arg11: memref<128xi32, #tpu.memory_space<vmem>>, %arg12: memref<128x128xf32, #tpu.memory_space<vmem>>, %arg13: memref<128xi32, #tpu.memory_space<vmem>>, %arg14: memref<128xi32, #tpu.memory_space<vmem>>, %arg15: memref<128x128xf32, #tpu.memory_space<vmem>>, %arg16: memref<!tpu.dma_semaphore, #tpu.memory_space<semaphore_mem>>, %arg17: memref<!tpu.dma_semaphore, #tpu.memory_space<semaphore_mem>>, %arg18: memref<!tpu.dma_semaphore, #tpu.memory_space<semaphore_mem>>) attributes {dimension_semantics = [#tpu.dimension_semantics<core_parallel>, #tpu.dimension_semantics<subcore_parallel>], iteration_bounds = array<i64: 2, 16>, scalar_prefetch = 0 : i64, scratch_operands = 13 : i64, tpu.core_type = #tpu.core_type<sc_vector_subcore>, window_params = [{transform_indices = #map}, {transform_indices = #map}, {transform_indices = #map}, {transform_indices = #map1}]} {
    %mul3A = arith.constant 624 : i32
    %mul3A_0 = arith.muli %arg1, %mul3A : i32
    "tpu.region"() ({
      %run_scoped3A = tpu.sem_alloc : memref<!tpu.dma_semaphore, #tpu.memory_space<semaphore_mem>>
      %dma_start3A = arith.constant 0 : i32
      %dma_start3A_24 = tpu.memref_slice %arg6[%mul3A_0, %dma_start3A] : memref<10000x128xf32, #tpu.memory_space<vmem_shared>> -> memref<624x128xf32, #tpu.memory_space<vmem_shared>>
      tpu.enqueue_dma source(%arg4 : memref<624x128xf32, #tpu.memory_space<hbm>>) target(%dma_start3A_24 : memref<624x128xf32, #tpu.memory_space<vmem_shared>>) target_semaphore(%run_scoped3A : memref<!tpu.dma_semaphore, #tpu.memory_space<semaphore_mem>>)
      %dma_wait3A = arith.constant 0 : i32
      %dma_wait3A_25 = tpu.memref_slice %arg6[%mul3A_0, %dma_wait3A] : memref<10000x128xf32, #tpu.memory_space<vmem_shared>> -> memref<624x128xf32, #tpu.memory_space<vmem_shared>>
      tpu.wait_dma2 semaphore(%run_scoped3A : memref<!tpu.dma_semaphore, #tpu.memory_space<semaphore_mem>>) src(%arg4 : memref<624x128xf32, #tpu.memory_space<hbm>>) dst(%dma_wait3A_25 : memref<624x128xf32, #tpu.memory_space<vmem_shared>>)
      tpu.yield
    }) : () -> ()
    %eq3A = arith.constant 15 : i32
    %eq3A_1 = arith.cmpi eq, %arg1, %eq3A : i32
    %convert_element_type3A = arith.extui %eq3A_1 : i1 to i32
    %cond3A = arith.constant 0 : i32
    %cond3A_2 = arith.cmpi ne, %convert_element_type3A, %cond3A : i32
    scf.if %cond3A_2 {
      "tpu.region"() ({
        %run_scoped3A = tpu.sem_alloc : memref<!tpu.dma_semaphore, #tpu.memory_space<semaphore_mem>>
        %dma_start3A = arith.constant 9984 : i32
        %dma_start3A_24 = arith.constant 0 : i32
        %dma_start3A_25 = tpu.memref_slice %arg6[%dma_start3A, %dma_start3A_24] : memref<10000x128xf32, #tpu.memory_space<vmem_shared>> -> memref<16x128xf32, #tpu.memory_space<vmem_shared>>
        %dma_start3A_26 = arith.constant 0 : i32
        %dma_start3A_27 = arith.constant 0 : i32
        %dma_start3A_28 = tpu.memref_slice %arg4[%dma_start3A_26, %dma_start3A_27] : memref<624x128xf32, #tpu.memory_space<hbm>> -> memref<16x128xf32, #tpu.memory_space<hbm>>
        tpu.enqueue_dma source(%dma_start3A_28 : memref<16x128xf32, #tpu.memory_space<hbm>>) target(%dma_start3A_25 : memref<16x128xf32, #tpu.memory_space<vmem_shared>>) target_semaphore(%run_scoped3A : memref<!tpu.dma_semaphore, #tpu.memory_space<semaphore_mem>>)
        %dma_wait3A = arith.constant 9984 : i32
        %dma_wait3A_29 = arith.constant 0 : i32
        %dma_wait3A_30 = tpu.memref_slice %arg6[%dma_wait3A, %dma_wait3A_29] : memref<10000x128xf32, #tpu.memory_space<vmem_shared>> -> memref<16x128xf32, #tpu.memory_space<vmem_shared>>
        %dma_wait3A_31 = arith.constant 0 : i32
        %dma_wait3A_32 = arith.constant 0 : i32
        %dma_wait3A_33 = tpu.memref_slice %arg4[%dma_wait3A_31, %dma_wait3A_32] : memref<624x128xf32, #tpu.memory_space<hbm>> -> memref<16x128xf32, #tpu.memory_space<hbm>>
        tpu.wait_dma2 semaphore(%run_scoped3A : memref<!tpu.dma_semaphore, #tpu.memory_space<semaphore_mem>>) src(%dma_wait3A_33 : memref<16x128xf32, #tpu.memory_space<hbm>>) dst(%dma_wait3A_30 : memref<16x128xf32, #tpu.memory_space<vmem_shared>>)
        tpu.yield
      }) : () -> ()
    } else {
    }
    %barrier3A = arith.constant 0 : index
    tpu.barrier barrier_id(%barrier3A)
    %mul3A_3 = arith.constant 10000 : i32
    %mul3A_4 = arith.muli %arg0, %mul3A_3 : i32
    %scan3A = arith.constant 0 : i32
    %scan3A_5 = arith.constant 0 : i32
    %scan3A_6 = arith.constant 52 : i32
    %scan3A_7 = arith.addi %scan3A_5, %scan3A_6 : i32
    %scan3A_8 = arith.constant 1 : i32
    scf.for %scan3A_24 = %scan3A_5 to %scan3A_7 step %scan3A_8  : i32 {
      %mul3A_25 = arith.constant 156 : i32
      %mul3A_26 = arith.muli %arg1, %mul3A_25 : i32
      %mul3A_27 = arith.constant 3 : i32
      %mul3A_28 = arith.muli %mul3A_27, %scan3A_24 : i32
      %add3A = arith.addi %mul3A_26, %mul3A_28 : i32
      %mul3A_29 = arith.constant 128 : i32
      %mul3A_30 = arith.muli %add3A, %mul3A_29 : i32
      %run_scoped3A = arith.constant 0 : i32
      "tpu.region"() ({
        %run_scoped3A_274 = tpu.sem_alloc : memref<!tpu.dma_semaphore, #tpu.memory_space<semaphore_mem>>
        %dma_start3A_275 = tpu.memref_slice %arg3[%run_scoped3A, %mul3A_30] : memref<2x320000xi32, #tpu.memory_space<hbm>> -> memref<1x128xi32, #tpu.memory_space<hbm>>
        %dma_start3A_276 = tpu.memref_squeeze %dma_start3A_275 : memref<1x128xi32, #tpu.memory_space<hbm>> -> memref<128xi32, #tpu.memory_space<hbm>>
        %dma_start3A_277 = tpu.memref_slice %arg3[%run_scoped3A, %mul3A_30] : memref<2x320000xi32, #tpu.memory_space<hbm>> -> memref<1x128xi32, #tpu.memory_space<hbm>>
        %dma_start3A_278 = tpu.memref_squeeze %dma_start3A_277 : memref<1x128xi32, #tpu.memory_space<hbm>> -> memref<128xi32, #tpu.memory_space<hbm>>
        tpu.enqueue_dma source(%dma_start3A_278 : memref<128xi32, #tpu.memory_space<hbm>>) target(%arg7 : memref<128xi32, #tpu.memory_space<vmem>>) target_semaphore(%run_scoped3A_274 : memref<!tpu.dma_semaphore, #tpu.memory_space<semaphore_mem>>)
        %dma_wait3A_279 = tpu.memref_slice %arg3[%run_scoped3A, %mul3A_30] : memref<2x320000xi32, #tpu.memory_space<hbm>> -> memref<1x128xi32, #tpu.memory_space<hbm>>
        %dma_wait3A_280 = tpu.memref_squeeze %dma_wait3A_279 : memref<1x128xi32, #tpu.memory_space<hbm>> -> memref<128xi32, #tpu.memory_space<hbm>>
        %dma_wait3A_281 = tpu.memref_slice %arg3[%run_scoped3A, %mul3A_30] : memref<2x320000xi32, #tpu.memory_space<hbm>> -> memref<1x128xi32, #tpu.memory_space<hbm>>
        %dma_wait3A_282 = tpu.memref_squeeze %dma_wait3A_281 : memref<1x128xi32, #tpu.memory_space<hbm>> -> memref<128xi32, #tpu.memory_space<hbm>>
        tpu.wait_dma2 semaphore(%run_scoped3A_274 : memref<!tpu.dma_semaphore, #tpu.memory_space<semaphore_mem>>) src(%dma_wait3A_282 : memref<128xi32, #tpu.memory_space<hbm>>) dst(%arg7 : memref<128xi32, #tpu.memory_space<vmem>>)
        tpu.yield
      }) : () -> ()
      %run_scoped3A_31 = arith.constant 1 : i32
      "tpu.region"() ({
        %run_scoped3A_274 = tpu.sem_alloc : memref<!tpu.dma_semaphore, #tpu.memory_space<semaphore_mem>>
        %dma_start3A_275 = tpu.memref_slice %arg3[%run_scoped3A_31, %mul3A_30] : memref<2x320000xi32, #tpu.memory_space<hbm>> -> memref<1x128xi32, #tpu.memory_space<hbm>>
        %dma_start3A_276 = tpu.memref_squeeze %dma_start3A_275 : memref<1x128xi32, #tpu.memory_space<hbm>> -> memref<128xi32, #tpu.memory_space<hbm>>
        %dma_start3A_277 = tpu.memref_slice %arg3[%run_scoped3A_31, %mul3A_30] : memref<2x320000xi32, #tpu.memory_space<hbm>> -> memref<1x128xi32, #tpu.memory_space<hbm>>
        %dma_start3A_278 = tpu.memref_squeeze %dma_start3A_277 : memref<1x128xi32, #tpu.memory_space<hbm>> -> memref<128xi32, #tpu.memory_space<hbm>>
        tpu.enqueue_dma source(%dma_start3A_278 : memref<128xi32, #tpu.memory_space<hbm>>) target(%arg8 : memref<128xi32, #tpu.memory_space<vmem>>) target_semaphore(%run_scoped3A_274 : memref<!tpu.dma_semaphore, #tpu.memory_space<semaphore_mem>>)
        %dma_wait3A_279 = tpu.memref_slice %arg3[%run_scoped3A_31, %mul3A_30] : memref<2x320000xi32, #tpu.memory_space<hbm>> -> memref<1x128xi32, #tpu.memory_space<hbm>>
        %dma_wait3A_280 = tpu.memref_squeeze %dma_wait3A_279 : memref<1x128xi32, #tpu.memory_space<hbm>> -> memref<128xi32, #tpu.memory_space<hbm>>
        %dma_wait3A_281 = tpu.memref_slice %arg3[%run_scoped3A_31, %mul3A_30] : memref<2x320000xi32, #tpu.memory_space<hbm>> -> memref<1x128xi32, #tpu.memory_space<hbm>>
        %dma_wait3A_282 = tpu.memref_squeeze %dma_wait3A_281 : memref<1x128xi32, #tpu.memory_space<hbm>> -> memref<128xi32, #tpu.memory_space<hbm>>
        tpu.wait_dma2 semaphore(%run_scoped3A_274 : memref<!tpu.dma_semaphore, #tpu.memory_space<semaphore_mem>>) src(%dma_wait3A_282 : memref<128xi32, #tpu.memory_space<hbm>>) dst(%arg8 : memref<128xi32, #tpu.memory_space<vmem>>)
        tpu.yield
      }) : () -> ()
      %get3A = arith.constant 0 : index
      %get3A_32 = tpu.vector_load %arg7[%get3A] {strides = array<i32>} : memref<128xi32, #tpu.memory_space<vmem>>, vector<16xi32>,
      %get3A_33 = vector.shape_cast %get3A_32 : vector<16xi32> to vector<16xi32>
      %add3A_34 = vector.broadcast %mul3A_4 : i32 to vector<16xi32>
      %add3A_35 = arith.addi %get3A_33, %add3A_34 : vector<16xi32>
      %swap3A = arith.constant 0 : index
      %swap3A_36 = tpu.vector_load %arg7[%swap3A] {strides = array<i32>} : memref<128xi32, #tpu.memory_space<vmem>>, vector<16xi32>,
      %swap3A_37 = vector.shape_cast %swap3A_36 : vector<16xi32> to vector<16xi32>
      %swap3A_38 = vector.shape_cast %add3A_35 : vector<16xi32> to vector<16xi32>
      tpu.vector_store %arg7[%swap3A], %swap3A_38 {strides = array<i32>} : memref<128xi32, #tpu.memory_space<vmem>>, vector<16xi32>,
      %get3A_39 = arith.constant 16 : index
      %get3A_40 = tpu.vector_load %arg7[%get3A_39] {strides = array<i32>} : memref<128xi32, #tpu.memory_space<vmem>>, vector<16xi32>,
      %get3A_41 = vector.shape_cast %get3A_40 : vector<16xi32> to vector<16xi32>
      %add3A_42 = vector.broadcast %mul3A_4 : i32 to vector<16xi32>
      %add3A_43 = arith.addi %get3A_41, %add3A_42 : vector<16xi32>
      %swap3A_44 = arith.constant 16 : index
      %swap3A_45 = tpu.vector_load %arg7[%swap3A_44] {strides = array<i32>} : memref<128xi32, #tpu.memory_space<vmem>>, vector<16xi32>,
      %swap3A_46 = vector.shape_cast %swap3A_45 : vector<16xi32> to vector<16xi32>
      %swap3A_47 = vector.shape_cast %add3A_43 : vector<16xi32> to vector<16xi32>
      tpu.vector_store %arg7[%swap3A_44], %swap3A_47 {strides = array<i32>} : memref<128xi32, #tpu.memory_space<vmem>>, vector<16xi32>,
      %get3A_48 = arith.constant 32 : index
      %get3A_49 = tpu.vector_load %arg7[%get3A_48] {strides = array<i32>} : memref<128xi32, #tpu.memory_space<vmem>>, vector<16xi32>,
      %get3A_50 = vector.shape_cast %get3A_49 : vector<16xi32> to vector<16xi32>
      %add3A_51 = vector.broadcast %mul3A_4 : i32 to vector<16xi32>
      %add3A_52 = arith.addi %get3A_50, %add3A_51 : vector<16xi32>
      %swap3A_53 = arith.constant 32 : index
      %swap3A_54 = tpu.vector_load %arg7[%swap3A_53] {strides = array<i32>} : memref<128xi32, #tpu.memory_space<vmem>>, vector<16xi32>,
      %swap3A_55 = vector.shape_cast %swap3A_54 : vector<16xi32> to vector<16xi32>
      %swap3A_56 = vector.shape_cast %add3A_52 : vector<16xi32> to vector<16xi32>
      tpu.vector_store %arg7[%swap3A_53], %swap3A_56 {strides = array<i32>} : memref<128xi32, #tpu.memory_space<vmem>>, vector<16xi32>,
      %get3A_57 = arith.constant 48 : index
      %get3A_58 = tpu.vector_load %arg7[%get3A_57] {strides = array<i32>} : memref<128xi32, #tpu.memory_space<vmem>>, vector<16xi32>,
      %get3A_59 = vector.shape_cast %get3A_58 : vector<16xi32> to vector<16xi32>
      %add3A_60 = vector.broadcast %mul3A_4 : i32 to vector<16xi32>
      %add3A_61 = arith.addi %get3A_59, %add3A_60 : vector<16xi32>
      %swap3A_62 = arith.constant 48 : index
      %swap3A_63 = tpu.vector_load %arg7[%swap3A_62] {strides = array<i32>} : memref<128xi32, #tpu.memory_space<vmem>>, vector<16xi32>,
      %swap3A_64 = vector.shape_cast %swap3A_63 : vector<16xi32> to vector<16xi32>
      %swap3A_65 = vector.shape_cast %add3A_61 : vector<16xi32> to vector<16xi32>
      tpu.vector_store %arg7[%swap3A_62], %swap3A_65 {strides = array<i32>} : memref<128xi32, #tpu.memory_space<vmem>>, vector<16xi32>,
      %get3A_66 = arith.constant 64 : index
      %get3A_67 = tpu.vector_load %arg7[%get3A_66] {strides = array<i32>} : memref<128xi32, #tpu.memory_space<vmem>>, vector<16xi32>,
      %get3A_68 = vector.shape_cast %get3A_67 : vector<16xi32> to vector<16xi32>
      %add3A_69 = vector.broadcast %mul3A_4 : i32 to vector<16xi32>
      %add3A_70 = arith.addi %get3A_68, %add3A_69 : vector<16xi32>
      %swap3A_71 = arith.constant 64 : index
      %swap3A_72 = tpu.vector_load %arg7[%swap3A_71] {strides = array<i32>} : memref<128xi32, #tpu.memory_space<vmem>>, vector<16xi32>,
      %swap3A_73 = vector.shape_cast %swap3A_72 : vector<16xi32> to vector<16xi32>
      %swap3A_74 = vector.shape_cast %add3A_70 : vector<16xi32> to vector<16xi32>
      tpu.vector_store %arg7[%swap3A_71], %swap3A_74 {strides = array<i32>} : memref<128xi32, #tpu.memory_space<vmem>>, vector<16xi32>,
      %get3A_75 = arith.constant 80 : index
      %get3A_76 = tpu.vector_load %arg7[%get3A_75] {strides = array<i32>} : memref<128xi32, #tpu.memory_space<vmem>>, vector<16xi32>,
      %get3A_77 = vector.shape_cast %get3A_76 : vector<16xi32> to vector<16xi32>
      %add3A_78 = vector.broadcast %mul3A_4 : i32 to vector<16xi32>
      %add3A_79 = arith.addi %get3A_77, %add3A_78 : vector<16xi32>
      %swap3A_80 = arith.constant 80 : index
      %swap3A_81 = tpu.vector_load %arg7[%swap3A_80] {strides = array<i32>} : memref<128xi32, #tpu.memory_space<vmem>>, vector<16xi32>,
      %swap3A_82 = vector.shape_cast %swap3A_81 : vector<16xi32> to vector<16xi32>
      %swap3A_83 = vector.shape_cast %add3A_79 : vector<16xi32> to vector<16xi32>
      tpu.vector_store %arg7[%swap3A_80], %swap3A_83 {strides = array<i32>} : memref<128xi32, #tpu.memory_space<vmem>>, vector<16xi32>,
      %get3A_84 = arith.constant 96 : index
      %get3A_85 = tpu.vector_load %arg7[%get3A_84] {strides = array<i32>} : memref<128xi32, #tpu.memory_space<vmem>>, vector<16xi32>,
      %get3A_86 = vector.shape_cast %get3A_85 : vector<16xi32> to vector<16xi32>
      %add3A_87 = vector.broadcast %mul3A_4 : i32 to vector<16xi32>
      %add3A_88 = arith.addi %get3A_86, %add3A_87 : vector<16xi32>
      %swap3A_89 = arith.constant 96 : index
      %swap3A_90 = tpu.vector_load %arg7[%swap3A_89] {strides = array<i32>} : memref<128xi32, #tpu.memory_space<vmem>>, vector<16xi32>,
      %swap3A_91 = vector.shape_cast %swap3A_90 : vector<16xi32> to vector<16xi32>
      %swap3A_92 = vector.shape_cast %add3A_88 : vector<16xi32> to vector<16xi32>
      tpu.vector_store %arg7[%swap3A_89], %swap3A_92 {strides = array<i32>} : memref<128xi32, #tpu.memory_space<vmem>>, vector<16xi32>,
      %get3A_93 = arith.constant 112 : index
      %get3A_94 = tpu.vector_load %arg7[%get3A_93] {strides = array<i32>} : memref<128xi32, #tpu.memory_space<vmem>>, vector<16xi32>,
      %get3A_95 = vector.shape_cast %get3A_94 : vector<16xi32> to vector<16xi32>
      %add3A_96 = vector.broadcast %mul3A_4 : i32 to vector<16xi32>
      %add3A_97 = arith.addi %get3A_95, %add3A_96 : vector<16xi32>
      %swap3A_98 = arith.constant 112 : index
      %swap3A_99 = tpu.vector_load %arg7[%swap3A_98] {strides = array<i32>} : memref<128xi32, #tpu.memory_space<vmem>>, vector<16xi32>,
      %swap3A_100 = vector.shape_cast %swap3A_99 : vector<16xi32> to vector<16xi32>
      %swap3A_101 = vector.shape_cast %add3A_97 : vector<16xi32> to vector<16xi32>
      tpu.vector_store %arg7[%swap3A_98], %swap3A_101 {strides = array<i32>} : memref<128xi32, #tpu.memory_space<vmem>>, vector<16xi32>,
      %dma_start3A = arith.constant 0 : i32
      %dma_start3A_102 = arith.constant 0 : i32
      %dma_start3A_103 = tpu.memref_slice %arg2[%dma_start3A, %dma_start3A_102] : memref<20000x128xf32, #tpu.memory_space<hbm>> -> memref<20000x128xf32, #tpu.memory_space<hbm>>
      tpu.enqueue_indirect_dma source(%dma_start3A_103 : memref<20000x128xf32, #tpu.memory_space<hbm>>) target(%arg9 : memref<128x128xf32, #tpu.memory_space<vmem>>) offsets(%arg7 : memref<128xi32, #tpu.memory_space<vmem>>) semaphore(%arg16 : memref<!tpu.dma_semaphore, #tpu.memory_space<semaphore_mem>>)
      %add3A_104 = arith.constant 1 : i32
      %add3A_105 = arith.addi %add3A, %add3A_104 : i32
      %mul3A_106 = arith.constant 128 : i32
      %mul3A_107 = arith.muli %add3A_105, %mul3A_106 : i32
      %run_scoped3A_108 = arith.constant 0 : i32
      "tpu.region"() ({
        %run_scoped3A_274 = tpu.sem_alloc : memref<!tpu.dma_semaphore, #tpu.memory_space<semaphore_mem>>
        %dma_start3A_275 = tpu.memref_slice %arg3[%run_scoped3A_108, %mul3A_107] : memref<2x320000xi32, #tpu.memory_space<hbm>> -> memref<1x128xi32, #tpu.memory_space<hbm>>
        %dma_start3A_276 = tpu.memref_squeeze %dma_start3A_275 : memref<1x128xi32, #tpu.memory_space<hbm>> -> memref<128xi32, #tpu.memory_space<hbm>>
        %dma_start3A_277 = tpu.memref_slice %arg3[%run_scoped3A_108, %mul3A_107] : memref<2x320000xi32, #tpu.memory_space<hbm>> -> memref<1x128xi32, #tpu.memory_space<hbm>>
        %dma_start3A_278 = tpu.memref_squeeze %dma_start3A_277 : memref<1x128xi32, #tpu.memory_space<hbm>> -> memref<128xi32, #tpu.memory_space<hbm>>
        tpu.enqueue_dma source(%dma_start3A_278 : memref<128xi32, #tpu.memory_space<hbm>>) target(%arg10 : memref<128xi32, #tpu.memory_space<vmem>>) target_semaphore(%run_scoped3A_274 : memref<!tpu.dma_semaphore, #tpu.memory_space<semaphore_mem>>)
        %dma_wait3A_279 = tpu.memref_slice %arg3[%run_scoped3A_108, %mul3A_107] : memref<2x320000xi32, #tpu.memory_space<hbm>> -> memref<1x128xi32, #tpu.memory_space<hbm>>
        %dma_wait3A_280 = tpu.memref_squeeze %dma_wait3A_279 : memref<1x128xi32, #tpu.memory_space<hbm>> -> memref<128xi32, #tpu.memory_space<hbm>>
        %dma_wait3A_281 = tpu.memref_slice %arg3[%run_scoped3A_108, %mul3A_107] : memref<2x320000xi32, #tpu.memory_space<hbm>> -> memref<1x128xi32, #tpu.memory_space<hbm>>
        %dma_wait3A_282 = tpu.memref_squeeze %dma_wait3A_281 : memref<1x128xi32, #tpu.memory_space<hbm>> -> memref<128xi32, #tpu.memory_space<hbm>>
        tpu.wait_dma2 semaphore(%run_scoped3A_274 : memref<!tpu.dma_semaphore, #tpu.memory_space<semaphore_mem>>) src(%dma_wait3A_282 : memref<128xi32, #tpu.memory_space<hbm>>) dst(%arg10 : memref<128xi32, #tpu.memory_space<vmem>>)
        tpu.yield
      }) : () -> ()
      %run_scoped3A_109 = arith.constant 1 : i32
      "tpu.region"() ({
        %run_scoped3A_274 = tpu.sem_alloc : memref<!tpu.dma_semaphore, #tpu.memory_space<semaphore_mem>>
        %dma_start3A_275 = tpu.memref_slice %arg3[%run_scoped3A_109, %mul3A_107] : memref<2x320000xi32, #tpu.memory_space<hbm>> -> memref<1x128xi32, #tpu.memory_space<hbm>>
        %dma_start3A_276 = tpu.memref_squeeze %dma_start3A_275 : memref<1x128xi32, #tpu.memory_space<hbm>> -> memref<128xi32, #tpu.memory_space<hbm>>
        %dma_start3A_277 = tpu.memref_slice %arg3[%run_scoped3A_109, %mul3A_107] : memref<2x320000xi32, #tpu.memory_space<hbm>> -> memref<1x128xi32, #tpu.memory_space<hbm>>
        %dma_start3A_278 = tpu.memref_squeeze %dma_start3A_277 : memref<1x128xi32, #tpu.memory_space<hbm>> -> memref<128xi32, #tpu.memory_space<hbm>>
        tpu.enqueue_dma source(%dma_start3A_278 : memref<128xi32, #tpu.memory_space<hbm>>) target(%arg11 : memref<128xi32, #tpu.memory_space<vmem>>) target_semaphore(%run_scoped3A_274 : memref<!tpu.dma_semaphore, #tpu.memory_space<semaphore_mem>>)
        %dma_wait3A_279 = tpu.memref_slice %arg3[%run_scoped3A_109, %mul3A_107] : memref<2x320000xi32, #tpu.memory_space<hbm>> -> memref<1x128xi32, #tpu.memory_space<hbm>>
        %dma_wait3A_280 = tpu.memref_squeeze %dma_wait3A_279 : memref<1x128xi32, #tpu.memory_space<hbm>> -> memref<128xi32, #tpu.memory_space<hbm>>
        %dma_wait3A_281 = tpu.memref_slice %arg3[%run_scoped3A_109, %mul3A_107] : memref<2x320000xi32, #tpu.memory_space<hbm>> -> memref<1x128xi32, #tpu.memory_space<hbm>>
        %dma_wait3A_282 = tpu.memref_squeeze %dma_wait3A_281 : memref<1x128xi32, #tpu.memory_space<hbm>> -> memref<128xi32, #tpu.memory_space<hbm>>
        tpu.wait_dma2 semaphore(%run_scoped3A_274 : memref<!tpu.dma_semaphore, #tpu.memory_space<semaphore_mem>>) src(%dma_wait3A_282 : memref<128xi32, #tpu.memory_space<hbm>>) dst(%arg11 : memref<128xi32, #tpu.memory_space<vmem>>)
        tpu.yield
      }) : () -> ()
      %get3A_110 = arith.constant 0 : index
      %get3A_111 = tpu.vector_load %arg10[%get3A_110] {strides = array<i32>} : memref<128xi32, #tpu.memory_space<vmem>>, vector<16xi32>,
      %get3A_112 = vector.shape_cast %get3A_111 : vector<16xi32> to vector<16xi32>
      %add3A_113 = vector.broadcast %mul3A_4 : i32 to vector<16xi32>
      %add3A_114 = arith.addi %get3A_112, %add3A_113 : vector<16xi32>
      %swap3A_115 = arith.constant 0 : index
      %swap3A_116 = tpu.vector_load %arg10[%swap3A_115] {strides = array<i32>} : memref<128xi32, #tpu.memory_space<vmem>>, vector<16xi32>,
      %swap3A_117 = vector.shape_cast %swap3A_116 : vector<16xi32> to vector<16xi32>
      %swap3A_118 = vector.shape_cast %add3A_114 : vector<16xi32> to vector<16xi32>
      tpu.vector_store %arg10[%swap3A_115], %swap3A_118 {strides = array<i32>} : memref<128xi32, #tpu.memory_space<vmem>>, vector<16xi32>,
      %get3A_119 = arith.constant 16 : index
      %get3A_120 = tpu.vector_load %arg10[%get3A_119] {strides = array<i32>} : memref<128xi32, #tpu.memory_space<vmem>>, vector<16xi32>,
      %get3A_121 = vector.shape_cast %get3A_120 : vector<16xi32> to vector<16xi32>
      %add3A_122 = vector.broadcast %mul3A_4 : i32 to vector<16xi32>
      %add3A_123 = arith.addi %get3A_121, %add3A_122 : vector<16xi32>
      %swap3A_124 = arith.constant 16 : index
      %swap3A_125 = tpu.vector_load %arg10[%swap3A_124] {strides = array<i32>} : memref<128xi32, #tpu.memory_space<vmem>>, vector<16xi32>,
      %swap3A_126 = vector.shape_cast %swap3A_125 : vector<16xi32> to vector<16xi32>
      %swap3A_127 = vector.shape_cast %add3A_123 : vector<16xi32> to vector<16xi32>
      tpu.vector_store %arg10[%swap3A_124], %swap3A_127 {strides = array<i32>} : memref<128xi32, #tpu.memory_space<vmem>>, vector<16xi32>,
      %get3A_128 = arith.constant 32 : index
      %get3A_129 = tpu.vector_load %arg10[%get3A_128] {strides = array<i32>} : memref<128xi32, #tpu.memory_space<vmem>>, vector<16xi32>,
      %get3A_130 = vector.shape_cast %get3A_129 : vector<16xi32> to vector<16xi32>
      %add3A_131 = vector.broadcast %mul3A_4 : i32 to vector<16xi32>
      %add3A_132 = arith.addi %get3A_130, %add3A_131 : vector<16xi32>
      %swap3A_133 = arith.constant 32 : index
      %swap3A_134 = tpu.vector_load %arg10[%swap3A_133] {strides = array<i32>} : memref<128xi32, #tpu.memory_space<vmem>>, vector<16xi32>,
      %swap3A_135 = vector.shape_cast %swap3A_134 : vector<16xi32> to vector<16xi32>
      %swap3A_136 = vector.shape_cast %add3A_132 : vector<16xi32> to vector<16xi32>
      tpu.vector_store %arg10[%swap3A_133], %swap3A_136 {strides = array<i32>} : memref<128xi32, #tpu.memory_space<vmem>>, vector<16xi32>,
      %get3A_137 = arith.constant 48 : index
      %get3A_138 = tpu.vector_load %arg10[%get3A_137] {strides = array<i32>} : memref<128xi32, #tpu.memory_space<vmem>>, vector<16xi32>,
      %get3A_139 = vector.shape_cast %get3A_138 : vector<16xi32> to vector<16xi32>
      %add3A_140 = vector.broadcast %mul3A_4 : i32 to vector<16xi32>
      %add3A_141 = arith.addi %get3A_139, %add3A_140 : vector<16xi32>
      %swap3A_142 = arith.constant 48 : index
      %swap3A_143 = tpu.vector_load %arg10[%swap3A_142] {strides = array<i32>} : memref<128xi32, #tpu.memory_space<vmem>>, vector<16xi32>,
      %swap3A_144 = vector.shape_cast %swap3A_143 : vector<16xi32> to vector<16xi32>
      %swap3A_145 = vector.shape_cast %add3A_141 : vector<16xi32> to vector<16xi32>
      tpu.vector_store %arg10[%swap3A_142], %swap3A_145 {strides = array<i32>} : memref<128xi32, #tpu.memory_space<vmem>>, vector<16xi32>,
      %get3A_146 = arith.constant 64 : index
      %get3A_147 = tpu.vector_load %arg10[%get3A_146] {strides = array<i32>} : memref<128xi32, #tpu.memory_space<vmem>>, vector<16xi32>,
      %get3A_148 = vector.shape_cast %get3A_147 : vector<16xi32> to vector<16xi32>
      %add3A_149 = vector.broadcast %mul3A_4 : i32 to vector<16xi32>
      %add3A_150 = arith.addi %get3A_148, %add3A_149 : vector<16xi32>
      %swap3A_151 = arith.constant 64 : index
      %swap3A_152 = tpu.vector_load %arg10[%swap3A_151] {strides = array<i32>} : memref<128xi32, #tpu.memory_space<vmem>>, vector<16xi32>,
      %swap3A_153 = vector.shape_cast %swap3A_152 : vector<16xi32> to vector<16xi32>
      %swap3A_154 = vector.shape_cast %add3A_150 : vector<16xi32> to vector<16xi32>
      tpu.vector_store %arg10[%swap3A_151], %swap3A_154 {strides = array<i32>} : memref<128xi32, #tpu.memory_space<vmem>>, vector<16xi32>,
      %get3A_155 = arith.constant 80 : index
      %get3A_156 = tpu.vector_load %arg10[%get3A_155] {strides = array<i32>} : memref<128xi32, #tpu.memory_space<vmem>>, vector<16xi32>,
      %get3A_157 = vector.shape_cast %get3A_156 : vector<16xi32> to vector<16xi32>
      %add3A_158 = vector.broadcast %mul3A_4 : i32 to vector<16xi32>
      %add3A_159 = arith.addi %get3A_157, %add3A_158 : vector<16xi32>
      %swap3A_160 = arith.constant 80 : index
      %swap3A_161 = tpu.vector_load %arg10[%swap3A_160] {strides = array<i32>} : memref<128xi32, #tpu.memory_space<vmem>>, vector<16xi32>,
      %swap3A_162 = vector.shape_cast %swap3A_161 : vector<16xi32> to vector<16xi32>
      %swap3A_163 = vector.shape_cast %add3A_159 : vector<16xi32> to vector<16xi32>
      tpu.vector_store %arg10[%swap3A_160], %swap3A_163 {strides = array<i32>} : memref<128xi32, #tpu.memory_space<vmem>>, vector<16xi32>,
      %get3A_164 = arith.constant 96 : index
      %get3A_165 = tpu.vector_load %arg10[%get3A_164] {strides = array<i32>} : memref<128xi32, #tpu.memory_space<vmem>>, vector<16xi32>,
      %get3A_166 = vector.shape_cast %get3A_165 : vector<16xi32> to vector<16xi32>
      %add3A_167 = vector.broadcast %mul3A_4 : i32 to vector<16xi32>
      %add3A_168 = arith.addi %get3A_166, %add3A_167 : vector<16xi32>
      %swap3A_169 = arith.constant 96 : index
      %swap3A_170 = tpu.vector_load %arg10[%swap3A_169] {strides = array<i32>} : memref<128xi32, #tpu.memory_space<vmem>>, vector<16xi32>,
      %swap3A_171 = vector.shape_cast %swap3A_170 : vector<16xi32> to vector<16xi32>
      %swap3A_172 = vector.shape_cast %add3A_168 : vector<16xi32> to vector<16xi32>
      tpu.vector_store %arg10[%swap3A_169], %swap3A_172 {strides = array<i32>} : memref<128xi32, #tpu.memory_space<vmem>>, vector<16xi32>,
      %get3A_173 = arith.constant 112 : index
      %get3A_174 = tpu.vector_load %arg10[%get3A_173] {strides = array<i32>} : memref<128xi32, #tpu.memory_space<vmem>>, vector<16xi32>,
      %get3A_175 = vector.shape_cast %get3A_174 : vector<16xi32> to vector<16xi32>
      %add3A_176 = vector.broadcast %mul3A_4 : i32 to vector<16xi32>
      %add3A_177 = arith.addi %get3A_175, %add3A_176 : vector<16xi32>
      %swap3A_178 = arith.constant 112 : index
      %swap3A_179 = tpu.vector_load %arg10[%swap3A_178] {strides = array<i32>} : memref<128xi32, #tpu.memory_space<vmem>>, vector<16xi32>,
      %swap3A_180 = vector.shape_cast %swap3A_179 : vector<16xi32> to vector<16xi32>
      %swap3A_181 = vector.shape_cast %add3A_177 : vector<16xi32> to vector<16xi32>
      tpu.vector_store %arg10[%swap3A_178], %swap3A_181 {strides = array<i32>} : memref<128xi32, #tpu.memory_space<vmem>>, vector<16xi32>,
      %dma_start3A_182 = arith.constant 0 : i32
      %dma_start3A_183 = arith.constant 0 : i32
      %dma_start3A_184 = tpu.memref_slice %arg2[%dma_start3A_182, %dma_start3A_183] : memref<20000x128xf32, #tpu.memory_space<hbm>> -> memref<20000x128xf32, #tpu.memory_space<hbm>>
      tpu.enqueue_indirect_dma source(%dma_start3A_184 : memref<20000x128xf32, #tpu.memory_space<hbm>>) target(%arg12 : memref<128x128xf32, #tpu.memory_space<vmem>>) offsets(%arg10 : memref<128xi32, #tpu.memory_space<vmem>>) semaphore(%arg17 : memref<!tpu.dma_semaphore, #tpu.memory_space<semaphore_mem>>)
      %add3A_185 = arith.constant 2 : i32
      %add3A_186 = arith.addi %add3A, %add3A_185 : i32
      %mul3A_187 = arith.constant 128 : i32
      %mul3A_188 = arith.muli %add3A_186, %mul3A_187 : i32
      %run_scoped3A_189 = arith.constant 0 : i32
      "tpu.region"() ({
        %run_scoped3A_274 = tpu.sem_alloc : memref<!tpu.dma_semaphore, #tpu.memory_space<semaphore_mem>>
        %dma_start3A_275 = tpu.memref_slice %arg3[%run_scoped3A_189, %mul3A_188] : memref<2x320000xi32, #tpu.memory_space<hbm>> -> memref<1x128xi32, #tpu.memory_space<hbm>>
        %dma_start3A_276 = tpu.memref_squeeze %dma_start3A_275 : memref<1x128xi32, #tpu.memory_space<hbm>> -> memref<128xi32, #tpu.memory_space<hbm>>
        %dma_start3A_277 = tpu.memref_slice %arg3[%run_scoped3A_189, %mul3A_188] : memref<2x320000xi32, #tpu.memory_space<hbm>> -> memref<1x128xi32, #tpu.memory_space<hbm>>
        %dma_start3A_278 = tpu.memref_squeeze %dma_start3A_277 : memref<1x128xi32, #tpu.memory_space<hbm>> -> memref<128xi32, #tpu.memory_space<hbm>>
        tpu.enqueue_dma source(%dma_start3A_278 : memref<128xi32, #tpu.memory_space<hbm>>) target(%arg13 : memref<128xi32, #tpu.memory_space<vmem>>) target_semaphore(%run_scoped3A_274 : memref<!tpu.dma_semaphore, #tpu.memory_space<semaphore_mem>>)
        %dma_wait3A_279 = tpu.memref_slice %arg3[%run_scoped3A_189, %mul3A_188] : memref<2x320000xi32, #tpu.memory_space<hbm>> -> memref<1x128xi32, #tpu.memory_space<hbm>>
        %dma_wait3A_280 = tpu.memref_squeeze %dma_wait3A_279 : memref<1x128xi32, #tpu.memory_space<hbm>> -> memref<128xi32, #tpu.memory_space<hbm>>
        %dma_wait3A_281 = tpu.memref_slice %arg3[%run_scoped3A_189, %mul3A_188] : memref<2x320000xi32, #tpu.memory_space<hbm>> -> memref<1x128xi32, #tpu.memory_space<hbm>>
        %dma_wait3A_282 = tpu.memref_squeeze %dma_wait3A_281 : memref<1x128xi32, #tpu.memory_space<hbm>> -> memref<128xi32, #tpu.memory_space<hbm>>
        tpu.wait_dma2 semaphore(%run_scoped3A_274 : memref<!tpu.dma_semaphore, #tpu.memory_space<semaphore_mem>>) src(%dma_wait3A_282 : memref<128xi32, #tpu.memory_space<hbm>>) dst(%arg13 : memref<128xi32, #tpu.memory_space<vmem>>)
        tpu.yield
      }) : () -> ()
      %run_scoped3A_190 = arith.constant 1 : i32
      "tpu.region"() ({
        %run_scoped3A_274 = tpu.sem_alloc : memref<!tpu.dma_semaphore, #tpu.memory_space<semaphore_mem>>
        %dma_start3A_275 = tpu.memref_slice %arg3[%run_scoped3A_190, %mul3A_188] : memref<2x320000xi32, #tpu.memory_space<hbm>> -> memref<1x128xi32, #tpu.memory_space<hbm>>
        %dma_start3A_276 = tpu.memref_squeeze %dma_start3A_275 : memref<1x128xi32, #tpu.memory_space<hbm>> -> memref<128xi32, #tpu.memory_space<hbm>>
        %dma_start3A_277 = tpu.memref_slice %arg3[%run_scoped3A_190, %mul3A_188] : memref<2x320000xi32, #tpu.memory_space<hbm>> -> memref<1x128xi32, #tpu.memory_space<hbm>>
        %dma_start3A_278 = tpu.memref_squeeze %dma_start3A_277 : memref<1x128xi32, #tpu.memory_space<hbm>> -> memref<128xi32, #tpu.memory_space<hbm>>
        tpu.enqueue_dma source(%dma_start3A_278 : memref<128xi32, #tpu.memory_space<hbm>>) target(%arg14 : memref<128xi32, #tpu.memory_space<vmem>>) target_semaphore(%run_scoped3A_274 : memref<!tpu.dma_semaphore, #tpu.memory_space<semaphore_mem>>)
        %dma_wait3A_279 = tpu.memref_slice %arg3[%run_scoped3A_190, %mul3A_188] : memref<2x320000xi32, #tpu.memory_space<hbm>> -> memref<1x128xi32, #tpu.memory_space<hbm>>
        %dma_wait3A_280 = tpu.memref_squeeze %dma_wait3A_279 : memref<1x128xi32, #tpu.memory_space<hbm>> -> memref<128xi32, #tpu.memory_space<hbm>>
        %dma_wait3A_281 = tpu.memref_slice %arg3[%run_scoped3A_190, %mul3A_188] : memref<2x320000xi32, #tpu.memory_space<hbm>> -> memref<1x128xi32, #tpu.memory_space<hbm>>
        %dma_wait3A_282 = tpu.memref_squeeze %dma_wait3A_281 : memref<1x128xi32, #tpu.memory_space<hbm>> -> memref<128xi32, #tpu.memory_space<hbm>>
        tpu.wait_dma2 semaphore(%run_scoped3A_274 : memref<!tpu.dma_semaphore, #tpu.memory_space<semaphore_mem>>) src(%dma_wait3A_282 : memref<128xi32, #tpu.memory_space<hbm>>) dst(%arg14 : memref<128xi32, #tpu.memory_space<vmem>>)
        tpu.yield
      }) : () -> ()
      %get3A_191 = arith.constant 0 : index
      %get3A_192 = tpu.vector_load %arg13[%get3A_191] {strides = array<i32>} : memref<128xi32, #tpu.memory_space<vmem>>, vector<16xi32>,
      %get3A_193 = vector.shape_cast %get3A_192 : vector<16xi32> to vector<16xi32>
      %add3A_194 = vector.broadcast %mul3A_4 : i32 to vector<16xi32>
      %add3A_195 = arith.addi %get3A_193, %add3A_194 : vector<16xi32>
      %swap3A_196 = arith.constant 0 : index
      %swap3A_197 = tpu.vector_load %arg13[%swap3A_196] {strides = array<i32>} : memref<128xi32, #tpu.memory_space<vmem>>, vector<16xi32>,
      %swap3A_198 = vector.shape_cast %swap3A_197 : vector<16xi32> to vector<16xi32>
      %swap3A_199 = vector.shape_cast %add3A_195 : vector<16xi32> to vector<16xi32>
      tpu.vector_store %arg13[%swap3A_196], %swap3A_199 {strides = array<i32>} : memref<128xi32, #tpu.memory_space<vmem>>, vector<16xi32>,
      %get3A_200 = arith.constant 16 : index
      %get3A_201 = tpu.vector_load %arg13[%get3A_200] {strides = array<i32>} : memref<128xi32, #tpu.memory_space<vmem>>, vector<16xi32>,
      %get3A_202 = vector.shape_cast %get3A_201 : vector<16xi32> to vector<16xi32>
      %add3A_203 = vector.broadcast %mul3A_4 : i32 to vector<16xi32>
      %add3A_204 = arith.addi %get3A_202, %add3A_203 : vector<16xi32>
      %swap3A_205 = arith.constant 16 : index
      %swap3A_206 = tpu.vector_load %arg13[%swap3A_205] {strides = array<i32>} : memref<128xi32, #tpu.memory_space<vmem>>, vector<16xi32>,
      %swap3A_207 = vector.shape_cast %swap3A_206 : vector<16xi32> to vector<16xi32>
      %swap3A_208 = vector.shape_cast %add3A_204 : vector<16xi32> to vector<16xi32>
      tpu.vector_store %arg13[%swap3A_205], %swap3A_208 {strides = array<i32>} : memref<128xi32, #tpu.memory_space<vmem>>, vector<16xi32>,
      %get3A_209 = arith.constant 32 : index
      %get3A_210 = tpu.vector_load %arg13[%get3A_209] {strides = array<i32>} : memref<128xi32, #tpu.memory_space<vmem>>, vector<16xi32>,
      %get3A_211 = vector.shape_cast %get3A_210 : vector<16xi32> to vector<16xi32>
      %add3A_212 = vector.broadcast %mul3A_4 : i32 to vector<16xi32>
      %add3A_213 = arith.addi %get3A_211, %add3A_212 : vector<16xi32>
      %swap3A_214 = arith.constant 32 : index
      %swap3A_215 = tpu.vector_load %arg13[%swap3A_214] {strides = array<i32>} : memref<128xi32, #tpu.memory_space<vmem>>, vector<16xi32>,
      %swap3A_216 = vector.shape_cast %swap3A_215 : vector<16xi32> to vector<16xi32>
      %swap3A_217 = vector.shape_cast %add3A_213 : vector<16xi32> to vector<16xi32>
      tpu.vector_store %arg13[%swap3A_214], %swap3A_217 {strides = array<i32>} : memref<128xi32, #tpu.memory_space<vmem>>, vector<16xi32>,
      %get3A_218 = arith.constant 48 : index
      %get3A_219 = tpu.vector_load %arg13[%get3A_218] {strides = array<i32>} : memref<128xi32, #tpu.memory_space<vmem>>, vector<16xi32>,
      %get3A_220 = vector.shape_cast %get3A_219 : vector<16xi32> to vector<16xi32>
      %add3A_221 = vector.broadcast %mul3A_4 : i32 to vector<16xi32>
      %add3A_222 = arith.addi %get3A_220, %add3A_221 : vector<16xi32>
      %swap3A_223 = arith.constant 48 : index
      %swap3A_224 = tpu.vector_load %arg13[%swap3A_223] {strides = array<i32>} : memref<128xi32, #tpu.memory_space<vmem>>, vector<16xi32>,
      %swap3A_225 = vector.shape_cast %swap3A_224 : vector<16xi32> to vector<16xi32>
      %swap3A_226 = vector.shape_cast %add3A_222 : vector<16xi32> to vector<16xi32>
      tpu.vector_store %arg13[%swap3A_223], %swap3A_226 {strides = array<i32>} : memref<128xi32, #tpu.memory_space<vmem>>, vector<16xi32>,
      %get3A_227 = arith.constant 64 : index
      %get3A_228 = tpu.vector_load %arg13[%get3A_227] {strides = array<i32>} : memref<128xi32, #tpu.memory_space<vmem>>, vector<16xi32>,
      %get3A_229 = vector.shape_cast %get3A_228 : vector<16xi32> to vector<16xi32>
      %add3A_230 = vector.broadcast %mul3A_4 : i32 to vector<16xi32>
      %add3A_231 = arith.addi %get3A_229, %add3A_230 : vector<16xi32>
      %swap3A_232 = arith.constant 64 : index
      %swap3A_233 = tpu.vector_load %arg13[%swap3A_232] {strides = array<i32>} : memref<128xi32, #tpu.memory_space<vmem>>, vector<16xi32>,
      %swap3A_234 = vector.shape_cast %swap3A_233 : vector<16xi32> to vector<16xi32>
      %swap3A_235 = vector.shape_cast %add3A_231 : vector<16xi32> to vector<16xi32>
      tpu.vector_store %arg13[%swap3A_232], %swap3A_235 {strides = array<i32>} : memref<128xi32, #tpu.memory_space<vmem>>, vector<16xi32>,
      %get3A_236 = arith.constant 80 : index
      %get3A_237 = tpu.vector_load %arg13[%get3A_236] {strides = array<i32>} : memref<128xi32, #tpu.memory_space<vmem>>, vector<16xi32>,
      %get3A_238 = vector.shape_cast %get3A_237 : vector<16xi32> to vector<16xi32>
      %add3A_239 = vector.broadcast %mul3A_4 : i32 to vector<16xi32>
      %add3A_240 = arith.addi %get3A_238, %add3A_239 : vector<16xi32>
      %swap3A_241 = arith.constant 80 : index
      %swap3A_242 = tpu.vector_load %arg13[%swap3A_241] {strides = array<i32>} : memref<128xi32, #tpu.memory_space<vmem>>, vector<16xi32>,
      %swap3A_243 = vector.shape_cast %swap3A_242 : vector<16xi32> to vector<16xi32>
      %swap3A_244 = vector.shape_cast %add3A_240 : vector<16xi32> to vector<16xi32>
      tpu.vector_store %arg13[%swap3A_241], %swap3A_244 {strides = array<i32>} : memref<128xi32, #tpu.memory_space<vmem>>, vector<16xi32>,
      %get3A_245 = arith.constant 96 : index
      %get3A_246 = tpu.vector_load %arg13[%get3A_245] {strides = array<i32>} : memref<128xi32, #tpu.memory_space<vmem>>, vector<16xi32>,
      %get3A_247 = vector.shape_cast %get3A_246 : vector<16xi32> to vector<16xi32>
      %add3A_248 = vector.broadcast %mul3A_4 : i32 to vector<16xi32>
      %add3A_249 = arith.addi %get3A_247, %add3A_248 : vector<16xi32>
      %swap3A_250 = arith.constant 96 : index
      %swap3A_251 = tpu.vector_load %arg13[%swap3A_250] {strides = array<i32>} : memref<128xi32, #tpu.memory_space<vmem>>, vector<16xi32>,
      %swap3A_252 = vector.shape_cast %swap3A_251 : vector<16xi32> to vector<16xi32>
      %swap3A_253 = vector.shape_cast %add3A_249 : vector<16xi32> to vector<16xi32>
      tpu.vector_store %arg13[%swap3A_250], %swap3A_253 {strides = array<i32>} : memref<128xi32, #tpu.memory_space<vmem>>, vector<16xi32>,
      %get3A_254 = arith.constant 112 : index
      %get3A_255 = tpu.vector_load %arg13[%get3A_254] {strides = array<i32>} : memref<128xi32, #tpu.memory_space<vmem>>, vector<16xi32>,
      %get3A_256 = vector.shape_cast %get3A_255 : vector<16xi32> to vector<16xi32>
      %add3A_257 = vector.broadcast %mul3A_4 : i32 to vector<16xi32>
      %add3A_258 = arith.addi %get3A_256, %add3A_257 : vector<16xi32>
      %swap3A_259 = arith.constant 112 : index
      %swap3A_260 = tpu.vector_load %arg13[%swap3A_259] {strides = array<i32>} : memref<128xi32, #tpu.memory_space<vmem>>, vector<16xi32>,
      %swap3A_261 = vector.shape_cast %swap3A_260 : vector<16xi32> to vector<16xi32>
      %swap3A_262 = vector.shape_cast %add3A_258 : vector<16xi32> to vector<16xi32>
      tpu.vector_store %arg13[%swap3A_259], %swap3A_262 {strides = array<i32>} : memref<128xi32, #tpu.memory_space<vmem>>, vector<16xi32>,
      %dma_start3A_263 = arith.constant 0 : i32
      %dma_start3A_264 = arith.constant 0 : i32
      %dma_start3A_265 = tpu.memref_slice %arg2[%dma_start3A_263, %dma_start3A_264] : memref<20000x128xf32, #tpu.memory_space<hbm>> -> memref<20000x128xf32, #tpu.memory_space<hbm>>
      tpu.enqueue_indirect_dma source(%dma_start3A_265 : memref<20000x128xf32, #tpu.memory_space<hbm>>) target(%arg15 : memref<128x128xf32, #tpu.memory_space<vmem>>) offsets(%arg13 : memref<128xi32, #tpu.memory_space<vmem>>) semaphore(%arg18 : memref<!tpu.dma_semaphore, #tpu.memory_space<semaphore_mem>>)
      %dma_wait3A = arith.constant 0 : i32
      %dma_wait3A_266 = arith.constant 0 : i32
      %dma_wait3A_267 = tpu.memref_slice %arg2[%dma_wait3A, %dma_wait3A_266] : memref<20000x128xf32, #tpu.memory_space<hbm>> -> memref<20000x128xf32, #tpu.memory_space<hbm>>
      tpu.wait_indirect_dma semaphore(%arg16 : memref<!tpu.dma_semaphore, #tpu.memory_space<semaphore_mem>>) src(%dma_wait3A_267 : memref<20000x128xf32, #tpu.memory_space<hbm>>) dst(%arg9 : memref<128x128xf32, #tpu.memory_space<vmem>>)
      "tpu.region"() ({
        %run_scoped3A_274 = tpu.sem_alloc : memref<!tpu.dma_semaphore, #tpu.memory_space<semaphore_mem>>
        %dma_start3A_275 = arith.constant 0 : i32
        %dma_start3A_276 = arith.constant 0 : i32
        %dma_start3A_277 = tpu.memref_slice %arg6[%dma_start3A_275, %dma_start3A_276] : memref<10000x128xf32, #tpu.memory_space<vmem_shared>> -> memref<10000x128xf32, #tpu.memory_space<vmem_shared>>
        tpu.enqueue_indirect_dma source(%arg9 : memref<128x128xf32, #tpu.memory_space<vmem>>) target(%dma_start3A_277 : memref<10000x128xf32, #tpu.memory_space<vmem_shared>>) offsets(%arg8 : memref<128xi32, #tpu.memory_space<vmem>>) semaphore(%run_scoped3A_274 : memref<!tpu.dma_semaphore, #tpu.memory_space<semaphore_mem>>) {add = true}
        %dma_wait3A_278 = arith.constant 0 : i32
        %dma_wait3A_279 = arith.constant 0 : i32
        %dma_wait3A_280 = tpu.memref_slice %arg6[%dma_wait3A_278, %dma_wait3A_279] : memref<10000x128xf32, #tpu.memory_space<vmem_shared>> -> memref<10000x128xf32, #tpu.memory_space<vmem_shared>>
        tpu.wait_indirect_dma semaphore(%run_scoped3A_274 : memref<!tpu.dma_semaphore, #tpu.memory_space<semaphore_mem>>) src(%arg9 : memref<128x128xf32, #tpu.memory_space<vmem>>) dst(%dma_wait3A_280 : memref<10000x128xf32, #tpu.memory_space<vmem_shared>>)
        tpu.yield
      }) : () -> ()
      %dma_wait3A_268 = arith.constant 0 : i32
      %dma_wait3A_269 = arith.constant 0 : i32
      %dma_wait3A_270 = tpu.memref_slice %arg2[%dma_wait3A_268, %dma_wait3A_269] : memref<20000x128xf32, #tpu.memory_space<hbm>> -> memref<20000x128xf32, #tpu.memory_space<hbm>>
      tpu.wait_indirect_dma semaphore(%arg17 : memref<!tpu.dma_semaphore, #tpu.memory_space<semaphore_mem>>) src(%dma_wait3A_270 : memref<20000x128xf32, #tpu.memory_space<hbm>>) dst(%arg12 : memref<128x128xf32, #tpu.memory_space<vmem>>)
      "tpu.region"() ({
        %run_scoped3A_274 = tpu.sem_alloc : memref<!tpu.dma_semaphore, #tpu.memory_space<semaphore_mem>>
        %dma_start3A_275 = arith.constant 0 : i32
        %dma_start3A_276 = arith.constant 0 : i32
        %dma_start3A_277 = tpu.memref_slice %arg6[%dma_start3A_275, %dma_start3A_276] : memref<10000x128xf32, #tpu.memory_space<vmem_shared>> -> memref<10000x128xf32, #tpu.memory_space<vmem_shared>>
        tpu.enqueue_indirect_dma source(%arg12 : memref<128x128xf32, #tpu.memory_space<vmem>>) target(%dma_start3A_277 : memref<10000x128xf32, #tpu.memory_space<vmem_shared>>) offsets(%arg11 : memref<128xi32, #tpu.memory_space<vmem>>) semaphore(%run_scoped3A_274 : memref<!tpu.dma_semaphore, #tpu.memory_space<semaphore_mem>>) {add = true}
        %dma_wait3A_278 = arith.constant 0 : i32
        %dma_wait3A_279 = arith.constant 0 : i32
        %dma_wait3A_280 = tpu.memref_slice %arg6[%dma_wait3A_278, %dma_wait3A_279] : memref<10000x128xf32, #tpu.memory_space<vmem_shared>> -> memref<10000x128xf32, #tpu.memory_space<vmem_shared>>
        tpu.wait_indirect_dma semaphore(%run_scoped3A_274 : memref<!tpu.dma_semaphore, #tpu.memory_space<semaphore_mem>>) src(%arg12 : memref<128x128xf32, #tpu.memory_space<vmem>>) dst(%dma_wait3A_280 : memref<10000x128xf32, #tpu.memory_space<vmem_shared>>)
        tpu.yield
      }) : () -> ()
      %dma_wait3A_271 = arith.constant 0 : i32
      %dma_wait3A_272 = arith.constant 0 : i32
      %dma_wait3A_273 = tpu.memref_slice %arg2[%dma_wait3A_271, %dma_wait3A_272] : memref<20000x128xf32, #tpu.memory_space<hbm>> -> memref<20000x128xf32, #tpu.memory_space<hbm>>
      tpu.wait_indirect_dma semaphore(%arg18 : memref<!tpu.dma_semaphore, #tpu.memory_space<semaphore_mem>>) src(%dma_wait3A_273 : memref<20000x128xf32, #tpu.memory_space<hbm>>) dst(%arg15 : memref<128x128xf32, #tpu.memory_space<vmem>>)
      "tpu.region"() ({
        %run_scoped3A_274 = tpu.sem_alloc : memref<!tpu.dma_semaphore, #tpu.memory_space<semaphore_mem>>
        %dma_start3A_275 = arith.constant 0 : i32
        %dma_start3A_276 = arith.constant 0 : i32
        %dma_start3A_277 = tpu.memref_slice %arg6[%dma_start3A_275, %dma_start3A_276] : memref<10000x128xf32, #tpu.memory_space<vmem_shared>> -> memref<10000x128xf32, #tpu.memory_space<vmem_shared>>
        tpu.enqueue_indirect_dma source(%arg15 : memref<128x128xf32, #tpu.memory_space<vmem>>) target(%dma_start3A_277 : memref<10000x128xf32, #tpu.memory_space<vmem_shared>>) offsets(%arg14 : memref<128xi32, #tpu.memory_space<vmem>>) semaphore(%run_scoped3A_274 : memref<!tpu.dma_semaphore, #tpu.memory_space<semaphore_mem>>) {add = true}
        %dma_wait3A_278 = arith.constant 0 : i32
        %dma_wait3A_279 = arith.constant 0 : i32
        %dma_wait3A_280 = tpu.memref_slice %arg6[%dma_wait3A_278, %dma_wait3A_279] : memref<10000x128xf32, #tpu.memory_space<vmem_shared>> -> memref<10000x128xf32, #tpu.memory_space<vmem_shared>>
        tpu.wait_indirect_dma semaphore(%run_scoped3A_274 : memref<!tpu.dma_semaphore, #tpu.memory_space<semaphore_mem>>) src(%arg15 : memref<128x128xf32, #tpu.memory_space<vmem>>) dst(%dma_wait3A_280 : memref<10000x128xf32, #tpu.memory_space<vmem_shared>>)
        tpu.yield
      }) : () -> ()
    }
    %scan3A_9 = arith.constant 52 : i32
    %lt3A = arith.constant 4 : i32
    %lt3A_10 = arith.cmpi slt, %arg1, %lt3A : i32
    %convert_element_type3A_11 = arith.extui %lt3A_10 : i1 to i32
    %cond3A_12 = arith.constant 0 : i32
    %cond3A_13 = arith.cmpi ne, %convert_element_type3A_11, %cond3A_12 : i32
    scf.if %cond3A_13 {
      %add3A = arith.constant 2496 : i32
      %add3A_24 = arith.addi %add3A, %arg1 : i32
      %mul3A_25 = arith.constant 128 : i32
      %mul3A_26 = arith.muli %add3A_24, %mul3A_25 : i32
      %run_scoped3A = arith.constant 0 : i32
      "tpu.region"() ({
        %run_scoped3A_102 = tpu.sem_alloc : memref<!tpu.dma_semaphore, #tpu.memory_space<semaphore_mem>>
        %dma_start3A_103 = tpu.memref_slice %arg3[%run_scoped3A, %mul3A_26] : memref<2x320000xi32, #tpu.memory_space<hbm>> -> memref<1x128xi32, #tpu.memory_space<hbm>>
        %dma_start3A_104 = tpu.memref_squeeze %dma_start3A_103 : memref<1x128xi32, #tpu.memory_space<hbm>> -> memref<128xi32, #tpu.memory_space<hbm>>
        %dma_start3A_105 = tpu.memref_slice %arg3[%run_scoped3A, %mul3A_26] : memref<2x320000xi32, #tpu.memory_space<hbm>> -> memref<1x128xi32, #tpu.memory_space<hbm>>
        %dma_start3A_106 = tpu.memref_squeeze %dma_start3A_105 : memref<1x128xi32, #tpu.memory_space<hbm>> -> memref<128xi32, #tpu.memory_space<hbm>>
        tpu.enqueue_dma source(%dma_start3A_106 : memref<128xi32, #tpu.memory_space<hbm>>) target(%arg7 : memref<128xi32, #tpu.memory_space<vmem>>) target_semaphore(%run_scoped3A_102 : memref<!tpu.dma_semaphore, #tpu.memory_space<semaphore_mem>>)
        %dma_wait3A_107 = tpu.memref_slice %arg3[%run_scoped3A, %mul3A_26] : memref<2x320000xi32, #tpu.memory_space<hbm>> -> memref<1x128xi32, #tpu.memory_space<hbm>>
        %dma_wait3A_108 = tpu.memref_squeeze %dma_wait3A_107 : memref<1x128xi32, #tpu.memory_space<hbm>> -> memref<128xi32, #tpu.memory_space<hbm>>
        %dma_wait3A_109 = tpu.memref_slice %arg3[%run_scoped3A, %mul3A_26] : memref<2x320000xi32, #tpu.memory_space<hbm>> -> memref<1x128xi32, #tpu.memory_space<hbm>>
        %dma_wait3A_110 = tpu.memref_squeeze %dma_wait3A_109 : memref<1x128xi32, #tpu.memory_space<hbm>> -> memref<128xi32, #tpu.memory_space<hbm>>
        tpu.wait_dma2 semaphore(%run_scoped3A_102 : memref<!tpu.dma_semaphore, #tpu.memory_space<semaphore_mem>>) src(%dma_wait3A_110 : memref<128xi32, #tpu.memory_space<hbm>>) dst(%arg7 : memref<128xi32, #tpu.memory_space<vmem>>)
        tpu.yield
      }) : () -> ()
      %run_scoped3A_27 = arith.constant 1 : i32
      "tpu.region"() ({
        %run_scoped3A_102 = tpu.sem_alloc : memref<!tpu.dma_semaphore, #tpu.memory_space<semaphore_mem>>
        %dma_start3A_103 = tpu.memref_slice %arg3[%run_scoped3A_27, %mul3A_26] : memref<2x320000xi32, #tpu.memory_space<hbm>> -> memref<1x128xi32, #tpu.memory_space<hbm>>
        %dma_start3A_104 = tpu.memref_squeeze %dma_start3A_103 : memref<1x128xi32, #tpu.memory_space<hbm>> -> memref<128xi32, #tpu.memory_space<hbm>>
        %dma_start3A_105 = tpu.memref_slice %arg3[%run_scoped3A_27, %mul3A_26] : memref<2x320000xi32, #tpu.memory_space<hbm>> -> memref<1x128xi32, #tpu.memory_space<hbm>>
        %dma_start3A_106 = tpu.memref_squeeze %dma_start3A_105 : memref<1x128xi32, #tpu.memory_space<hbm>> -> memref<128xi32, #tpu.memory_space<hbm>>
        tpu.enqueue_dma source(%dma_start3A_106 : memref<128xi32, #tpu.memory_space<hbm>>) target(%arg8 : memref<128xi32, #tpu.memory_space<vmem>>) target_semaphore(%run_scoped3A_102 : memref<!tpu.dma_semaphore, #tpu.memory_space<semaphore_mem>>)
        %dma_wait3A_107 = tpu.memref_slice %arg3[%run_scoped3A_27, %mul3A_26] : memref<2x320000xi32, #tpu.memory_space<hbm>> -> memref<1x128xi32, #tpu.memory_space<hbm>>
        %dma_wait3A_108 = tpu.memref_squeeze %dma_wait3A_107 : memref<1x128xi32, #tpu.memory_space<hbm>> -> memref<128xi32, #tpu.memory_space<hbm>>
        %dma_wait3A_109 = tpu.memref_slice %arg3[%run_scoped3A_27, %mul3A_26] : memref<2x320000xi32, #tpu.memory_space<hbm>> -> memref<1x128xi32, #tpu.memory_space<hbm>>
        %dma_wait3A_110 = tpu.memref_squeeze %dma_wait3A_109 : memref<1x128xi32, #tpu.memory_space<hbm>> -> memref<128xi32, #tpu.memory_space<hbm>>
        tpu.wait_dma2 semaphore(%run_scoped3A_102 : memref<!tpu.dma_semaphore, #tpu.memory_space<semaphore_mem>>) src(%dma_wait3A_110 : memref<128xi32, #tpu.memory_space<hbm>>) dst(%arg8 : memref<128xi32, #tpu.memory_space<vmem>>)
        tpu.yield
      }) : () -> ()
      %get3A = arith.constant 0 : index
      %get3A_28 = tpu.vector_load %arg7[%get3A] {strides = array<i32>} : memref<128xi32, #tpu.memory_space<vmem>>, vector<16xi32>,
      %get3A_29 = vector.shape_cast %get3A_28 : vector<16xi32> to vector<16xi32>
      %add3A_30 = vector.broadcast %mul3A_4 : i32 to vector<16xi32>
      %add3A_31 = arith.addi %get3A_29, %add3A_30 : vector<16xi32>
      %swap3A = arith.constant 0 : index
      %swap3A_32 = tpu.vector_load %arg7[%swap3A] {strides = array<i32>} : memref<128xi32, #tpu.memory_space<vmem>>, vector<16xi32>,
      %swap3A_33 = vector.shape_cast %swap3A_32 : vector<16xi32> to vector<16xi32>
      %swap3A_34 = vector.shape_cast %add3A_31 : vector<16xi32> to vector<16xi32>
      tpu.vector_store %arg7[%swap3A], %swap3A_34 {strides = array<i32>} : memref<128xi32, #tpu.memory_space<vmem>>, vector<16xi32>,
      %get3A_35 = arith.constant 16 : index
      %get3A_36 = tpu.vector_load %arg7[%get3A_35] {strides = array<i32>} : memref<128xi32, #tpu.memory_space<vmem>>, vector<16xi32>,
      %get3A_37 = vector.shape_cast %get3A_36 : vector<16xi32> to vector<16xi32>
      %add3A_38 = vector.broadcast %mul3A_4 : i32 to vector<16xi32>
      %add3A_39 = arith.addi %get3A_37, %add3A_38 : vector<16xi32>
      %swap3A_40 = arith.constant 16 : index
      %swap3A_41 = tpu.vector_load %arg7[%swap3A_40] {strides = array<i32>} : memref<128xi32, #tpu.memory_space<vmem>>, vector<16xi32>,
      %swap3A_42 = vector.shape_cast %swap3A_41 : vector<16xi32> to vector<16xi32>
      %swap3A_43 = vector.shape_cast %add3A_39 : vector<16xi32> to vector<16xi32>
      tpu.vector_store %arg7[%swap3A_40], %swap3A_43 {strides = array<i32>} : memref<128xi32, #tpu.memory_space<vmem>>, vector<16xi32>,
      %get3A_44 = arith.constant 32 : index
      %get3A_45 = tpu.vector_load %arg7[%get3A_44] {strides = array<i32>} : memref<128xi32, #tpu.memory_space<vmem>>, vector<16xi32>,
      %get3A_46 = vector.shape_cast %get3A_45 : vector<16xi32> to vector<16xi32>
      %add3A_47 = vector.broadcast %mul3A_4 : i32 to vector<16xi32>
      %add3A_48 = arith.addi %get3A_46, %add3A_47 : vector<16xi32>
      %swap3A_49 = arith.constant 32 : index
      %swap3A_50 = tpu.vector_load %arg7[%swap3A_49] {strides = array<i32>} : memref<128xi32, #tpu.memory_space<vmem>>, vector<16xi32>,
      %swap3A_51 = vector.shape_cast %swap3A_50 : vector<16xi32> to vector<16xi32>
      %swap3A_52 = vector.shape_cast %add3A_48 : vector<16xi32> to vector<16xi32>
      tpu.vector_store %arg7[%swap3A_49], %swap3A_52 {strides = array<i32>} : memref<128xi32, #tpu.memory_space<vmem>>, vector<16xi32>,
      %get3A_53 = arith.constant 48 : index
      %get3A_54 = tpu.vector_load %arg7[%get3A_53] {strides = array<i32>} : memref<128xi32, #tpu.memory_space<vmem>>, vector<16xi32>,
      %get3A_55 = vector.shape_cast %get3A_54 : vector<16xi32> to vector<16xi32>
      %add3A_56 = vector.broadcast %mul3A_4 : i32 to vector<16xi32>
      %add3A_57 = arith.addi %get3A_55, %add3A_56 : vector<16xi32>
      %swap3A_58 = arith.constant 48 : index
      %swap3A_59 = tpu.vector_load %arg7[%swap3A_58] {strides = array<i32>} : memref<128xi32, #tpu.memory_space<vmem>>, vector<16xi32>,
      %swap3A_60 = vector.shape_cast %swap3A_59 : vector<16xi32> to vector<16xi32>
      %swap3A_61 = vector.shape_cast %add3A_57 : vector<16xi32> to vector<16xi32>
      tpu.vector_store %arg7[%swap3A_58], %swap3A_61 {strides = array<i32>} : memref<128xi32, #tpu.memory_space<vmem>>, vector<16xi32>,
      %get3A_62 = arith.constant 64 : index
      %get3A_63 = tpu.vector_load %arg7[%get3A_62] {strides = array<i32>} : memref<128xi32, #tpu.memory_space<vmem>>, vector<16xi32>,
      %get3A_64 = vector.shape_cast %get3A_63 : vector<16xi32> to vector<16xi32>
      %add3A_65 = vector.broadcast %mul3A_4 : i32 to vector<16xi32>
      %add3A_66 = arith.addi %get3A_64, %add3A_65 : vector<16xi32>
      %swap3A_67 = arith.constant 64 : index
      %swap3A_68 = tpu.vector_load %arg7[%swap3A_67] {strides = array<i32>} : memref<128xi32, #tpu.memory_space<vmem>>, vector<16xi32>,
      %swap3A_69 = vector.shape_cast %swap3A_68 : vector<16xi32> to vector<16xi32>
      %swap3A_70 = vector.shape_cast %add3A_66 : vector<16xi32> to vector<16xi32>
      tpu.vector_store %arg7[%swap3A_67], %swap3A_70 {strides = array<i32>} : memref<128xi32, #tpu.memory_space<vmem>>, vector<16xi32>,
      %get3A_71 = arith.constant 80 : index
      %get3A_72 = tpu.vector_load %arg7[%get3A_71] {strides = array<i32>} : memref<128xi32, #tpu.memory_space<vmem>>, vector<16xi32>,
      %get3A_73 = vector.shape_cast %get3A_72 : vector<16xi32> to vector<16xi32>
      %add3A_74 = vector.broadcast %mul3A_4 : i32 to vector<16xi32>
      %add3A_75 = arith.addi %get3A_73, %add3A_74 : vector<16xi32>
      %swap3A_76 = arith.constant 80 : index
      %swap3A_77 = tpu.vector_load %arg7[%swap3A_76] {strides = array<i32>} : memref<128xi32, #tpu.memory_space<vmem>>, vector<16xi32>,
      %swap3A_78 = vector.shape_cast %swap3A_77 : vector<16xi32> to vector<16xi32>
      %swap3A_79 = vector.shape_cast %add3A_75 : vector<16xi32> to vector<16xi32>
      tpu.vector_store %arg7[%swap3A_76], %swap3A_79 {strides = array<i32>} : memref<128xi32, #tpu.memory_space<vmem>>, vector<16xi32>,
      %get3A_80 = arith.constant 96 : index
      %get3A_81 = tpu.vector_load %arg7[%get3A_80] {strides = array<i32>} : memref<128xi32, #tpu.memory_space<vmem>>, vector<16xi32>,
      %get3A_82 = vector.shape_cast %get3A_81 : vector<16xi32> to vector<16xi32>
      %add3A_83 = vector.broadcast %mul3A_4 : i32 to vector<16xi32>
      %add3A_84 = arith.addi %get3A_82, %add3A_83 : vector<16xi32>
      %swap3A_85 = arith.constant 96 : index
      %swap3A_86 = tpu.vector_load %arg7[%swap3A_85] {strides = array<i32>} : memref<128xi32, #tpu.memory_space<vmem>>, vector<16xi32>,
      %swap3A_87 = vector.shape_cast %swap3A_86 : vector<16xi32> to vector<16xi32>
      %swap3A_88 = vector.shape_cast %add3A_84 : vector<16xi32> to vector<16xi32>
      tpu.vector_store %arg7[%swap3A_85], %swap3A_88 {strides = array<i32>} : memref<128xi32, #tpu.memory_space<vmem>>, vector<16xi32>,
      %get3A_89 = arith.constant 112 : index
      %get3A_90 = tpu.vector_load %arg7[%get3A_89] {strides = array<i32>} : memref<128xi32, #tpu.memory_space<vmem>>, vector<16xi32>,
      %get3A_91 = vector.shape_cast %get3A_90 : vector<16xi32> to vector<16xi32>
      %add3A_92 = vector.broadcast %mul3A_4 : i32 to vector<16xi32>
      %add3A_93 = arith.addi %get3A_91, %add3A_92 : vector<16xi32>
      %swap3A_94 = arith.constant 112 : index
      %swap3A_95 = tpu.vector_load %arg7[%swap3A_94] {strides = array<i32>} : memref<128xi32, #tpu.memory_space<vmem>>, vector<16xi32>,
      %swap3A_96 = vector.shape_cast %swap3A_95 : vector<16xi32> to vector<16xi32>
      %swap3A_97 = vector.shape_cast %add3A_93 : vector<16xi32> to vector<16xi32>
      tpu.vector_store %arg7[%swap3A_94], %swap3A_97 {strides = array<i32>} : memref<128xi32, #tpu.memory_space<vmem>>, vector<16xi32>,
      %dma_start3A = arith.constant 0 : i32
      %dma_start3A_98 = arith.constant 0 : i32
      %dma_start3A_99 = tpu.memref_slice %arg2[%dma_start3A, %dma_start3A_98] : memref<20000x128xf32, #tpu.memory_space<hbm>> -> memref<20000x128xf32, #tpu.memory_space<hbm>>
      tpu.enqueue_indirect_dma source(%dma_start3A_99 : memref<20000x128xf32, #tpu.memory_space<hbm>>) target(%arg9 : memref<128x128xf32, #tpu.memory_space<vmem>>) offsets(%arg7 : memref<128xi32, #tpu.memory_space<vmem>>) semaphore(%arg16 : memref<!tpu.dma_semaphore, #tpu.memory_space<semaphore_mem>>)
      %dma_wait3A = arith.constant 0 : i32
      %dma_wait3A_100 = arith.constant 0 : i32
      %dma_wait3A_101 = tpu.memref_slice %arg2[%dma_wait3A, %dma_wait3A_100] : memref<20000x128xf32, #tpu.memory_space<hbm>> -> memref<20000x128xf32, #tpu.memory_space<hbm>>
      tpu.wait_indirect_dma semaphore(%arg16 : memref<!tpu.dma_semaphore, #tpu.memory_space<semaphore_mem>>) src(%dma_wait3A_101 : memref<20000x128xf32, #tpu.memory_space<hbm>>) dst(%arg9 : memref<128x128xf32, #tpu.memory_space<vmem>>)
      "tpu.region"() ({
        %run_scoped3A_102 = tpu.sem_alloc : memref<!tpu.dma_semaphore, #tpu.memory_space<semaphore_mem>>
        %dma_start3A_103 = arith.constant 0 : i32
        %dma_start3A_104 = arith.constant 0 : i32
        %dma_start3A_105 = tpu.memref_slice %arg6[%dma_start3A_103, %dma_start3A_104] : memref<10000x128xf32, #tpu.memory_space<vmem_shared>> -> memref<10000x128xf32, #tpu.memory_space<vmem_shared>>
        tpu.enqueue_indirect_dma source(%arg9 : memref<128x128xf32, #tpu.memory_space<vmem>>) target(%dma_start3A_105 : memref<10000x128xf32, #tpu.memory_space<vmem_shared>>) offsets(%arg8 : memref<128xi32, #tpu.memory_space<vmem>>) semaphore(%run_scoped3A_102 : memref<!tpu.dma_semaphore, #tpu.memory_space<semaphore_mem>>) {add = true}
        %dma_wait3A_106 = arith.constant 0 : i32
        %dma_wait3A_107 = arith.constant 0 : i32
        %dma_wait3A_108 = tpu.memref_slice %arg6[%dma_wait3A_106, %dma_wait3A_107] : memref<10000x128xf32, #tpu.memory_space<vmem_shared>> -> memref<10000x128xf32, #tpu.memory_space<vmem_shared>>
        tpu.wait_indirect_dma semaphore(%run_scoped3A_102 : memref<!tpu.dma_semaphore, #tpu.memory_space<semaphore_mem>>) src(%arg9 : memref<128x128xf32, #tpu.memory_space<vmem>>) dst(%dma_wait3A_108 : memref<10000x128xf32, #tpu.memory_space<vmem_shared>>)
        tpu.yield
      }) : () -> ()
    } else {
    }
    %barrier3A_14 = arith.constant 0 : index
    tpu.barrier barrier_id(%barrier3A_14)
    %mul3A_15 = arith.constant 624 : i32
    %mul3A_16 = arith.muli %arg1, %mul3A_15 : i32
    %mul3A_17 = arith.constant 624 : i32
    %mul3A_18 = arith.muli %arg1, %mul3A_17 : i32
    "tpu.region"() ({
      %run_scoped3A = tpu.sem_alloc : memref<!tpu.dma_semaphore, #tpu.memory_space<semaphore_mem>>
      %dma_start3A = arith.constant 0 : i32
      %dma_start3A_24 = tpu.memref_slice %arg5[%arg0, %mul3A_18, %dma_start3A] : memref<2x10000x128xf32, #tpu.memory_space<hbm>> -> memref<1x624x128xf32, #tpu.memory_space<hbm>>
      %dma_start3A_25 = tpu.memref_squeeze %dma_start3A_24 : memref<1x624x128xf32, #tpu.memory_space<hbm>> -> memref<624x128xf32, #tpu.memory_space<hbm>>
      %dma_start3A_26 = arith.constant 0 : i32
      %dma_start3A_27 = tpu.memref_slice %arg6[%mul3A_16, %dma_start3A_26] : memref<10000x128xf32, #tpu.memory_space<vmem_shared>> -> memref<624x128xf32, #tpu.memory_space<vmem_shared>>
      tpu.enqueue_dma source(%dma_start3A_27 : memref<624x128xf32, #tpu.memory_space<vmem_shared>>) target(%dma_start3A_25 : memref<624x128xf32, #tpu.memory_space<hbm>>) target_semaphore(%run_scoped3A : memref<!tpu.dma_semaphore, #tpu.memory_space<semaphore_mem>>)
      %dma_wait3A = arith.constant 0 : i32
      %dma_wait3A_28 = tpu.memref_slice %arg5[%arg0, %mul3A_18, %dma_wait3A] : memref<2x10000x128xf32, #tpu.memory_space<hbm>> -> memref<1x624x128xf32, #tpu.memory_space<hbm>>
      %dma_wait3A_29 = tpu.memref_squeeze %dma_wait3A_28 : memref<1x624x128xf32, #tpu.memory_space<hbm>> -> memref<624x128xf32, #tpu.memory_space<hbm>>
      %dma_wait3A_30 = arith.constant 0 : i32
      %dma_wait3A_31 = tpu.memref_slice %arg6[%mul3A_16, %dma_wait3A_30] : memref<10000x128xf32, #tpu.memory_space<vmem_shared>> -> memref<624x128xf32, #tpu.memory_space<vmem_shared>>
      tpu.wait_dma2 semaphore(%run_scoped3A : memref<!tpu.dma_semaphore, #tpu.memory_space<semaphore_mem>>) src(%dma_wait3A_31 : memref<624x128xf32, #tpu.memory_space<vmem_shared>>) dst(%dma_wait3A_29 : memref<624x128xf32, #tpu.memory_space<hbm>>)
      tpu.yield
    }) : () -> ()
    %eq3A_19 = arith.constant 15 : i32
    %eq3A_20 = arith.cmpi eq, %arg1, %eq3A_19 : i32
    %convert_element_type3A_21 = arith.extui %eq3A_20 : i1 to i32
    %cond3A_22 = arith.constant 0 : i32
    %cond3A_23 = arith.cmpi ne, %convert_element_type3A_21, %cond3A_22 : i32
    scf.if %cond3A_23 {
      "tpu.region"() ({
        %run_scoped3A = tpu.sem_alloc : memref<!tpu.dma_semaphore, #tpu.memory_space<semaphore_mem>>
        %dma_start3A = arith.constant 9984 : i32
        %dma_start3A_24 = arith.constant 0 : i32
        %dma_start3A_25 = tpu.memref_slice %arg5[%arg0, %dma_start3A, %dma_start3A_24] : memref<2x10000x128xf32, #tpu.memory_space<hbm>> -> memref<1x16x128xf32, #tpu.memory_space<hbm>>
        %dma_start3A_26 = tpu.memref_squeeze %dma_start3A_25 : memref<1x16x128xf32, #tpu.memory_space<hbm>> -> memref<16x128xf32, #tpu.memory_space<hbm>>
        %dma_start3A_27 = arith.constant 9984 : i32
        %dma_start3A_28 = arith.constant 0 : i32
        %dma_start3A_29 = tpu.memref_slice %arg6[%dma_start3A_27, %dma_start3A_28] : memref<10000x128xf32, #tpu.memory_space<vmem_shared>> -> memref<16x128xf32, #tpu.memory_space<vmem_shared>>
        tpu.enqueue_dma source(%dma_start3A_29 : memref<16x128xf32, #tpu.memory_space<vmem_shared>>) target(%dma_start3A_26 : memref<16x128xf32, #tpu.memory_space<hbm>>) target_semaphore(%run_scoped3A : memref<!tpu.dma_semaphore, #tpu.memory_space<semaphore_mem>>)
        %dma_wait3A = arith.constant 9984 : i32
        %dma_wait3A_30 = arith.constant 0 : i32
        %dma_wait3A_31 = tpu.memref_slice %arg5[%arg0, %dma_wait3A, %dma_wait3A_30] : memref<2x10000x128xf32, #tpu.memory_space<hbm>> -> memref<1x16x128xf32, #tpu.memory_space<hbm>>
        %dma_wait3A_32 = tpu.memref_squeeze %dma_wait3A_31 : memref<1x16x128xf32, #tpu.memory_space<hbm>> -> memref<16x128xf32, #tpu.memory_space<hbm>>
        %dma_wait3A_33 = arith.constant 9984 : i32
        %dma_wait3A_34 = arith.constant 0 : i32
        %dma_wait3A_35 = tpu.memref_slice %arg6[%dma_wait3A_33, %dma_wait3A_34] : memref<10000x128xf32, #tpu.memory_space<vmem_shared>> -> memref<16x128xf32, #tpu.memory_space<vmem_shared>>
        tpu.wait_dma2 semaphore(%run_scoped3A : memref<!tpu.dma_semaphore, #tpu.memory_space<semaphore_mem>>) src(%dma_wait3A_35 : memref<16x128xf32, #tpu.memory_space<vmem_shared>>) dst(%dma_wait3A_32 : memref<16x128xf32, #tpu.memory_space<hbm>>)
        tpu.yield
      }) : () -> ()
    } else {
    }
    return
  }
}

module attributes {stable_mosaic.version = 14 : i64} {
  func.func @_h_body(%arg0: i32, %arg1: memref<2x1000x128xf32, #tpu.memory_space<vmem>>, %arg2: memref<2x1000x128xf32, #tpu.memory_space<vmem>>, %arg3: memref<1000x128xf32, #tpu.memory_space<vmem>>, %arg4: memref<128x256xf32, #tpu.memory_space<vmem>>, %arg5: memref<128x256xf32, #tpu.memory_space<vmem>>, %arg6: memref<1x256xf32, #tpu.memory_space<vmem>>, %arg7: memref<2x1000x128xf32, #tpu.memory_space<vmem>>) attributes {dimension_semantics = [#tpu.dimension_semantics<arbitrary>], iteration_bounds = array<i64: 10>, scalar_prefetch = 0 : i64, scratch_operands = 0 : i64, tpu.core_type = #tpu.core_type<tc>, window_params = [{transform_indices = @transform_0, window_bounds = array<i64: 2, 1000, 128>}, {transform_indices = @transform_1, window_bounds = array<i64: 2, 1000, 128>}, {transform_indices = @transform_2, window_bounds = array<i64: 1000, 128>}, {pipeline_mode = #tpu.pipeline_mode<synchronous>, transform_indices = @transform_3, window_bounds = array<i64: 128, 256>}, {pipeline_mode = #tpu.pipeline_mode<synchronous>, transform_indices = @transform_4, window_bounds = array<i64: 128, 256>}, {pipeline_mode = #tpu.pipeline_mode<synchronous>, transform_indices = @transform_5, window_bounds = array<i64: 1, 256>}, {transform_indices = @transform_6, window_bounds = array<i64: 2, 1000, 128>}]} {
    %get3A = arith.constant 0 : index
    %get3A_0 = arith.constant 0 : index
    %get3A_1 = arith.constant 0 : index
    %get3A_2 = vector.load %arg1[%get3A, %get3A_0, %get3A_1] : memref<2x1000x128xf32, #tpu.memory_space<vmem>>, vector<1x1000x128xf32>
    %get3A_3 = vector.shape_cast %get3A_2 : vector<1x1000x128xf32> to vector<1000x128xf32>
    %get3A_4 = arith.constant 1 : index
    %get3A_5 = arith.constant 0 : index
    %get3A_6 = arith.constant 0 : index
    %get3A_7 = vector.load %arg1[%get3A_4, %get3A_5, %get3A_6] : memref<2x1000x128xf32, #tpu.memory_space<vmem>>, vector<1x1000x128xf32>
    %get3A_8 = vector.shape_cast %get3A_7 : vector<1x1000x128xf32> to vector<1000x128xf32>
    %add3A = arith.addf %get3A_3, %get3A_8 : vector<1000x128xf32>
    %get3A_9 = arith.constant 0 : index
    %get3A_10 = arith.constant 0 : index
    %get3A_11 = arith.constant 0 : index
    %get3A_12 = vector.load %arg2[%get3A_9, %get3A_10, %get3A_11] : memref<2x1000x128xf32, #tpu.memory_space<vmem>>, vector<1x1000x128xf32>
    %get3A_13 = vector.shape_cast %get3A_12 : vector<1x1000x128xf32> to vector<1000x128xf32>
    %slice3A = vector.extract_strided_slice %get3A_13 {offsets = [0, 0], sizes = [1000, 1], strides = [1, 1]} : vector<1000x128xf32> to vector<1000x1xf32>
    %get3A_14 = arith.constant 1 : index
    %get3A_15 = arith.constant 0 : index
    %get3A_16 = arith.constant 0 : index
    %get3A_17 = vector.load %arg2[%get3A_14, %get3A_15, %get3A_16] : memref<2x1000x128xf32, #tpu.memory_space<vmem>>, vector<1x1000x128xf32>
    %get3A_18 = vector.shape_cast %get3A_17 : vector<1x1000x128xf32> to vector<1000x128xf32>
    %slice3A_19 = vector.extract_strided_slice %get3A_18 {offsets = [0, 0], sizes = [1000, 1], strides = [1, 1]} : vector<1000x128xf32> to vector<1000x1xf32>
    %add3A_20 = arith.addf %slice3A, %slice3A_19 : vector<1000x1xf32>
    %max3A = arith.constant 1.000000e+00 : f32
    %max3A_21 = vector.broadcast %max3A : f32 to vector<1000x1xf32>
    %max3A_22 = arith.maximumf %add3A_20, %max3A_21 : vector<1000x1xf32>
    %div3A = arith.constant 1.000000e+00 : f32
    %div3A_23 = vector.broadcast %div3A : f32 to vector<1000x1xf32>
    %div3A_24 = arith.divf %div3A_23, %max3A_22 : vector<1000x1xf32>
    %mul3A = vector.broadcast %div3A_24 : vector<1000x1xf32> to vector<1000x128xf32>
    %mul3A_25 = arith.mulf %add3A, %mul3A : vector<1000x128xf32>
    %get3A_26 = arith.constant 0 : index
    %get3A_27 = arith.constant 0 : index
    %get3A_28 = vector.load %arg4[%get3A_26, %get3A_27] : memref<128x256xf32, #tpu.memory_space<vmem>>, vector<128x256xf32>
    %dot_general3A = arith.constant dense<0.000000e+00> : vector<1000x256xf32>
    %dot_general3A_29 = tpu.matmul %mul3A_25, %get3A_28, %dot_general3A {dimension_numbers = #tpu.dot_dimension_numbers<[1], [0], [0], [1], [0, 0, 1, 1], [], []>, transpose_lhs_hint = false} : vector<1000x128xf32>, vector<128x256xf32>, vector<1000x256xf32> -> vector<1000x256xf32>
    %get3A_30 = arith.constant 0 : index
    %get3A_31 = arith.constant 0 : index
    %get3A_32 = vector.load %arg3[%get3A_30, %get3A_31] : memref<1000x128xf32, #tpu.memory_space<vmem>>, vector<1000x128xf32>
    %get3A_33 = arith.constant 0 : index
    %get3A_34 = arith.constant 0 : index
    %get3A_35 = vector.load %arg5[%get3A_33, %get3A_34] : memref<128x256xf32, #tpu.memory_space<vmem>>, vector<128x256xf32>
    %dot_general3A_36 = arith.constant dense<0.000000e+00> : vector<1000x256xf32>
    %dot_general3A_37 = tpu.matmul %get3A_32, %get3A_35, %dot_general3A_36 {dimension_numbers = #tpu.dot_dimension_numbers<[1], [0], [0], [1], [0, 0, 1, 1], [], []>, transpose_lhs_hint = false} : vector<1000x128xf32>, vector<128x256xf32>, vector<1000x256xf32> -> vector<1000x256xf32>
    %add3A_38 = arith.addf %dot_general3A_29, %dot_general3A_37 : vector<1000x256xf32>
    %get3A_39 = arith.constant 0 : index
    %get3A_40 = arith.constant 0 : index
    %get3A_41 = vector.load %arg6[%get3A_39, %get3A_40] : memref<1x256xf32, #tpu.memory_space<vmem>>, vector<1x256xf32>
    %add3A_42 = vector.broadcast %get3A_41 : vector<1x256xf32> to vector<1000x256xf32>
    %add3A_43 = arith.addf %add3A_38, %add3A_42 : vector<1000x256xf32>
    %max3A_44 = arith.constant 0.000000e+00 : f32
    %max3A_45 = vector.broadcast %max3A_44 : f32 to vector<1000x256xf32>
    %max3A_46 = arith.maximumf %add3A_43, %max3A_45 : vector<1000x256xf32>
    %slice3A_47 = vector.extract_strided_slice %max3A_46 {offsets = [0, 0], sizes = [1000, 128], strides = [1, 1]} : vector<1000x256xf32> to vector<1000x128xf32>
    %swap3A = arith.constant 0 : index
    %swap3A_48 = arith.constant 0 : index
    %swap3A_49 = arith.constant 0 : index
    %swap3A_50 = vector.load %arg7[%swap3A, %swap3A_48, %swap3A_49] : memref<2x1000x128xf32, #tpu.memory_space<vmem>>, vector<1x1000x128xf32>
    %swap3A_51 = vector.shape_cast %swap3A_50 : vector<1x1000x128xf32> to vector<1000x128xf32>
    %swap3A_52 = vector.shape_cast %slice3A_47 : vector<1000x128xf32> to vector<1x1000x128xf32>
    tpu.vector_store %arg7[%swap3A, %swap3A_48, %swap3A_49], %swap3A_52 {strides = array<i32>} : memref<2x1000x128xf32, #tpu.memory_space<vmem>>, vector<1x1000x128xf32>,
    %slice3A_53 = vector.extract_strided_slice %max3A_46 {offsets = [0, 128], sizes = [1000, 128], strides = [1, 1]} : vector<1000x256xf32> to vector<1000x128xf32>
    %swap3A_54 = arith.constant 1 : index
    %swap3A_55 = arith.constant 0 : index
    %swap3A_56 = arith.constant 0 : index
    %swap3A_57 = vector.load %arg7[%swap3A_54, %swap3A_55, %swap3A_56] : memref<2x1000x128xf32, #tpu.memory_space<vmem>>, vector<1x1000x128xf32>
    %swap3A_58 = vector.shape_cast %swap3A_57 : vector<1x1000x128xf32> to vector<1000x128xf32>
    %swap3A_59 = vector.shape_cast %slice3A_53 : vector<1000x128xf32> to vector<1x1000x128xf32>
    tpu.vector_store %arg7[%swap3A_54, %swap3A_55, %swap3A_56], %swap3A_59 {strides = array<i32>} : memref<2x1000x128xf32, #tpu.memory_space<vmem>>, vector<1x1000x128xf32>,
    return
  }
  func.func @transform_0(%arg0: i32) -> (i32, i32, i32) {
    %c0_i32 = arith.constant 0 : i32
    %c0_i32_0 = arith.constant 0 : i32
    %c0_i32_1 = arith.constant 0 : i32
    return %c0_i32, %arg0, %c0_i32_0 : i32, i32, i32
  }
  func.func @transform_1(%arg0: i32) -> (i32, i32, i32) {
    %c0_i32 = arith.constant 0 : i32
    %c0_i32_0 = arith.constant 0 : i32
    %c0_i32_1 = arith.constant 0 : i32
    return %c0_i32, %arg0, %c0_i32_0 : i32, i32, i32
  }
  func.func @transform_2(%arg0: i32) -> (i32, i32) {
    %c0_i32 = arith.constant 0 : i32
    %c0_i32_0 = arith.constant 0 : i32
    return %arg0, %c0_i32 : i32, i32
  }
  func.func @transform_3(%arg0: i32) -> (i32, i32) {
    %c0_i32 = arith.constant 0 : i32
    %c0_i32_0 = arith.constant 0 : i32
    %c0_i32_1 = arith.constant 0 : i32
    return %c0_i32, %c0_i32_0 : i32, i32
  }
  func.func @transform_4(%arg0: i32) -> (i32, i32) {
    %c0_i32 = arith.constant 0 : i32
    %c0_i32_0 = arith.constant 0 : i32
    %c0_i32_1 = arith.constant 0 : i32
    return %c0_i32, %c0_i32_0 : i32, i32
  }
  func.func @transform_5(%arg0: i32) -> (i32, i32) {
    %c0_i32 = arith.constant 0 : i32
    %c0_i32_0 = arith.constant 0 : i32
    %c0_i32_1 = arith.constant 0 : i32
    return %c0_i32, %c0_i32_0 : i32, i32
  }
  func.func @transform_6(%arg0: i32) -> (i32, i32, i32) {
    %c0_i32 = arith.constant 0 : i32
    %c0_i32_0 = arith.constant 0 : i32
    %c0_i32_1 = arith.constant 0 : i32
    return %c0_i32, %arg0, %c0_i32_0 : i32, i32, i32
  }
}

module attributes {stable_mosaic.version = 14 : i64} {
  func.func @_mm_body(%arg0: i32, %arg1: memref<1000x512xf32, #tpu.memory_space<vmem>>, %arg2: memref<512x128xf32, #tpu.memory_space<vmem>>, %arg3: memref<1x128xf32, #tpu.memory_space<vmem>>, %arg4: memref<1000x128xf32, #tpu.memory_space<vmem>>) attributes {dimension_semantics = [#tpu.dimension_semantics<arbitrary>], iteration_bounds = array<i64: 10>, scalar_prefetch = 0 : i64, scratch_operands = 0 : i64, tpu.core_type = #tpu.core_type<tc>, window_params = [{transform_indices = @transform_0, window_bounds = array<i64: 1000, 512>}, {pipeline_mode = #tpu.pipeline_mode<synchronous>, transform_indices = @transform_1, window_bounds = array<i64: 512, 128>}, {pipeline_mode = #tpu.pipeline_mode<synchronous>, transform_indices = @transform_2, window_bounds = array<i64: 1, 128>}, {transform_indices = @transform_3, window_bounds = array<i64: 1000, 128>}]} {
    %get3A = arith.constant 0 : index
    %get3A_0 = arith.constant 0 : index
    %get3A_1 = vector.load %arg1[%get3A, %get3A_0] : memref<1000x512xf32, #tpu.memory_space<vmem>>, vector<1000x512xf32>
    %get3A_2 = arith.constant 0 : index
    %get3A_3 = arith.constant 0 : index
    %get3A_4 = vector.load %arg2[%get3A_2, %get3A_3] : memref<512x128xf32, #tpu.memory_space<vmem>>, vector<512x128xf32>
    %dot_general3A = arith.constant dense<0.000000e+00> : vector<1000x128xf32>
    %dot_general3A_5 = tpu.matmul %get3A_1, %get3A_4, %dot_general3A {dimension_numbers = #tpu.dot_dimension_numbers<[1], [0], [0], [1], [0, 0, 1, 1], [], []>, transpose_lhs_hint = false} : vector<1000x512xf32>, vector<512x128xf32>, vector<1000x128xf32> -> vector<1000x128xf32>
    %get3A_6 = arith.constant 0 : index
    %get3A_7 = arith.constant 0 : index
    %get3A_8 = vector.load %arg3[%get3A_6, %get3A_7] : memref<1x128xf32, #tpu.memory_space<vmem>>, vector<1x128xf32>
    %add3A = vector.broadcast %get3A_8 : vector<1x128xf32> to vector<1000x128xf32>
    %add3A_9 = arith.addf %dot_general3A_5, %add3A : vector<1000x128xf32>
    %swap3A = arith.constant 0 : index
    %swap3A_10 = arith.constant 0 : index
    %swap3A_11 = vector.load %arg4[%swap3A, %swap3A_10] : memref<1000x128xf32, #tpu.memory_space<vmem>>, vector<1000x128xf32>
    tpu.vector_store %arg4[%swap3A, %swap3A_10], %add3A_9 {strides = array<i32>} : memref<1000x128xf32, #tpu.memory_space<vmem>>, vector<1000x128xf32>,
    return
  }
  func.func @transform_0(%arg0: i32) -> (i32, i32) {
    %c0_i32 = arith.constant 0 : i32
    %c0_i32_0 = arith.constant 0 : i32
    return %arg0, %c0_i32 : i32, i32
  }
  func.func @transform_1(%arg0: i32) -> (i32, i32) {
    %c0_i32 = arith.constant 0 : i32
    %c0_i32_0 = arith.constant 0 : i32
    %c0_i32_1 = arith.constant 0 : i32
    return %c0_i32, %c0_i32_0 : i32, i32
  }
  func.func @transform_2(%arg0: i32) -> (i32, i32) {
    %c0_i32 = arith.constant 0 : i32
    %c0_i32_0 = arith.constant 0 : i32
    %c0_i32_1 = arith.constant 0 : i32
    return %c0_i32, %c0_i32_0 : i32, i32
  }
  func.func @transform_3(%arg0: i32) -> (i32, i32) {
    %c0_i32 = arith.constant 0 : i32
    %c0_i32_0 = arith.constant 0 : i32
    return %arg0, %c0_i32 : i32, i32
  }
}

module attributes {stable_mosaic.version = 14 : i64} {
  func.func @_out_body(%arg0: i32, %arg1: memref<2x1000x128xf32, #tpu.memory_space<vmem>>, %arg2: memref<2x1000x128xf32, #tpu.memory_space<vmem>>, %arg3: memref<2x1000x128xf32, #tpu.memory_space<vmem>>, %arg4: memref<2x128x64xf32, #tpu.memory_space<vmem>>, %arg5: memref<2x128x64xf32, #tpu.memory_space<vmem>>, %arg6: memref<1x64xf32, #tpu.memory_space<vmem>>, %arg7: memref<1000x64xf32, #tpu.memory_space<vmem>>) attributes {dimension_semantics = [#tpu.dimension_semantics<arbitrary>], iteration_bounds = array<i64: 10>, scalar_prefetch = 0 : i64, scratch_operands = 0 : i64, tpu.core_type = #tpu.core_type<tc>, window_params = [{transform_indices = @transform_0, window_bounds = array<i64: 2, 1000, 128>}, {transform_indices = @transform_1, window_bounds = array<i64: 2, 1000, 128>}, {transform_indices = @transform_2, window_bounds = array<i64: 2, 1000, 128>}, {pipeline_mode = #tpu.pipeline_mode<synchronous>, transform_indices = @transform_3, window_bounds = array<i64: 2, 128, 64>}, {pipeline_mode = #tpu.pipeline_mode<synchronous>, transform_indices = @transform_4, window_bounds = array<i64: 2, 128, 64>}, {pipeline_mode = #tpu.pipeline_mode<synchronous>, transform_indices = @transform_5, window_bounds = array<i64: 1, 64>}, {transform_indices = @transform_6, window_bounds = array<i64: 1000, 64>}]} {
    %get3A = arith.constant 0 : index
    %get3A_0 = arith.constant 0 : index
    %get3A_1 = arith.constant 0 : index
    %get3A_2 = vector.load %arg2[%get3A, %get3A_0, %get3A_1] : memref<2x1000x128xf32, #tpu.memory_space<vmem>>, vector<1x1000x128xf32>
    %get3A_3 = vector.shape_cast %get3A_2 : vector<1x1000x128xf32> to vector<1000x128xf32>
    %slice3A = vector.extract_strided_slice %get3A_3 {offsets = [0, 0], sizes = [1000, 1], strides = [1, 1]} : vector<1000x128xf32> to vector<1000x1xf32>
    %get3A_4 = arith.constant 1 : index
    %get3A_5 = arith.constant 0 : index
    %get3A_6 = arith.constant 0 : index
    %get3A_7 = vector.load %arg2[%get3A_4, %get3A_5, %get3A_6] : memref<2x1000x128xf32, #tpu.memory_space<vmem>>, vector<1x1000x128xf32>
    %get3A_8 = vector.shape_cast %get3A_7 : vector<1x1000x128xf32> to vector<1000x128xf32>
    %slice3A_9 = vector.extract_strided_slice %get3A_8 {offsets = [0, 0], sizes = [1000, 1], strides = [1, 1]} : vector<1000x128xf32> to vector<1000x1xf32>
    %add3A = arith.addf %slice3A, %slice3A_9 : vector<1000x1xf32>
    %max3A = arith.constant 1.000000e+00 : f32
    %max3A_10 = vector.broadcast %max3A : f32 to vector<1000x1xf32>
    %max3A_11 = arith.maximumf %add3A, %max3A_10 : vector<1000x1xf32>
    %div3A = arith.constant 1.000000e+00 : f32
    %div3A_12 = vector.broadcast %div3A : f32 to vector<1000x1xf32>
    %div3A_13 = arith.divf %div3A_12, %max3A_11 : vector<1000x1xf32>
    %get3A_14 = arith.constant 0 : index
    %get3A_15 = arith.constant 0 : index
    %get3A_16 = arith.constant 0 : index
    %get3A_17 = vector.load %arg1[%get3A_14, %get3A_15, %get3A_16] : memref<2x1000x128xf32, #tpu.memory_space<vmem>>, vector<1x1000x128xf32>
    %get3A_18 = vector.shape_cast %get3A_17 : vector<1x1000x128xf32> to vector<1000x128xf32>
    %mul3A = vector.broadcast %div3A_13 : vector<1000x1xf32> to vector<1000x128xf32>
    %mul3A_19 = arith.mulf %get3A_18, %mul3A : vector<1000x128xf32>
    %get3A_20 = arith.constant 1 : index
    %get3A_21 = arith.constant 0 : index
    %get3A_22 = arith.constant 0 : index
    %get3A_23 = vector.load %arg1[%get3A_20, %get3A_21, %get3A_22] : memref<2x1000x128xf32, #tpu.memory_space<vmem>>, vector<1x1000x128xf32>
    %get3A_24 = vector.shape_cast %get3A_23 : vector<1x1000x128xf32> to vector<1000x128xf32>
    %mul3A_25 = vector.broadcast %div3A_13 : vector<1000x1xf32> to vector<1000x128xf32>
    %mul3A_26 = arith.mulf %get3A_24, %mul3A_25 : vector<1000x128xf32>
    %get3A_27 = arith.constant 0 : index
    %get3A_28 = arith.constant 0 : index
    %get3A_29 = arith.constant 0 : index
    %get3A_30 = vector.load %arg4[%get3A_27, %get3A_28, %get3A_29] : memref<2x128x64xf32, #tpu.memory_space<vmem>>, vector<1x128x64xf32>
    %get3A_31 = vector.shape_cast %get3A_30 : vector<1x128x64xf32> to vector<128x64xf32>
    %dot_general3A = arith.constant dense<0.000000e+00> : vector<1000x64xf32>
    %dot_general3A_32 = tpu.matmul %mul3A_19, %get3A_31, %dot_general3A {dimension_numbers = #tpu.dot_dimension_numbers<[1], [0], [0], [1], [0, 0, 1, 1], [], []>, transpose_lhs_hint = false} : vector<1000x128xf32>, vector<128x64xf32>, vector<1000x64xf32> -> vector<1000x64xf32>
    %get3A_33 = arith.constant 1 : index
    %get3A_34 = arith.constant 0 : index
    %get3A_35 = arith.constant 0 : index
    %get3A_36 = vector.load %arg4[%get3A_33, %get3A_34, %get3A_35] : memref<2x128x64xf32, #tpu.memory_space<vmem>>, vector<1x128x64xf32>
    %get3A_37 = vector.shape_cast %get3A_36 : vector<1x128x64xf32> to vector<128x64xf32>
    %dot_general3A_38 = arith.constant dense<0.000000e+00> : vector<1000x64xf32>
    %dot_general3A_39 = tpu.matmul %mul3A_26, %get3A_37, %dot_general3A_38 {dimension_numbers = #tpu.dot_dimension_numbers<[1], [0], [0], [1], [0, 0, 1, 1], [], []>, transpose_lhs_hint = false} : vector<1000x128xf32>, vector<128x64xf32>, vector<1000x64xf32> -> vector<1000x64xf32>
    %add3A_40 = arith.addf %dot_general3A_32, %dot_general3A_39 : vector<1000x64xf32>
    %get3A_41 = arith.constant 0 : index
    %get3A_42 = arith.constant 0 : index
    %get3A_43 = arith.constant 0 : index
    %get3A_44 = vector.load %arg3[%get3A_41, %get3A_42, %get3A_43] : memref<2x1000x128xf32, #tpu.memory_space<vmem>>, vector<1x1000x128xf32>
    %get3A_45 = vector.shape_cast %get3A_44 : vector<1x1000x128xf32> to vector<1000x128xf32>
    %get3A_46 = arith.constant 0 : index
    %get3A_47 = arith.constant 0 : index
    %get3A_48 = arith.constant 0 : index
    %get3A_49 = vector.load %arg5[%get3A_46, %get3A_47, %get3A_48] : memref<2x128x64xf32, #tpu.memory_space<vmem>>, vector<1x128x64xf32>
    %get3A_50 = vector.shape_cast %get3A_49 : vector<1x128x64xf32> to vector<128x64xf32>
    %dot_general3A_51 = arith.constant dense<0.000000e+00> : vector<1000x64xf32>
    %dot_general3A_52 = tpu.matmul %get3A_45, %get3A_50, %dot_general3A_51 {dimension_numbers = #tpu.dot_dimension_numbers<[1], [0], [0], [1], [0, 0, 1, 1], [], []>, transpose_lhs_hint = false} : vector<1000x128xf32>, vector<128x64xf32>, vector<1000x64xf32> -> vector<1000x64xf32>
    %add3A_53 = arith.addf %add3A_40, %dot_general3A_52 : vector<1000x64xf32>
    %get3A_54 = arith.constant 1 : index
    %get3A_55 = arith.constant 0 : index
    %get3A_56 = arith.constant 0 : index
    %get3A_57 = vector.load %arg3[%get3A_54, %get3A_55, %get3A_56] : memref<2x1000x128xf32, #tpu.memory_space<vmem>>, vector<1x1000x128xf32>
    %get3A_58 = vector.shape_cast %get3A_57 : vector<1x1000x128xf32> to vector<1000x128xf32>
    %get3A_59 = arith.constant 1 : index
    %get3A_60 = arith.constant 0 : index
    %get3A_61 = arith.constant 0 : index
    %get3A_62 = vector.load %arg5[%get3A_59, %get3A_60, %get3A_61] : memref<2x128x64xf32, #tpu.memory_space<vmem>>, vector<1x128x64xf32>
    %get3A_63 = vector.shape_cast %get3A_62 : vector<1x128x64xf32> to vector<128x64xf32>
    %dot_general3A_64 = arith.constant dense<0.000000e+00> : vector<1000x64xf32>
    %dot_general3A_65 = tpu.matmul %get3A_58, %get3A_63, %dot_general3A_64 {dimension_numbers = #tpu.dot_dimension_numbers<[1], [0], [0], [1], [0, 0, 1, 1], [], []>, transpose_lhs_hint = false} : vector<1000x128xf32>, vector<128x64xf32>, vector<1000x64xf32> -> vector<1000x64xf32>
    %add3A_66 = arith.addf %add3A_53, %dot_general3A_65 : vector<1000x64xf32>
    %get3A_67 = arith.constant 0 : index
    %get3A_68 = arith.constant 0 : index
    %get3A_69 = vector.load %arg6[%get3A_67, %get3A_68] : memref<1x64xf32, #tpu.memory_space<vmem>>, vector<1x64xf32>
    %add3A_70 = vector.broadcast %get3A_69 : vector<1x64xf32> to vector<1000x64xf32>
    %add3A_71 = arith.addf %add3A_66, %add3A_70 : vector<1000x64xf32>
    %swap3A = arith.constant 0 : index
    %swap3A_72 = arith.constant 0 : index
    %swap3A_73 = vector.load %arg7[%swap3A, %swap3A_72] : memref<1000x64xf32, #tpu.memory_space<vmem>>, vector<1000x64xf32>
    tpu.vector_store %arg7[%swap3A, %swap3A_72], %add3A_71 {strides = array<i32>} : memref<1000x64xf32, #tpu.memory_space<vmem>>, vector<1000x64xf32>,
    return
  }
  func.func @transform_0(%arg0: i32) -> (i32, i32, i32) {
    %c0_i32 = arith.constant 0 : i32
    %c0_i32_0 = arith.constant 0 : i32
    %c0_i32_1 = arith.constant 0 : i32
    return %c0_i32, %arg0, %c0_i32_0 : i32, i32, i32
  }
  func.func @transform_1(%arg0: i32) -> (i32, i32, i32) {
    %c0_i32 = arith.constant 0 : i32
    %c0_i32_0 = arith.constant 0 : i32
    %c0_i32_1 = arith.constant 0 : i32
    return %c0_i32, %arg0, %c0_i32_0 : i32, i32, i32
  }
  func.func @transform_2(%arg0: i32) -> (i32, i32, i32) {
    %c0_i32 = arith.constant 0 : i32
    %c0_i32_0 = arith.constant 0 : i32
    %c0_i32_1 = arith.constant 0 : i32
    return %c0_i32, %arg0, %c0_i32_0 : i32, i32, i32
  }
  func.func @transform_3(%arg0: i32) -> (i32, i32, i32) {
    %c0_i32 = arith.constant 0 : i32
    %c0_i32_0 = arith.constant 0 : i32
    %c0_i32_1 = arith.constant 0 : i32
    %c0_i32_2 = arith.constant 0 : i32
    return %c0_i32, %c0_i32_0, %c0_i32_1 : i32, i32, i32
  }
  func.func @transform_4(%arg0: i32) -> (i32, i32, i32) {
    %c0_i32 = arith.constant 0 : i32
    %c0_i32_0 = arith.constant 0 : i32
    %c0_i32_1 = arith.constant 0 : i32
    %c0_i32_2 = arith.constant 0 : i32
    return %c0_i32, %c0_i32_0, %c0_i32_1 : i32, i32, i32
  }
  func.func @transform_5(%arg0: i32) -> (i32, i32) {
    %c0_i32 = arith.constant 0 : i32
    %c0_i32_0 = arith.constant 0 : i32
    %c0_i32_1 = arith.constant 0 : i32
    return %c0_i32, %c0_i32_0 : i32, i32
  }
  func.func @transform_6(%arg0: i32) -> (i32, i32) {
    %c0_i32 = arith.constant 0 : i32
    %c0_i32_0 = arith.constant 0 : i32
    return %arg0, %c0_i32 : i32, i32
  }
}

</mosaic_0001>

<sc_bundles>
// kernel: kernel.10.cloned.1.call-start
scs
__scs_entry_jumppad:
0x0: {  	(pc) =	sbr.rel $0x88, $3  }
0x1: {  	(tag) =	ssettag $0x0;
	lr =	simm.s32 $0x1  }
0x2: {  	[smem:$0x3F97] =	sst lr;
	_ =	strace $0xD0000000  }
0x3: {  	_ = 	snop  }
0x4: {  	_ = 	snop  }
0x5: {  	_ = 	snop  }
0x6: {  	_ = 	snop  }
0x7: {  	_ = 	snop  }
__scs_overlays_trampoline_lowered:
0x8: {  	[smem:$0x3FA6] =	sst s0  }
0x9: {  	[smem:$0x3FA7] =	sst s1  }
0xa: {  	[smem:$0x3FA8] =	sst s2  }
0xb: {  	[smem:$0x3FA9] =	sst s3  }
0xc: {  	[smem:$0x3FAA] =	sst s4  }
0xd: {  	[smem:$0x3FAB] =	sst s5  }
0xe: {  	[smem:$0x3FAC] =	sst s6  }
0xf: {  	[smem:$0x3FAD] =	sst s7  }
0x10: {  	[smem:$0x3FAE] =	sst s8  }
0x11: {  	[smem:$0x3FAF] =	sst s9;
	s0 =	simm.s32 @!p0 $0x0  }
0x12: {  	s1 =	sld [smem:$0x3F95];
	s0 =	simm.s32 @p0 $0x1  }
0x13: {  	[smem:$0x3FB0] =	sst s0;
	s0 =	simm.s32 @!p1 $0x0  }
0x14: {  	s2 =	sld [smem:$0x3F94];
	s0 =	simm.s32 @p1 $0x1  }
0x15: {  	[smem:$0x3FB1] =	sst s0;
	s0 =	simm.s32 @!p2 $0x0  }
0x16: {  	s3 =	sld [smem:$0x3FDB];
	s0 =	simm.s32 @p2 $0x1  }
0x17: {  	s4 =	simm.s32 $0x1BF5;
	[smem:$0x3FB3] =	sst s0  }
0x18: {  	s0 =	sld [smem:$0x3F96];
	_ =	swait.ge [sflag:s4], $0x0  }
0x19: {  	s7 =	sld [smem:$0x3F97]  }
0x1a: {  	s8 =	sadd.s32 $0xFFFFE003, lr  }
0x1b: {  	s9 =	sadd.s32 $0xFFFFFEF7, lr;
	s5 =	simm.s32 $0xFFFFFFFF;
	p2 =	slt.u32 s8, $0xFFFFF086  }
0x1c: {  	p1 =	slt.u32 s9, $0xF7A;
	s5 =	simm.s32 @!p2 $0x0  }
0x1d: {  	s5 =	simm.s32 @p1 $0x1;
	p0 =	seq.s32 s7, s2  }
0x1e: {  	s7 =	smul.u32 @!p0 $0xF7A, s2;
	p2 =	seq.s32 @!p0 s5, $0x0  }
0x1f: {  	s9 =	smul.u32 $0xF7A, s1;
	s8 =	simm.s32 @!p0 $0x1BF5;
	p2 =	por !p2, p0  }
0x20: {  	[sflag:s8] =	ssyncset.s32 @!p0 $0xFFFFF086;
	s6 =	sadd.s32 @!p0 s3, s7;
	s7 =	simm.s32 @!p0 $0x108  }
0x21: {  	s3 =	sadd.s32 s3, s9;
	s6 =	sadd.s32 @!p0 $0x88, s6;
	s7 =	simm.s32 @p2 $0x1082  }
0x22: {  	[simem:s7], [sflag:s8] =	dma.local @!p0 [hbm:s6], $0xF7A  }
0x23: {  	s9 =	sor.u32 $0xD0000000, s2;
	s6 =	simm.s32 $0x108;
	_ =	swait.ge @!p0 [sflag:s8], $0x0  }
0x24: {  	s3 =	sadd.s32 $0x88, s3;
	s6 =	simm.s32 @!p1 $0x1082;
	[sflag:s4] =	ssyncset.s32 $0xFFFFF086  }
0x25: {  	[simem:s6], [sflag:s4] =	dma.local [hbm:s3], $0xF7A  }
0x26: {  	[smem:$0x3F97] =	sst s1;
	(tag) =	ssettag s2;
	_ =	strace s9  }
0x27: {  	s1 =	sld [smem:$0x3FA7]  }
0x28: {  	s2 =	sld [smem:$0x3FA8]  }
0x29: {  	s4 =	sld [smem:$0x3FAA]  }
0x2a: {  	p0 =	seq.s32 s5, $0x0;
	s5 =	sld [smem:$0x3FAB]  }
0x2b: {  	s6 =	sld [smem:$0x3FAC]  }
0x2c: {  	s7 =	sld [smem:$0x3FAD]  }
0x2d: {  	s3 =	simm.s32 $0x108;
	s8 =	sld [smem:$0x3FAE]  }
0x2e: {  	s3 =	simm.s32 @!p0 $0x1082;
	s9 =	sld [smem:$0x3FAF]  }
0x2f: {  	lr =	sadd.s32 s0, s3;
	s0 =	sld [smem:$0x3FA6]  }
0x30: {  	s3 =	sld [smem:$0x3FA9]  }
0x31: {  	[smem:$0x3FB2] =	sst s10  }
0x32: {  	s10 =	sld [smem:$0x3FB0];
	_ =	sdelay $0x3  }
0x33: {  	p0 =	seq.s32 s10, $0x1;
	s10 =	sld [smem:$0x3FB2];
	_ =	sdelay $0x3  }
0x34: {  	[smem:$0x3FB2] =	sst s10  }
0x35: {  	s10 =	sld [smem:$0x3FB1];
	_ =	sdelay $0x3  }
0x36: {  	p1 =	seq.s32 s10, $0x1;
	s10 =	sld [smem:$0x3FB2];
	_ =	sdelay $0x3  }
0x37: {  	[smem:$0x3FB2] =	sst s10  }
0x38: {  	s10 =	sld [smem:$0x3FB3]  }
0x39: {  	_ = 	snop;
	(pc) =	sbr.ind lr, $3  }
0x3a: {  	_ = 	snop  }
0x3b: {  	_ = 	snop  }
0x3c: {  	p2 =	seq.s32 s10, $0x1;
	s10 =	sld [smem:$0x3FB2]  }
0x3d: {  	_ =	shalt  }
0x3e: {  	_ =	shalt  }
0x3f: {  	_ =	shalt  }
0x40: {  	_ =	shalt  }
0x41: {  	_ =	shalt  }
0x42: {  	_ =	shalt  }
0x43: {  	_ =	shalt  }
0x44: {  	_ =	shalt  }
0x45: {  	_ =	shalt  }
0x46: {  	_ =	shalt  }
0x47: {  	_ =	shalt  }
0x48: {  	_ =	shalt  }
0x49: {  	_ =	shalt  }
0x4a: {  	_ =	shalt  }
0x4b: {  	_ =	shalt  }
0x4c: {  	_ =	shalt  }
0x4d: {  	_ =	shalt  }
0x4e: {  	_ =	shalt  }
0x4f: {  	_ =	shalt  }
0x50: {  	_ =	shalt  }
0x51: {  	_ =	shalt  }
0x52: {  	_ =	shalt  }
0x53: {  	_ =	shalt  }
0x54: {  	_ =	shalt  }
0x55: {  	_ =	shalt  }
0x56: {  	_ =	shalt  }
0x57: {  	_ =	shalt  }
0x58: {  	_ =	shalt  }
0x59: {  	_ =	shalt  }
0x5a: {  	_ =	shalt  }
0x5b: {  	_ =	shalt  }
0x5c: {  	_ =	shalt  }
0x5d: {  	_ =	shalt  }
0x5e: {  	_ =	shalt  }
0x5f: {  	_ =	shalt  }
0x60: {  	_ =	shalt  }
0x61: {  	_ =	shalt  }
0x62: {  	_ =	shalt  }
0x63: {  	_ =	shalt  }
0x64: {  	_ =	shalt  }
0x65: {  	_ =	shalt  }
0x66: {  	_ =	shalt  }
0x67: {  	_ =	shalt  }
0x68: {  	_ =	shalt  }
0x69: {  	_ =	shalt  }
0x6a: {  	_ =	shalt  }
0x6b: {  	_ =	shalt  }
0x6c: {  	_ =	shalt  }
0x6d: {  	_ =	shalt  }
0x6e: {  	_ =	shalt  }
0x6f: {  	_ =	shalt  }
0x70: {  	_ =	shalt  }
0x71: {  	_ =	shalt  }
0x72: {  	_ =	shalt  }
0x73: {  	_ =	shalt  }
0x74: {  	_ =	shalt  }
0x75: {  	_ =	shalt  }
0x76: {  	_ =	shalt  }
0x77: {  	_ =	shalt  }
0x78: {  	_ =	shalt  }
0x79: {  	_ =	shalt  }
0x7a: {  	_ =	shalt  }
0x7b: {  	_ =	shalt  }
0x7c: {  	_ =	shalt  }
0x7d: {  	_ =	shalt  }
0x7e: {  	_ =	shalt  }
0x7f: {  	_ =	shalt  }
0x80: {  	_ =	shalt  }
0x81: {  	_ =	shalt  }
0x82: {  	_ =	shalt  }
0x83: {  	_ =	shalt  }
0x84: {  	_ =	shalt  }
0x85: {  	_ =	shalt  }
0x86: {  	_ =	shalt  }
0x87: {  	_ =	shalt  }
.Lfunc_end0:
.L_simem_size_0:
called_computation.1_lowered:
.L_overlay_start_0:
0x88: {  	s2 =	sld [smem:$0x3FD9]  }
0x89: {  	s3 =	sld [smem:$0x3FFE];
	_ =	sdelay $0x1  }
0x8a: {  	s1 =	srdreg.scid  }
0x8b: {  	s0 =	sand.u32 $0x1, s1  }
0x8c: {  	s17 =	sshll.u32 s0, $0xA;
	s2 =	sadd.s32 s3, s2  }
0x8d: {  	s2 =	sadd.s32 s2, s17  }
0x8e: {  	[smem:$0x3FBE] =	sst s2  }
0x8f: {  	_ = 	snop  }
0x90: {  	s2 =	sld [smem:$0x3FC0]  }
0x91: {  	s18 =	sld [smem:$0x3FD0];
	(tm) =	ssettm $0x1  }
0x92: {  	s4 =	sld [smem:$0x3FFB];
	_ =	sdelay $0x3  }
0x93: {  	_ =	strace s4  }
0x94: {  	s4 =	sld [smem:$0x3FFC];
	_ =	sdelay $0x3  }
0x95: {  	_ =	strace s4  }
0x96: {  	s4 =	sld [smem:$0x3FFD];
	_ =	sdelay $0x3  }
0x97: {  	_ =	strace s4  }
0x98: {  	_ =	strace $0x8FFFFFFF  }
0x99: {  	s19 =	sld [smem:$0x3FDB];
	_ =	sdelay $0x1  }
0x9a: {  	s5 =	simm.s32 $_scs_section_size  }
0x9b: {  	s6 =	simm.s32 $_size__tile_overlayer_lowered;
	s7 =	simm.s32 $_tile_overlayer_lowered  }
0x9c: {  	s22 =	simm.s32 $0x1BFF;
	s21 =	sshll.u32 s7, $0x1;
	s4 =	sadd.s32 s5, s19  }
0x9d: {  	s8 =	simm.s32 $0x0;
	s20 =	sshll.u32 s6, $0x1;
	s6 =	sadd.s32 s21, s4  }
0x9e: {  	[timem:s8], [sflag:s22] =	dma.local [hbm:s6], s20  }
0x9f: {  	_ =	swait.ge [sflag:s22], s20  }
0xa0: {  	s5 =	ssub.s32 $0x0, s20;
	[sflag:s22] =	ssyncset.done $0x0  }
0xa1: {  	[sflag:s22] =	ssyncadd.s32 s5;
	_ =	sdelay $0x1  }
0xa2: {  	s23 =	simm.s32 $0x1B8B  }
0xa3: {  	_ =	swait.ge [sflag:s23], $0x1  }
0xa4: {  	[sflag:s23] =	ssyncset.done $0x0  }
0xa5: {  	s25 =	simm.s32 $0x1B8E;
	s24 =	sld [smem:$0x3FFE];
	[sflag:s23] =	ssyncadd.s32 $0xFFFFFFFF  }
0xa6: {  	s26 =	simm.s32 $execute0_lowered;
	[smem:$0x3FD2] =	sst s25  }
0xa7: {  	s6 =	sshll.u32 s26, $0x1;
	_ =	strace $0x80000049;
	[dreg:$0x1] =	wrdreg $0xFFFFFFFF  }
0xa8: {  	s28 =	simm.s32 $_size_execute0_lowered;
	s4 =	sadd.s32 s4, s6;
	[dreg:$0x0] =	wrdreg $0x0  }
0xa9: {  	s6 =	sshll.u32 s28, $0x1;
	[dreg:$0x2] =	wrdreg s4  }
0xaa: {  	[dreg:$0x3] =	wrdreg s6  }
0xab: {  	[dreg:$0x4] =	wrdreg $0xC0  }
0xac: {  	_ =	task [dreg:s8], $0x5FFFF  }
0xad: {  	[dreg:$0x1] =	wrdreg $0xFFFFFFFF  }
0xae: {  	[dreg:$0x0] =	wrdreg $0x60  }
0xaf: {  	[dreg:$0x2] =	wrdreg s24  }
0xb0: {  	[dreg:$0x3] =	wrdreg s2  }
0xb1: {  	[dreg:$0x4] =	wrdreg s18  }
0xb2: {  	[dreg:$0x5] =	wrdreg $0x0  }
0xb3: {  	[dreg:$0x6] =	wrdreg $0x9  }
0xb4: {  	_ =	task.clear_ibuf [dreg:s8], $0x7FFFF;
	_ =	strace $0x90000049  }
0xb5: {  	s29 =	simm.s32 $0x9;
	_ =	strace $0x8000004B  }
0xb6: {  	_ =	swait.ge [sflag:s29], $0x1  }
0xb7: {  	[sflag:s29] =	ssyncadd.s32 $0xFFFFFFFF  }
0xb8: {  	_ =	strace $0x9000004B  }
0xb9: {  	_ =	sfence  }
0xba: {  	s30 =	sld [smem:$0x0];
	_ =	sdelay $0x2  }
0xbb: {  	s31 =	sshll.u32 s1, $0xD;
	s1 =	sshrl.u32 s1, $0x2  }
0xbc: {  	s3 =	sand.u32 $0x4000, s31;
	s1 =	sadd.s32 s1, s30  }
0xbd: {  	s0 =	sor.u32 s3, s0;
	s1 =	sshll.u32 s1, $0x11  }
0xbe: {  	s0 =	sor.u32 s1, s0  }
0xbf: {  	s0 =	sadd.s32 $0x8F2B, s0  }
0xc0: {  	[sflag:s0] =	ssyncadd.remote.s32 $0x1  }
0xc1: {  	_ =	sfence.sel $0xFFFF  }
0xc2: {  	[dreg:$0x0] =	wrdreg $0xFFFFFFFF;
	(pc) =	sbr.abs _section_cstart, $3  }
0xc3: {  	[dreg:$0x1] =	wrdreg $0xFFFFFFFF  }
0xc4: {  	_ =	task.clear_ibuf [dreg:s8], $0x2FFFF;
	_ =	strace $0x9FFFFFFF  }
0xc5: {  	(tm) =	ssettm $0x7FFFFFFF  }
tec
execute0_lowered:
.L_overlay_start_1:
0x0: {  	(tag) =	ssettag $0x1  }
0x1: {  	s0 =	rddreg [dreg:$0x0]  }
0x2: {  	s12 =	rddreg [dreg:$0x1]  }
0x3: {  	s3 =	rddreg [dreg:$0x3];
	s5 =	srdreg.scid;
	s4 =	simm.s32 $0x0  }
0x4: {  	s1 =	stileid.u32;
	s17 =	simm.s32 $0x13900;
	s18 =	simm.s32 $0x80  }
0x5: {  	s19 =	simm.s32 $0x13980;
	s20 =	simm.s32 $0x17980;
	s21 =	simm.s32 $0x17A00  }
0x6: {  	s22 =	simm.s32 $0x17A80;
	s23 =	simm.s32 $0x1BA80;
	s29 =	simm.s32 $0x3  }
0x7: {  	s30 =	simm.s32 $0x0;
	s7 =	sand.u32 $0x1, s5;
	[smem:$0x7FF] =	sst s4  }
0x8: {  	s8 =	smul.u32 $0x4E000, s1;
	s5 =	sadd.s32 $0x2400, s0;
	s0 =	sadd.s32 $0xC6200, s0  }
0x9: {  	s25 =	sshll.u32 s1, $0x6;
	s31 =	sshll.u32 s1, $0x5;
	s10 =	smul.u32 $0x13800, s1  }
0xa: {  	s15 =	sadd.s32 $0x138000, s3;
	s16 =	smul.u32 $0x1380, s1;
	p0 =	sne.s32 s1, $0xF  }
0xb: {  	p1 =	sgt.u32 s1, $0x3;
	s6 =	ssub.s32 $0x2, s7;
	s26 =	smul.u32 $0x138800, s7  }
0xc: {  	_ =	strace $0x8000004A;
	s28 =	smul.u32 $0x2710, s7;
	s9 =	sshrl.u32 s6, $0x1  }
0xd: {  	s15 =	sshrl.u32 @!p0 s15, $0x3;
	s24 =	sshrl.u32 s8, $0x2;
	s11 =	ssub.s32 s6, s9  }
0xe: {  	s13 =	sadd.s32 s24, s3;
	s6 =	sor.u32 $0x1C04, s25;
	s9 =	sadd.s32 s31, s12  }
0xf: {  	s10 =	sadd.s32 s10, s26;
	s8 =	sshrl.u32 s26, $0x3;
	s12 =	sadd.s32 s16, s12  }
0x10: {  	s16 =	simm.s32 $0x13880;
	s24 =	simm.s32 $0x1BB00;
	s25 =	simm.s32 $0x1BB80  }
0x11: {  	s26 =	simm.s32 $0x1;
	v0 =	vmov s28;
	s28 =	simm.s32 $0x2;
	s2 =	sadd.s32 $0x13800, s9  }
0x12: {  	s10 =	sshrl.u32 s10, $0x3;
	s14 =	sadd.s32 s0, s8;
	s8 =	sadd.s32 $0x13810, s9  }
0x13: {  	s11 =	smax.u32 s11, $0x1;
	s13 =	sshrl.u32 s13, $0x3;
	[dreg:$0x5] =	wrdreg s2  }
0x14: {  	s9 =	sadd.s32 s0, s10;
	s10 =	sadd.s32 $0x27000, s14;
	s14 =	simm.s32 $0x4  }
.LBB2_1:
0x15: {  	s0 =	rddreg [dreg:$0x2]  }
0x16: {  	[spmem:s13], [sflag:s6] =	dma.local [hbm:s0], $0x2700  }
0x17: {  	_ =	swait.ge [sflag:s14], $0x2700  }
0x18: {  	[sflag:s14] =	ssyncset.done $0x0  }
0x19: {  	[sflag:s14] =	ssyncadd.s32 $0xFFFFD900  }
0x1a: {  	[spmem:s15], [sflag:s6] =	dma.local @!p0 [hbm:s0], $0x100  }
0x1b: {  	s0 =	simm.s32 @!p0 $0x4  }
0x1c: {  	_ =	swait.ge @!p0 [sflag:s0], $0x100  }
0x1d: {  	[sflag:s0] =	ssyncset.done @!p0 $0x0  }
0x1e: {  	[sflag:s0] =	ssyncadd.s32 @!p0 $0xFFFFFF00  }
0x1f: {  	s7 =	sadd.s32 $0x0, s12;
	[bflag:$0x0] =	sbarrier.arrive $0xFFFF  }
0x20: {  	[tilespmem:s16], [sflag:$0x4] =	stream.linear.gather [hbm4b:s7+s4], $0x80, $0x38;
	[tilespmem:$0x1FB80] =	vst v63  }
0x21: {  	_ =	swait.ge [sflag:s14], $0x80  }
0x22: {  	[sflag:s14] =	ssyncset.done $0x0  }
0x23: {  	s31 =	sadd.s32 $0x10, s7;
	[sflag:s14] =	ssyncadd.s32 $0xFFFFFF80  }
0x24: {  	[tilespmem:s17], [sflag:$0x4] =	stream.linear.gather [hbm4b:s31+s4], $0x80, $0x38;
	[tilespmem:$0x1FB80] =	vst v63  }
0x25: {  	_ =	swait.ge [sflag:s14], $0x80  }
0x26: {  	[sflag:s14] =	ssyncset.done $0x0  }
0x27: {  	[sflag:s14] =	ssyncadd.s32 $0xFFFFFF80  }
0x28: {  	v1 =	vld [tilespmem:$0x138B0]  }
0x29: {  	v2 =	vld [tilespmem:$0x138E0]  }
0x2a: {  	v3 =	vld [tilespmem:$0x138D0]  }
0x2b: {  	v4 =	vld [tilespmem:$0x138A0]  }
0x2c: {  	v5 =	vld [tilespmem:$0x13890]  }
0x2d: {  	v7 =	vld [tilespmem:$0x13880];
	v1 =	vadd.s32 v0, v1  }
0x2e: {  	v6 =	vld [tilespmem:$0x138C0];
	[tilespmem:$0x138B0] =	vst v1;
	v1 =	vadd.s32 v0, v2  }
0x2f: {  	v2 =	vadd.s32 v0, v3;
	[tilespmem:$0x138E0] =	vst v1;
	v1 =	vld [tilespmem:$0x138F0]  }
0x30: {  	v3 =	vadd.s32 v0, v4;
	[tilespmem:$0x138D0] =	vst v2  }
0x31: {  	v2 =	vadd.s32 v0, v5;
	[tilespmem:$0x138A0] =	vst v3  }
0x32: {  	v3 =	vadd.s32 v0, v7;
	[tilespmem:$0x13890] =	vst v2  }
0x33: {  	v2 =	vadd.s32 v0, v6;
	[tilespmem:$0x13880] =	vst v3  }
0x34: {  	[tilespmem:$0x138C0] =	vst v2;
	v1 =	vadd.s32 v0, v1  }
0x35: {  	[tilespmem:$0x138F0] =	vst v1  }
0x36: {  	[tilespmem:s19], [sflag:$0x1] =	stream.indirect.gather [hbm4b:s5+s18], $0x80, s16, s18, $0xb8;
	[tilespmem:$0x1FB80] =	vst v63  }
0x37: {  	s31 =	sadd.s32 $0x20, s7  }
0x38: {  	[tilespmem:s20], [sflag:$0x4] =	stream.linear.gather [hbm4b:s31+s4], $0x80, $0x38;
	[tilespmem:$0x1FB80] =	vst v63  }
0x39: {  	_ =	swait.ge [sflag:s14], $0x80  }
0x3a: {  	[sflag:s14] =	ssyncset.done $0x0  }
0x3b: {  	s31 =	sadd.s32 $0x30, s7;
	[sflag:s14] =	ssyncadd.s32 $0xFFFFFF80  }
0x3c: {  	[tilespmem:s21], [sflag:$0x4] =	stream.linear.gather [hbm4b:s31+s4], $0x80, $0x38;
	[tilespmem:$0x1FB80] =	vst v63  }
0x3d: {  	_ =	swait.ge [sflag:s14], $0x80  }
0x3e: {  	[sflag:s14] =	ssyncset.done $0x0  }
0x3f: {  	[sflag:s14] =	ssyncadd.s32 $0xFFFFFF80  }
0x40: {  	v1 =	vld [tilespmem:$0x179E0]  }
0x41: {  	v2 =	vld [tilespmem:$0x179F0]  }
0x42: {  	v3 =	vld [tilespmem:$0x179B0]  }
0x43: {  	v4 =	vld [tilespmem:$0x179A0]  }
0x44: {  	v5 =	vld [tilespmem:$0x179C0]  }
0x45: {  	v60 =	vld [tilespmem:$0x17980];
	v1 =	vadd.s32 v0, v1  }
0x46: {  	[tilespmem:$0x179E0] =	vst v1;
	v1 =	vadd.s32 v0, v2;
	v2 =	vld [tilespmem:$0x179D0]  }
0x47: {  	v61 =	vld [tilespmem:$0x17990];
	[tilespmem:$0x179F0] =	vst v1;
	v1 =	vadd.s32 v0, v3  }
0x48: {  	v3 =	vadd.s32 v0, v4;
	[tilespmem:$0x179B0] =	vst v1  }
0x49: {  	v1 =	vadd.s32 v0, v5;
	[tilespmem:$0x179A0] =	vst v3  }
0x4a: {  	v3 =	vadd.s32 v0, v60;
	[tilespmem:$0x179C0] =	vst v1  }
0x4b: {  	[tilespmem:$0x17980] =	vst v3;
	v1 =	vadd.s32 v0, v2  }
0x4c: {  	v2 =	vadd.s32 v0, v61;
	[tilespmem:$0x179D0] =	vst v1  }
0x4d: {  	[tilespmem:$0x17990] =	vst v2  }
0x4e: {  	[tilespmem:s22], [sflag:$0x2] =	stream.indirect.gather [hbm4b:s5+s18], $0x80, s20, s18, $0xb8;
	[tilespmem:$0x1FB80] =	vst v63  }
0x4f: {  	s31 =	sadd.s32 $0x40, s7  }
0x50: {  	[tilespmem:s23], [sflag:$0x4] =	stream.linear.gather [hbm4b:s31+s4], $0x80, $0x38;
	[tilespmem:$0x1FB80] =	vst v63  }
0x51: {  	_ =	swait.ge [sflag:s14], $0x80  }
0x52: {  	[sflag:s14] =	ssyncset.done $0x0  }
0x53: {  	s0 =	sadd.s32 $0x50, s7;
	[sflag:s14] =	ssyncadd.s32 $0xFFFFFF80  }
0x54: {  	[tilespmem:s24], [sflag:$0x4] =	stream.linear.gather [hbm4b:s0+s4], $0x80, $0x38;
	[tilespmem:$0x1FB80] =	vst v63  }
0x55: {  	_ =	swait.ge [sflag:s14], $0x80  }
0x56: {  	[sflag:s14] =	ssyncset.done $0x0  }
0x57: {  	[sflag:s14] =	ssyncadd.s32 $0xFFFFFF80  }
0x58: {  	v1 =	vld [tilespmem:$0x1BA80]  }
0x59: {  	v2 =	vld [tilespmem:$0x1BA90]  }
0x5a: {  	v3 =	vld [tilespmem:$0x1BAB0];
	_ =	sdelay $0x1  }
0x5b: {  	v4 =	vld [tilespmem:$0x1BAC0]  }
0x5c: {  	v5 =	vld [tilespmem:$0x1BAA0];
	v1 =	vadd.s32 v0, v1  }
0x5d: {  	v62 =	vld [tilespmem:$0x1BAD0];
	[tilespmem:$0x1BA80] =	vst v1;
	v1 =	vadd.s32 v0, v2  }
0x5e: {  	v63 =	vld [tilespmem:$0x1BAE0];
	[tilespmem:$0x1BA90] =	vst v1;
	v1 =	vadd.s32 v0, v3  }
0x5f: {  	[tilespmem:$0x1BAB0] =	vst v1;
	v1 =	vld [tilespmem:$0x1BAF0];
	_ =	sdelay $0x1  }
0x60: {  	v2 =	vadd.s32 v0, v5  }
0x61: {  	v3 =	vadd.s32 v0, v4;
	[tilespmem:$0x1BAA0] =	vst v2  }
0x62: {  	s31 =	simm.s32 $0x60;
	v2 =	vadd.s32 v0, v62;
	[tilespmem:$0x1BAC0] =	vst v3;
	v3 =	vadd.s32 v0, v63  }
.LBB2_2:
0x63: {  	p2 =	sne.s32 s31, $0x1320;
	[tilespmem:$0x1BAE0] =	vst v3;
	v1 =	vadd.s32 v0, v1;
	s0 =	smov.u32 s31;
	s31 =	sadd.s32 $0x60, s31  }
0x64: {  	[tilespmem:$0x1BAD0] =	vst v2  }
0x65: {  	[tilespmem:$0x1BAF0] =	vst v1  }
0x66: {  	[tilespmem:s25], [sflag:$0x3] =	stream.indirect.gather [hbm4b:s5+s18], $0x80, s23, s18, $0xb8;
	[tilespmem:$0x1FB80] =	vst v63  }
0x67: {  	_ =	swait.ge [sflag:s26], $0x4000  }
0x68: {  	[sflag:s26] =	ssyncset.done $0x0  }
0x69: {  	[sflag:s26] =	ssyncadd.s32 $0xFFFFC000  }
0x6a: {  	[spmem:s3] =	stream.indirect.scatter.add.f32 [tilespmem:s19], [sflag:$0x4], $0x80, s17, s18, $0xb8;
	[tilespmem:$0x1FB80] =	vst v63  }
0x6b: {  	_ =	swait.ge [sflag:s14], $0x4000  }
0x6c: {  	[sflag:s14] =	ssyncset.done $0x0  }
0x6d: {  	[sflag:s14] =	ssyncadd.s32 $0xFFFFC000  }
0x6e: {  	_ =	swait.ge [sflag:s28], $0x4000  }
0x6f: {  	[sflag:s28] =	ssyncset.done $0x0  }
0x70: {  	[sflag:s28] =	ssyncadd.s32 $0xFFFFC000  }
0x71: {  	[spmem:s3] =	stream.indirect.scatter.add.f32 [tilespmem:s22], [sflag:$0x4], $0x80, s21, s18, $0xb8;
	[tilespmem:$0x1FB80] =	vst v63  }
0x72: {  	_ =	swait.ge [sflag:s14], $0x4000  }
0x73: {  	[sflag:s14] =	ssyncset.done $0x0  }
0x74: {  	[sflag:s14] =	ssyncadd.s32 $0xFFFFC000  }
0x75: {  	_ =	swait.ge [sflag:s29], $0x4000  }
0x76: {  	[sflag:s29] =	ssyncset.done $0x0  }
0x77: {  	[sflag:s29] =	ssyncadd.s32 $0xFFFFC000  }
0x78: {  	[spmem:s3] =	stream.indirect.scatter.add.f32 [tilespmem:s25], [sflag:$0x4], $0x80, s24, s18, $0xb8;
	[tilespmem:$0x1FB80] =	vst v63  }
0x79: {  	_ =	swait.ge [sflag:s14], $0x4000  }
0x7a: {  	s0 =	sadd.s32 s0, s12;
	[sflag:s14] =	ssyncset.done $0x0  }
0x7b: {  	[sflag:s14] =	ssyncadd.s32 $0xFFFFC000  }
0x7c: {  	[tilespmem:s16], [sflag:$0x4] =	stream.linear.gather [hbm4b:s0+s4], $0x80, $0x38;
	[tilespmem:$0x1FB80] =	vst v63  }
0x7d: {  	_ =	swait.ge [sflag:s14], $0x80  }
0x7e: {  	s2 =	sadd.s32 $0x10, s0;
	[sflag:s14] =	ssyncset.done $0x0  }
0x7f: {  	[sflag:s14] =	ssyncadd.s32 $0xFFFFFF80  }
0x80: {  	[tilespmem:s17], [sflag:$0x4] =	stream.linear.gather [hbm4b:s2+s4], $0x80, $0x38;
	[tilespmem:$0x1FB80] =	vst v63  }
0x81: {  	_ =	swait.ge [sflag:s14], $0x80  }
0x82: {  	[sflag:s14] =	ssyncset.done $0x0  }
0x83: {  	[sflag:s14] =	ssyncadd.s32 $0xFFFFFF80  }
0x84: {  	v1 =	vld [tilespmem:$0x138B0]  }
0x85: {  	v2 =	vld [tilespmem:$0x138E0]  }
0x86: {  	v3 =	vld [tilespmem:$0x138D0]  }
0x87: {  	v4 =	vld [tilespmem:$0x138A0]  }
0x88: {  	v5 =	vld [tilespmem:$0x13890]  }
0x89: {  	v1 =	vadd.s32 v0, v1;
	v6 =	vld [tilespmem:$0x138C0]  }
0x8a: {  	v7 =	vld [tilespmem:$0x13880];
	[tilespmem:$0x138B0] =	vst v1;
	v1 =	vadd.s32 v0, v2  }
0x8b: {  	v2 =	vadd.s32 v0, v3;
	[tilespmem:$0x138E0] =	vst v1;
	v1 =	vld [tilespmem:$0x138F0]  }
0x8c: {  	v3 =	vadd.s32 v0, v4;
	[tilespmem:$0x138D0] =	vst v2  }
0x8d: {  	v2 =	vadd.s32 v0, v5;
	[tilespmem:$0x138A0] =	vst v3  }
0x8e: {  	[tilespmem:$0x13890] =	vst v2;
	v2 =	vadd.s32 v0, v6  }
0x8f: {  	v3 =	vadd.s32 v0, v7;
	[tilespmem:$0x138C0] =	vst v2  }
0x90: {  	[tilespmem:$0x13880] =	vst v3;
	v1 =	vadd.s32 v0, v1  }
0x91: {  	[tilespmem:$0x138F0] =	vst v1  }
0x92: {  	[tilespmem:s19], [sflag:$0x1] =	stream.indirect.gather [hbm4b:s5+s18], $0x80, s16, s18, $0xb8;
	[tilespmem:$0x1FB80] =	vst v63  }
0x93: {  	s2 =	sadd.s32 $0x20, s0  }
0x94: {  	[tilespmem:s20], [sflag:$0x4] =	stream.linear.gather [hbm4b:s2+s4], $0x80, $0x38;
	[tilespmem:$0x1FB80] =	vst v63  }
0x95: {  	_ =	swait.ge [sflag:s14], $0x80  }
0x96: {  	[sflag:s14] =	ssyncset.done $0x0  }
0x97: {  	s2 =	sadd.s32 $0x30, s0;
	[sflag:s14] =	ssyncadd.s32 $0xFFFFFF80  }
0x98: {  	[tilespmem:s21], [sflag:$0x4] =	stream.linear.gather [hbm4b:s2+s4], $0x80, $0x38;
	[tilespmem:$0x1FB80] =	vst v63  }
0x99: {  	_ =	swait.ge [sflag:s14], $0x80  }
0x9a: {  	[sflag:s14] =	ssyncset.done $0x0  }
0x9b: {  	[sflag:s14] =	ssyncadd.s32 $0xFFFFFF80  }
0x9c: {  	v1 =	vld [tilespmem:$0x179E0]  }
0x9d: {  	v2 =	vld [tilespmem:$0x179F0]  }
0x9e: {  	v3 =	vld [tilespmem:$0x179B0]  }
0x9f: {  	v4 =	vld [tilespmem:$0x179C0]  }
0xa0: {  	v5 =	vld [tilespmem:$0x179A0]  }
0xa1: {  	v6 =	vld [tilespmem:$0x17990];
	v1 =	vadd.s32 v0, v1  }
0xa2: {  	v7 =	vld [tilespmem:$0x17980];
	[tilespmem:$0x179E0] =	vst v1;
	v1 =	vadd.s32 v0, v2  }
0xa3: {  	v2 =	vld [tilespmem:$0x179D0];
	[tilespmem:$0x179F0] =	vst v1  }
0xa4: {  	v1 =	vadd.s32 v0, v3;
	v3 =	vadd.s32 v0, v4  }
0xa5: {  	v4 =	vadd.s32 v0, v5;
	[tilespmem:$0x179B0] =	vst v1  }
0xa6: {  	v1 =	vadd.s32 v0, v6;
	[tilespmem:$0x179A0] =	vst v4  }
0xa7: {  	v4 =	vadd.s32 v0, v7;
	[tilespmem:$0x179C0] =	vst v3  }
0xa8: {  	[tilespmem:$0x17980] =	vst v4;
	v2 =	vadd.s32 v0, v2  }
0xa9: {  	[tilespmem:$0x179D0] =	vst v2  }
0xaa: {  	[tilespmem:$0x17990] =	vst v1  }
0xab: {  	[tilespmem:s22], [sflag:$0x2] =	stream.indirect.gather [hbm4b:s5+s18], $0x80, s20, s18, $0xb8;
	[tilespmem:$0x1FB80] =	vst v63  }
0xac: {  	s2 =	sadd.s32 $0x40, s0  }
0xad: {  	[tilespmem:s23], [sflag:$0x4] =	stream.linear.gather [hbm4b:s2+s4], $0x80, $0x38;
	[tilespmem:$0x1FB80] =	vst v63  }
0xae: {  	_ =	swait.ge [sflag:s14], $0x80  }
0xaf: {  	[sflag:s14] =	ssyncset.done $0x0  }
0xb0: {  	s0 =	sadd.s32 $0x50, s0;
	[sflag:s14] =	ssyncadd.s32 $0xFFFFFF80  }
0xb1: {  	[tilespmem:s24], [sflag:$0x4] =	stream.linear.gather [hbm4b:s0+s4], $0x80, $0x38;
	[tilespmem:$0x1FB80] =	vst v63  }
0xb2: {  	_ =	swait.ge [sflag:s14], $0x80  }
0xb3: {  	[sflag:s14] =	ssyncset.done $0x0  }
0xb4: {  	[sflag:s14] =	ssyncadd.s32 $0xFFFFFF80  }
0xb5: {  	v1 =	vld [tilespmem:$0x1BA80]  }
0xb6: {  	v2 =	vld [tilespmem:$0x1BA90]  }
0xb7: {  	v3 =	vld [tilespmem:$0x1BAB0]  }
0xb8: {  	v4 =	vld [tilespmem:$0x1BAC0]  }
0xb9: {  	v5 =	vld [tilespmem:$0x1BAA0]  }
0xba: {  	v1 =	vadd.s32 v0, v1;
	v6 =	vld [tilespmem:$0x1BAD0]  }
0xbb: {  	[tilespmem:$0x1BA80] =	vst v1;
	v1 =	vadd.s32 v0, v2;
	v7 =	vld [tilespmem:$0x1BAE0]  }
.Ltmp0:
0xbc: {  	[tilespmem:$0x1BA90] =	vst v1;
	v2 =	vadd.s32 v0, v3;
	v1 =	vld [tilespmem:$0x1BAF0];
	(pc) =	sbr.rel @p2 .LBB2_2-.Ltmp0, $4  }
0xbd: {  	v3 =	vadd.s32 v0, v4  }
0xbe: {  	v4 =	vadd.s32 v0, v5;
	[tilespmem:$0x1BAB0] =	vst v2  }
0xbf: {  	[tilespmem:$0x1BAA0] =	vst v4;
	v2 =	vadd.s32 v0, v6  }
0xc0: {  	[tilespmem:$0x1BAC0] =	vst v3;
	v3 =	vadd.s32 v0, v7  }
0xc1: {  	[tilespmem:$0x1BAE0] =	vst v3  }
0xc2: {  	v1 =	vadd.s32 v0, v1;
	[tilespmem:$0x1BAD0] =	vst v2  }
0xc3: {  	[tilespmem:$0x1BAF0] =	vst v1  }
0xc4: {  	[tilespmem:s25], [sflag:$0x3] =	stream.indirect.gather [hbm4b:s5+s18], $0x80, s23, s18, $0xb8;
	[tilespmem:$0x1FB80] =	vst v63  }
0xc5: {  	_ =	swait.ge [sflag:s26], $0x4000  }
0xc6: {  	[sflag:s26] =	ssyncset.done $0x0  }
0xc7: {  	[sflag:s26] =	ssyncadd.s32 $0xFFFFC000  }
0xc8: {  	[spmem:s3] =	stream.indirect.scatter.add.f32 [tilespmem:s19], [sflag:$0x4], $0x80, s17, s18, $0xb8;
	[tilespmem:$0x1FB80] =	vst v63  }
0xc9: {  	_ =	swait.ge [sflag:s14], $0x4000  }
0xca: {  	[sflag:s14] =	ssyncset.done $0x0  }
0xcb: {  	[sflag:s14] =	ssyncadd.s32 $0xFFFFC000  }
0xcc: {  	_ =	swait.ge [sflag:s28], $0x4000  }
0xcd: {  	[sflag:s28] =	ssyncset.done $0x0  }
0xce: {  	[sflag:s28] =	ssyncadd.s32 $0xFFFFC000  }
0xcf: {  	[spmem:s3] =	stream.indirect.scatter.add.f32 [tilespmem:s22], [sflag:$0x4], $0x80, s21, s18, $0xb8;
	[tilespmem:$0x1FB80] =	vst v63  }
0xd0: {  	_ =	swait.ge [sflag:s14], $0x4000  }
0xd1: {  	[sflag:s14] =	ssyncset.done $0x0  }
0xd2: {  	[sflag:s14] =	ssyncadd.s32 $0xFFFFC000  }
0xd3: {  	_ =	swait.ge [sflag:s29], $0x4000  }
0xd4: {  	[sflag:s29] =	ssyncset.done $0x0  }
0xd5: {  	[sflag:s29] =	ssyncadd.s32 $0xFFFFC000  }
0xd6: {  	[spmem:s3] =	stream.indirect.scatter.add.f32 [tilespmem:s25], [sflag:$0x4], $0x80, s24, s18, $0xb8;
	[tilespmem:$0x1FB80] =	vst v63  }
0xd7: {  	_ =	swait.ge [sflag:s14], $0x4000  }
0xd8: {  	s0 =	simm.s32 @!p1 $0x0;
	s2 =	simm.s32 @!p1 $0x13880;
	[sflag:s14] =	ssyncset.done $0x0  }
0xd9: {  	s31 =	simm.s32 @!p1 $0x4;
	s1 =	rddreg [dreg:$0x5];
	[sflag:s14] =	ssyncadd.s32 $0xFFFFC000  }
0xda: {  	[tilespmem:s2], [sflag:$0x4] =	stream.linear.gather @!p1 [hbm4b:s1+s0], $0x80, $0x38;
	[tilespmem:$0x1FB80] =	vst v63  }
0xdb: {  	_ =	swait.ge @!p1 [sflag:s31], $0x80  }
0xdc: {  	[sflag:s31] =	ssyncset.done @!p1 $0x0  }
0xdd: {  	s1 =	simm.s32 @!p1 $0x13900;
	[sflag:s31] =	ssyncadd.s32 @!p1 $0xFFFFFF80  }
0xde: {  	[tilespmem:s1], [sflag:$0x4] =	stream.linear.gather @!p1 [hbm4b:s8+s0], $0x80, $0x38;
	[tilespmem:$0x1FB80] =	vst v63  }
0xdf: {  	_ =	swait.ge @!p1 [sflag:s31], $0x80  }
0xe0: {  	[sflag:s31] =	ssyncset.done @!p1 $0x0  }
0xe1: {  	[sflag:s31] =	ssyncadd.s32 @!p1 $0xFFFFFF80  }
0xe2: {  	v1 =	vld @!p1 [tilespmem:$0x13880]  }
0xe3: {  	v2 =	vld @!p1 [tilespmem:$0x13890]  }
0xe4: {  	v3 =	vld @!p1 [tilespmem:$0x138A0]  }
0xe5: {  	v4 =	vld @!p1 [tilespmem:$0x138B0]  }
0xe6: {  	v5 =	vld @!p1 [tilespmem:$0x138C0]  }
0xe7: {  	v6 =	vld @!p1 [tilespmem:$0x138D0];
	v1 =	vadd.s32 @!p1 v0, v1  }
0xe8: {  	[tilespmem:$0x13880] =	vst @!p1 v1;
	v1 =	vadd.s32 @!p1 v0, v2;
	v2 =	vld @!p1 [tilespmem:$0x138E0]  }
0xe9: {  	[tilespmem:$0x13890] =	vst @!p1 v1;
	v1 =	vadd.s32 @!p1 v0, v3;
	v3 =	vld @!p1 [tilespmem:$0x138F0]  }
0xea: {  	[tilespmem:$0x138A0] =	vst @!p1 v1;
	v1 =	vadd.s32 @!p1 v0, v4  }
0xeb: {  	[tilespmem:$0x138B0] =	vst @!p1 v1;
	v1 =	vadd.s32 @!p1 v0, v5  }
0xec: {  	[tilespmem:$0x138C0] =	vst @!p1 v1;
	v1 =	vadd.s32 @!p1 v0, v6  }
0xed: {  	[tilespmem:$0x138D0] =	vst @!p1 v1;
	v1 =	vadd.s32 @!p1 v0, v2  }
0xee: {  	[tilespmem:$0x138E0] =	vst @!p1 v1;
	v1 =	vadd.s32 @!p1 v0, v3  }
0xef: {  	s7 =	simm.s32 @!p1 $0x13980;
	s0 =	simm.s32 @!p1 $0x80;
	[tilespmem:$0x138F0] =	vst @!p1 v1  }
0xf0: {  	[tilespmem:s7], [sflag:$0x1] =	stream.indirect.gather @!p1 [hbm4b:s5+s0], $0x80, s2, s0, $0xb8;
	[tilespmem:$0x1FB80] =	vst v63  }
0xf1: {  	s2 =	simm.s32 @!p1 $0x1  }
0xf2: {  	_ =	swait.ge @!p1 [sflag:s2], $0x4000  }
0xf3: {  	[sflag:s2] =	ssyncset.done @!p1 $0x0  }
0xf4: {  	[sflag:s2] =	ssyncadd.s32 @!p1 $0xFFFFC000  }
0xf5: {  	[spmem:s3] =	stream.indirect.scatter.add.f32 @!p1 [tilespmem:s7], [sflag:$0x4], $0x80, s1, s0, $0xb8;
	[tilespmem:$0x1FB80] =	vst v63  }
0xf6: {  	_ =	swait.ge @!p1 [sflag:s31], $0x4000  }
0xf7: {  	[sflag:s31] =	ssyncset.done @!p1 $0x0  }
0xf8: {  	[sflag:s31] =	ssyncadd.s32 @!p1 $0xFFFFC000  }
0xf9: {  	[bflag:$0x0] =	sbarrier.arrive $0xFFFF  }
0xfa: {  	[hbm:s9], [sflag:s6] =	dma.local [spmem:s13], $0x2700  }
0xfb: {  	s30 =	sadd.s32 $0x1, s30;
	_ =	swait.ge [sflag:s14], $0x2700  }
0xfc: {  	p2 =	sne.s32 s30, s11;
	[sflag:s14] =	ssyncset.done $0x0  }
.Ltmp1:
0xfd: {  	s0 =	simm.s32 @!p0 $0x4;
	[sflag:s14] =	ssyncadd.s32 $0xFFFFD900;
	(pc) =	sbr.rel @p2 .LBB2_1-.Ltmp1, $4  }
0xfe: {  	[hbm:s10], [sflag:s6] =	dma.local @!p0 [spmem:s15], $0x100  }
0xff: {  	_ =	swait.ge @!p0 [sflag:s0], $0x100  }
0x100: {  	[sflag:s0] =	ssyncset.done @!p0 $0x0  }
0x101: {  	[sflag:s0] =	ssyncadd.s32 @!p0 $0xFFFFFF00  }
0x102: {  	_ =	sfence.sel $0x180000  }
0x103: {  	[bflag:$0x0] =	sbarrier.arrive $0xFFFF  }
0x104: {  	_ =	strace $0x9000004A  }
0x105: {  	s0 =	stileid.u32;
	[bflag:$0x2] =	sbarrier.arrive $0xFFFF  }
0x106: {  	p0 =	sne.s32 s0, $0x0;
	s0 =	rddreg [dreg:$0x4]  }
0x107: {  	s0 =	sadd.s32 @!p0 $0x100000, s0  }
0x108: {  	[sflag:s0] =	ssyncadd.tile.s32 @!p0 $0x1;
	_ =	shalt  }
.Lfunc_end2:
_tile_overlayer_lowered:
.L_overlay_start_2:
0x109: {  	(tag) =	ssettag $0x2  }
0x10a: {  	s0 =	rddreg [dreg:$0x0];
	s2 =	stileid.u32  }
0x10b: {  	s1 =	rddreg [dreg:$0x1];
	p0 =	sne.s32 s2, $0x0  }
0x10c: {  	s3 =	rddreg [dreg:$0x2];
	[bflag:$0x3] =	sbarrier.arrive $0xFFFF;
	s2 =	simm.s32 @!p0 $0x1C04  }
0x10d: {  	[timem:s3], [sflag:s2] =	dma.local @!p0 [hbm:s0], s1  }
0x10e: {  	s0 =	simm.s32 @!p0 $0x4  }
0x10f: {  	_ =	swait.ge @!p0 [sflag:s0], s1  }
0x110: {  	s1 =	ssub.s32 @!p0 $0x0, s1;
	[sflag:s0] =	ssyncset.done @!p0 $0x0  }
0x111: {  	[sflag:s0] =	ssyncadd.s32 @!p0 s1  }
0x112: {  	[bflag:$0x3] =	sbarrier.arrive $0xFFFF  }
0x113: {  	_ =	shalt  }

// kernel: kernel.7.cloned.1.call-start
scs
__scs_entry_jumppad:
0x0: {  	(pc) =	sbr.rel $0x88, $3  }
0x1: {  	(tag) =	ssettag $0x0;
	lr =	simm.s32 $0x1  }
0x2: {  	[smem:$0x3F97] =	sst lr;
	_ =	strace $0xD0000000  }
0x3: {  	_ = 	snop  }
0x4: {  	_ = 	snop  }
0x5: {  	_ = 	snop  }
0x6: {  	_ = 	snop  }
0x7: {  	_ = 	snop  }
__scs_overlays_trampoline_lowered:
0x8: {  	[smem:$0x3FA6] =	sst s0  }
0x9: {  	[smem:$0x3FA7] =	sst s1  }
0xa: {  	[smem:$0x3FA8] =	sst s2  }
0xb: {  	[smem:$0x3FA9] =	sst s3  }
0xc: {  	[smem:$0x3FAA] =	sst s4  }
0xd: {  	[smem:$0x3FAB] =	sst s5  }
0xe: {  	[smem:$0x3FAC] =	sst s6  }
0xf: {  	[smem:$0x3FAD] =	sst s7  }
0x10: {  	[smem:$0x3FAE] =	sst s8  }
0x11: {  	[smem:$0x3FAF] =	sst s9;
	s0 =	simm.s32 @!p0 $0x0  }
0x12: {  	s1 =	sld [smem:$0x3F95];
	s0 =	simm.s32 @p0 $0x1  }
0x13: {  	[smem:$0x3FB0] =	sst s0;
	s0 =	simm.s32 @!p1 $0x0  }
0x14: {  	s2 =	sld [smem:$0x3F94];
	s0 =	simm.s32 @p1 $0x1  }
0x15: {  	[smem:$0x3FB1] =	sst s0;
	s0 =	simm.s32 @!p2 $0x0  }
0x16: {  	s3 =	sld [smem:$0x3FDB];
	s0 =	simm.s32 @p2 $0x1  }
0x17: {  	s4 =	simm.s32 $0x1BF5;
	[smem:$0x3FB3] =	sst s0  }
0x18: {  	s0 =	sld [smem:$0x3F96];
	_ =	swait.ge [sflag:s4], $0x0  }
0x19: {  	s7 =	sld [smem:$0x3F97]  }
0x1a: {  	s8 =	sadd.s32 $0xFFFFE003, lr  }
0x1b: {  	s9 =	sadd.s32 $0xFFFFFEF7, lr;
	s5 =	simm.s32 $0xFFFFFFFF;
	p2 =	slt.u32 s8, $0xFFFFF086  }
0x1c: {  	p1 =	slt.u32 s9, $0xF7A;
	s5 =	simm.s32 @!p2 $0x0  }
0x1d: {  	s5 =	simm.s32 @p1 $0x1;
	p0 =	seq.s32 s7, s2  }
0x1e: {  	s7 =	smul.u32 @!p0 $0xF7A, s2;
	p2 =	seq.s32 @!p0 s5, $0x0  }
0x1f: {  	s9 =	smul.u32 $0xF7A, s1;
	s8 =	simm.s32 @!p0 $0x1BF5;
	p2 =	por !p2, p0  }
0x20: {  	[sflag:s8] =	ssyncset.s32 @!p0 $0xFFFFF086;
	s6 =	sadd.s32 @!p0 s3, s7;
	s7 =	simm.s32 @!p0 $0x108  }
0x21: {  	s3 =	sadd.s32 s3, s9;
	s6 =	sadd.s32 @!p0 $0x88, s6;
	s7 =	simm.s32 @p2 $0x1082  }
0x22: {  	[simem:s7], [sflag:s8] =	dma.local @!p0 [hbm:s6], $0xF7A  }
0x23: {  	s9 =	sor.u32 $0xD0000000, s2;
	s6 =	simm.s32 $0x108;
	_ =	swait.ge @!p0 [sflag:s8], $0x0  }
0x24: {  	s3 =	sadd.s32 $0x88, s3;
	s6 =	simm.s32 @!p1 $0x1082;
	[sflag:s4] =	ssyncset.s32 $0xFFFFF086  }
0x25: {  	[simem:s6], [sflag:s4] =	dma.local [hbm:s3], $0xF7A  }
0x26: {  	[smem:$0x3F97] =	sst s1;
	(tag) =	ssettag s2;
	_ =	strace s9  }
0x27: {  	s1 =	sld [smem:$0x3FA7]  }
0x28: {  	s2 =	sld [smem:$0x3FA8]  }
0x29: {  	s4 =	sld [smem:$0x3FAA]  }
0x2a: {  	p0 =	seq.s32 s5, $0x0;
	s5 =	sld [smem:$0x3FAB]  }
0x2b: {  	s6 =	sld [smem:$0x3FAC]  }
0x2c: {  	s7 =	sld [smem:$0x3FAD]  }
0x2d: {  	s3 =	simm.s32 $0x108;
	s8 =	sld [smem:$0x3FAE]  }
0x2e: {  	s3 =	simm.s32 @!p0 $0x1082;
	s9 =	sld [smem:$0x3FAF]  }
0x2f: {  	lr =	sadd.s32 s0, s3;
	s0 =	sld [smem:$0x3FA6]  }
0x30: {  	s3 =	sld [smem:$0x3FA9]  }
0x31: {  	[smem:$0x3FB2] =	sst s10  }
0x32: {  	s10 =	sld [smem:$0x3FB0];
	_ =	sdelay $0x3  }
0x33: {  	p0 =	seq.s32 s10, $0x1;
	s10 =	sld [smem:$0x3FB2];
	_ =	sdelay $0x3  }
0x34: {  	[smem:$0x3FB2] =	sst s10  }
0x35: {  	s10 =	sld [smem:$0x3FB1];
	_ =	sdelay $0x3  }
0x36: {  	p1 =	seq.s32 s10, $0x1;
	s10 =	sld [smem:$0x3FB2];
	_ =	sdelay $0x3  }
0x37: {  	[smem:$0x3FB2] =	sst s10  }
0x38: {  	s10 =	sld [smem:$0x3FB3]  }
0x39: {  	_ = 	snop;
	(pc) =	sbr.ind lr, $3  }
0x3a: {  	_ = 	snop  }
0x3b: {  	_ = 	snop  }
0x3c: {  	p2 =	seq.s32 s10, $0x1;
	s10 =	sld [smem:$0x3FB2]  }
0x3d: {  	_ =	shalt  }
0x3e: {  	_ =	shalt  }
0x3f: {  	_ =	shalt  }
0x40: {  	_ =	shalt  }
0x41: {  	_ =	shalt  }
0x42: {  	_ =	shalt  }
0x43: {  	_ =	shalt  }
0x44: {  	_ =	shalt  }
0x45: {  	_ =	shalt  }
0x46: {  	_ =	shalt  }
0x47: {  	_ =	shalt  }
0x48: {  	_ =	shalt  }
0x49: {  	_ =	shalt  }
0x4a: {  	_ =	shalt  }
0x4b: {  	_ =	shalt  }
0x4c: {  	_ =	shalt  }
0x4d: {  	_ =	shalt  }
0x4e: {  	_ =	shalt  }
0x4f: {  	_ =	shalt  }
0x50: {  	_ =	shalt  }
0x51: {  	_ =	shalt  }
0x52: {  	_ =	shalt  }
0x53: {  	_ =	shalt  }
0x54: {  	_ =	shalt  }
0x55: {  	_ =	shalt  }
0x56: {  	_ =	shalt  }
0x57: {  	_ =	shalt  }
0x58: {  	_ =	shalt  }
0x59: {  	_ =	shalt  }
0x5a: {  	_ =	shalt  }
0x5b: {  	_ =	shalt  }
0x5c: {  	_ =	shalt  }
0x5d: {  	_ =	shalt  }
0x5e: {  	_ =	shalt  }
0x5f: {  	_ =	shalt  }
0x60: {  	_ =	shalt  }
0x61: {  	_ =	shalt  }
0x62: {  	_ =	shalt  }
0x63: {  	_ =	shalt  }
0x64: {  	_ =	shalt  }
0x65: {  	_ =	shalt  }
0x66: {  	_ =	shalt  }
0x67: {  	_ =	shalt  }
0x68: {  	_ =	shalt  }
0x69: {  	_ =	shalt  }
0x6a: {  	_ =	shalt  }
0x6b: {  	_ =	shalt  }
0x6c: {  	_ =	shalt  }
0x6d: {  	_ =	shalt  }
0x6e: {  	_ =	shalt  }
0x6f: {  	_ =	shalt  }
0x70: {  	_ =	shalt  }
0x71: {  	_ =	shalt  }
0x72: {  	_ =	shalt  }
0x73: {  	_ =	shalt  }
0x74: {  	_ =	shalt  }
0x75: {  	_ =	shalt  }
0x76: {  	_ =	shalt  }
0x77: {  	_ =	shalt  }
0x78: {  	_ =	shalt  }
0x79: {  	_ =	shalt  }
0x7a: {  	_ =	shalt  }
0x7b: {  	_ =	shalt  }
0x7c: {  	_ =	shalt  }
0x7d: {  	_ =	shalt  }
0x7e: {  	_ =	shalt  }
0x7f: {  	_ =	shalt  }
0x80: {  	_ =	shalt  }
0x81: {  	_ =	shalt  }
0x82: {  	_ =	shalt  }
0x83: {  	_ =	shalt  }
0x84: {  	_ =	shalt  }
0x85: {  	_ =	shalt  }
0x86: {  	_ =	shalt  }
0x87: {  	_ =	shalt  }
.Lfunc_end0:
.L_simem_size_0:
called_computation_lowered:
.L_overlay_start_0:
0x88: {  	s2 =	sld [smem:$0x3FD9]  }
0x89: {  	s3 =	sld [smem:$0x3FFE];
	_ =	sdelay $0x1  }
0x8a: {  	s1 =	srdreg.scid  }
0x8b: {  	s0 =	sand.u32 $0x1, s1  }
0x8c: {  	s17 =	sshll.u32 s0, $0xA;
	s2 =	sadd.s32 s3, s2  }
0x8d: {  	s2 =	sadd.s32 s2, s17  }
0x8e: {  	[smem:$0x3FBE] =	sst s2  }
0x8f: {  	_ = 	snop  }
0x90: {  	s2 =	sld [smem:$0x3FC0]  }
0x91: {  	s18 =	sld [smem:$0x3FD0];
	(tm) =	ssettm $0x1  }
0x92: {  	s4 =	sld [smem:$0x3FFB];
	_ =	sdelay $0x3  }
0x93: {  	_ =	strace s4  }
0x94: {  	s4 =	sld [smem:$0x3FFC];
	_ =	sdelay $0x3  }
0x95: {  	_ =	strace s4  }
0x96: {  	s4 =	sld [smem:$0x3FFD];
	_ =	sdelay $0x3  }
0x97: {  	_ =	strace s4  }
0x98: {  	_ =	strace $0x8FFFFFFF  }
0x99: {  	s19 =	sld [smem:$0x3FDB];
	_ =	sdelay $0x1  }
0x9a: {  	s5 =	simm.s32 $_scs_section_size  }
0x9b: {  	s6 =	simm.s32 $_size__tile_overlayer_lowered;
	s7 =	simm.s32 $_tile_overlayer_lowered  }
0x9c: {  	s22 =	simm.s32 $0x1BFF;
	s21 =	sshll.u32 s7, $0x1;
	s4 =	sadd.s32 s5, s19  }
0x9d: {  	s8 =	simm.s32 $0x0;
	s20 =	sshll.u32 s6, $0x1;
	s6 =	sadd.s32 s21, s4  }
0x9e: {  	[timem:s8], [sflag:s22] =	dma.local [hbm:s6], s20  }
0x9f: {  	_ =	swait.ge [sflag:s22], s20  }
0xa0: {  	s5 =	ssub.s32 $0x0, s20;
	[sflag:s22] =	ssyncset.done $0x0  }
0xa1: {  	[sflag:s22] =	ssyncadd.s32 s5;
	_ =	sdelay $0x1  }
0xa2: {  	s23 =	simm.s32 $0x1B8B  }
0xa3: {  	_ =	swait.ge [sflag:s23], $0x1  }
0xa4: {  	[sflag:s23] =	ssyncset.done $0x0  }
0xa5: {  	s25 =	simm.s32 $0x1B8E;
	s24 =	sld [smem:$0x3FFE];
	[sflag:s23] =	ssyncadd.s32 $0xFFFFFFFF  }
0xa6: {  	s26 =	simm.s32 $execute0_lowered;
	[smem:$0x3FD2] =	sst s25  }
0xa7: {  	s6 =	sshll.u32 s26, $0x1;
	_ =	strace $0x80000046;
	[dreg:$0x1] =	wrdreg $0xFFFFFFFF  }
0xa8: {  	s28 =	simm.s32 $_size_execute0_lowered;
	s4 =	sadd.s32 s4, s6;
	[dreg:$0x0] =	wrdreg $0x0  }
0xa9: {  	s6 =	sshll.u32 s28, $0x1;
	[dreg:$0x2] =	wrdreg s4  }
0xaa: {  	[dreg:$0x3] =	wrdreg s6  }
0xab: {  	[dreg:$0x4] =	wrdreg $0xC0  }
0xac: {  	_ =	task [dreg:s8], $0x5FFFF  }
0xad: {  	[dreg:$0x1] =	wrdreg $0xFFFFFFFF  }
0xae: {  	[dreg:$0x0] =	wrdreg $0x60  }
0xaf: {  	[dreg:$0x2] =	wrdreg s24  }
0xb0: {  	[dreg:$0x3] =	wrdreg s2  }
0xb1: {  	[dreg:$0x4] =	wrdreg s18  }
0xb2: {  	[dreg:$0x5] =	wrdreg $0x0  }
0xb3: {  	[dreg:$0x6] =	wrdreg $0x9  }
0xb4: {  	_ =	task.clear_ibuf [dreg:s8], $0x7FFFF;
	_ =	strace $0x90000046  }
0xb5: {  	s29 =	simm.s32 $0x9;
	_ =	strace $0x80000048  }
0xb6: {  	_ =	swait.ge [sflag:s29], $0x1  }
0xb7: {  	[sflag:s29] =	ssyncadd.s32 $0xFFFFFFFF  }
0xb8: {  	_ =	strace $0x90000048  }
0xb9: {  	_ =	sfence  }
0xba: {  	s30 =	sld [smem:$0x0];
	_ =	sdelay $0x2  }
0xbb: {  	s31 =	sshll.u32 s1, $0xD;
	s1 =	sshrl.u32 s1, $0x2  }
0xbc: {  	s3 =	sand.u32 $0x4000, s31;
	s1 =	sadd.s32 s1, s30  }
0xbd: {  	s0 =	sor.u32 s3, s0;
	s1 =	sshll.u32 s1, $0x11  }
0xbe: {  	s0 =	sor.u32 s1, s0  }
0xbf: {  	s0 =	sadd.s32 $0x8F2B, s0  }
0xc0: {  	[sflag:s0] =	ssyncadd.remote.s32 $0x1  }
0xc1: {  	_ =	sfence.sel $0xFFFF  }
0xc2: {  	[dreg:$0x0] =	wrdreg $0xFFFFFFFF;
	(pc) =	sbr.abs _section_cstart, $3  }
0xc3: {  	[dreg:$0x1] =	wrdreg $0xFFFFFFFF  }
0xc4: {  	_ =	task.clear_ibuf [dreg:s8], $0x2FFFF;
	_ =	strace $0x9FFFFFFF  }
0xc5: {  	(tm) =	ssettm $0x7FFFFFFF  }
tec
execute0_lowered:
.L_overlay_start_1:
0x0: {  	(tag) =	ssettag $0x1  }
0x1: {  	s0 =	rddreg [dreg:$0x0]  }
0x2: {  	s3 =	rddreg [dreg:$0x1]  }
0x3: {  	s2 =	rddreg [dreg:$0x3];
	s4 =	simm.s32 $0x0  }
0x4: {  	s5 =	srdreg.scid;
	s1 =	stileid.u32;
	s28 =	simm.s32 $0x1BB00  }
0x5: {  	s29 =	simm.s32 $0x1;
	s30 =	simm.s32 $0x2;
	s31 =	simm.s32 $0x3  }
0x6: {  	[smem:$0x7FF] =	sst s4;
	s6 =	sand.u32 $0x1, s5;
	s5 =	sadd.s32 $0x2400, s0  }
0x7: {  	s8 =	smul.u32 $0x4E000, s1;
	s9 =	sadd.s32 $0x29600, s0;
	s11 =	sadd.s32 $0x29E00, s0  }
0x8: {  	s0 =	sadd.s32 $0x78000, s0;
	s12 =	sshll.u32 s1, $0x6;
	s14 =	smul.u32 $0x13800, s1  }
0x9: {  	s20 =	sadd.s32 $0x138000, s2;
	p0 =	sne.s32 s1, $0xF;
	s10 =	smul.u32 $0x4E2, s6  }
0xa: {  	p1 =	sgt.u32 s1, $0x1;
	_ =	strace $0x80000047;
	s18 =	smul.u32 $0x138800, s6  }
0xb: {  	s7 =	ssub.s32 $0x2, s6;
	[dreg:$0x5] =	wrdreg s9;
	s23 =	smul.u32 $0x4E200, s6  }
0xc: {  	[dreg:$0x7] =	wrdreg s20;
	s26 =	smul.u32 $0x9C40, s6;
	s15 =	sshrl.u32 s7, $0x1  }
0xd: {  	s16 =	sshrl.u32 s8, $0x2;
	s9 =	ssub.s32 s7, s15;
	s17 =	sadd.s32 s1, s10  }
0xe: {  	s7 =	sadd.s32 s16, s2;
	s22 =	sadd.s32 s14, s18;
	s13 =	sshll.u32 s17, $0x5  }
0xf: {  	s10 =	sshrl.u32 s18, $0x3;
	s15 =	smul.u32 $0x4E00, s1;
	s19 =	sadd.s32 s3, s13  }
0x10: {  	[dreg:$0x6] =	wrdreg s7;
	s13 =	sshrl.u32 s22, $0x3;
	s21 =	sadd.s32 $0x9C10, s19  }
0x11: {  	s10 =	sadd.s32 $0x27000, s10;
	s24 =	sadd.s32 s0, s13;
	[dreg:$0x8] =	wrdreg s21  }
0x12: {  	s8 =	sor.u32 $0x1C04, s12;
	s0 =	sadd.s32 s0, s10;
	[dreg:$0x9] =	wrdreg s24  }
0x13: {  	s16 =	sadd.s32 s15, s23;
	s25 =	sadd.s32 $0x9C00, s19;
	[dreg:$0xa] =	wrdreg s0  }
0x14: {  	s12 =	sadd.s32 s11, s13;
	s13 =	smul.u32 $0x9C0, s1;
	[dreg:$0xb] =	wrdreg s25  }
0x15: {  	s19 =	sadd.s32 s11, s10;
	s20 =	sadd.s32 $0x200, s16;
	[dreg:$0xc] =	wrdreg s12  }
0x16: {  	s23 =	sadd.s32 $0x280, s16;
	s11 =	simm.s32 $0x1BB80;
	[dreg:$0xd] =	wrdreg s19  }
0x17: {  	s0 =	sadd.s32 s26, s3;
	s21 =	smax.u32 s9, $0x1;
	s22 =	sshrl.u32 s20, $0x3  }
0x18: {  	s24 =	sor.u32 $0x180, s16;
	s25 =	sor.u32 $0x100, s16;
	s9 =	simm.s32 $0x1BA80  }
0x19: {  	s12 =	simm.s32 $0x0;
	[dreg:$0xe] =	wrdreg s21;
	s17 =	sadd.s32 s13, s0  }
0x1a: {  	s18 =	sadd.s32 s22, s3;
	s0 =	sshrl.u32 s23, $0x3;
	s6 =	sshrl.u32 s24, $0x3  }
0x1b: {  	s26 =	sshrl.u32 s25, $0x3;
	s22 =	simm.s32 $0x4;
	s23 =	simm.s32 $0x13980  }
0x1c: {  	s24 =	simm.s32 $0x13900;
	s25 =	simm.s32 $0x80;
	s19 =	sadd.s32 s0, s3  }
0x1d: {  	s20 =	sadd.s32 s6, s3;
	s21 =	sadd.s32 s26, s3;
	s26 =	simm.s32 $0x17A00  }
0x1e: {  	s0 =	simm.s32 $0x13880;
	s3 =	simm.s32 $0x17980;
	s6 =	simm.s32 $0x17A80  }
.LBB2_1:
0x1f: {  	s1 =	rddreg [dreg:$0x6]  }
0x20: {  	s13 =	sshrl.u32 s1, $0x3;
	s1 =	rddreg [dreg:$0x2]  }
0x21: {  	[spmem:s13], [sflag:s8] =	dma.local [hbm:s1], $0x2700  }
0x22: {  	_ =	swait.ge [sflag:s22], $0x2700  }
0x23: {  	[sflag:s22] =	ssyncset.done $0x0;
	s7 =	rddreg [dreg:$0x7]  }
0x24: {  	s10 =	simm.s32 @!p0 $0x4;
	[sflag:s22] =	ssyncadd.s32 $0xFFFFD900;
	s14 =	sshrl.u32 @!p0 s7, $0x3  }
0x25: {  	[spmem:s14], [sflag:s8] =	dma.local @!p0 [hbm:s1], $0x100  }
0x26: {  	_ =	swait.ge @!p0 [sflag:s10], $0x100  }
0x27: {  	[sflag:s10] =	ssyncset.done @!p0 $0x0  }
0x28: {  	s16 =	rddreg [dreg:$0x5];
	[sflag:s10] =	ssyncadd.s32 @!p0 $0xFFFFFF00  }
0x29: {  	[tilespmem:s23], [sflag:$0x4] =	stream.linear.gather [hbm4b:s16+s4], $0x4000, $0x38;
	[tilespmem:$0x1FB80] =	vst v63  }
0x2a: {  	_ =	swait.ge [sflag:s22], $0x4000  }
0x2b: {  	[sflag:s22] =	ssyncset.done $0x0  }
0x2c: {  	s7 =	sadd.s32 $0xFFFFF640, s17;
	[sflag:s22] =	ssyncadd.s32 $0xFFFFC000  }
0x2d: {  	s15 =	sadd.s32 $0x9D0, s7;
	[bflag:$0x0] =	sbarrier.arrive $0xFFFF  }
0x2e: {  	[tilespmem:s24], [sflag:$0x4] =	stream.linear.gather [hbm4b:s15+s4], $0x80, $0x38;
	[tilespmem:$0x1FB80] =	vst v63  }
0x2f: {  	_ =	swait.ge [sflag:s22], $0x80  }
0x30: {  	[sflag:s22] =	ssyncset.done $0x0  }
0x31: {  	[sflag:s22] =	ssyncadd.s32 $0xFFFFFF80  }
0x32: {  	[spmem:s2] =	stream.indirect.scatter.add.f32 [tilespmem:s23], [sflag:$0x1], $0x80, s24, s25, $0xb8;
	[tilespmem:$0x1FB80] =	vst v63  }
0x33: {  	s16 =	sadd.s32 $0x9F0, s7  }
0x34: {  	[tilespmem:s26], [sflag:$0x4] =	stream.linear.gather [hbm4b:s16+s4], $0x80, $0x38;
	[tilespmem:$0x1FB80] =	vst v63  }
0x35: {  	_ =	swait.ge [sflag:s22], $0x80  }
0x36: {  	[sflag:s22] =	ssyncset.done $0x0  }
0x37: {  	[sflag:s22] =	ssyncadd.s32 $0xFFFFFF80  }
0x38: {  	[spmem:s2] =	stream.indirect.scatter.add.f32 [tilespmem:s23], [sflag:$0x2], $0x80, s26, s25, $0xb8;
	[tilespmem:$0x1FB80] =	vst v63  }
0x39: {  	s10 =	sadd.s32 $0xA10, s7  }
0x3a: {  	[tilespmem:s28], [sflag:$0x4] =	stream.linear.gather [hbm4b:s10+s4], $0x80, $0x38;
	[tilespmem:$0x1FB80] =	vst v63  }
0x3b: {  	_ =	swait.ge [sflag:s22], $0x80  }
0x3c: {  	[sflag:s22] =	ssyncset.done $0x0  }
0x3d: {  	[sflag:s22] =	ssyncadd.s32 $0xFFFFFF80  }
0x3e: {  	[spmem:s2] =	stream.indirect.scatter.add.f32 [tilespmem:s23], [sflag:$0x3], $0x80, s28, s25, $0xb8;
	[tilespmem:$0x1FB80] =	vst v63  }
0x3f: {  	_ =	swait.ge [sflag:s29], $0x4000  }
0x40: {  	[sflag:s29] =	ssyncset.done $0x0  }
0x41: {  	[sflag:s29] =	ssyncadd.s32 $0xFFFFC000  }
0x42: {  	_ =	swait.ge [sflag:s30], $0x4000  }
0x43: {  	[sflag:s30] =	ssyncset.done $0x0  }
0x44: {  	[sflag:s30] =	ssyncadd.s32 $0xFFFFC000  }
0x45: {  	_ =	swait.ge [sflag:s31], $0x4000  }
0x46: {  	s15 =	sadd.s32 $0xFFFFF6A0, s17;
	s16 =	simm.s32 $0xFFFFF700;
	[sflag:s31] =	ssyncset.done $0x0  }
.LBB2_2:
0x47: {  	s10 =	sadd.s32 $0x9D0, s15  }
0x48: {  	[sflag:s31] =	ssyncadd.s32 $0xFFFFC000;
	s1 =	smov.u32 s16;
	s7 =	sadd.s32 $0x60, s16  }
0x49: {  	[tilespmem:s24], [sflag:$0x4] =	stream.linear.gather [hbm4b:s10+s4], $0x80, $0x38;
	[tilespmem:$0x1FB80] =	vst v63  }
0x4a: {  	p2 =	sne.s32 s16, $0xFFFFFFA0;
	_ =	swait.ge [sflag:s22], $0x80  }
0x4b: {  	[sflag:s22] =	ssyncset.done $0x0  }
0x4c: {  	[sflag:s22] =	ssyncadd.s32 $0xFFFFFF80  }
0x4d: {  	[spmem:s2] =	stream.indirect.scatter.add.f32 [tilespmem:s23], [sflag:$0x1], $0x80, s24, s25, $0xb8;
	[tilespmem:$0x1FB80] =	vst v63  }
0x4e: {  	s10 =	sadd.s32 $0x9F0, s15  }
0x4f: {  	[tilespmem:s26], [sflag:$0x4] =	stream.linear.gather [hbm4b:s10+s4], $0x80, $0x38;
	[tilespmem:$0x1FB80] =	vst v63  }
0x50: {  	_ =	swait.ge [sflag:s22], $0x80  }
0x51: {  	[sflag:s22] =	ssyncset.done $0x0  }
0x52: {  	[sflag:s22] =	ssyncadd.s32 $0xFFFFFF80  }
0x53: {  	[spmem:s2] =	stream.indirect.scatter.add.f32 [tilespmem:s23], [sflag:$0x2], $0x80, s26, s25, $0xb8;
	[tilespmem:$0x1FB80] =	vst v63  }
0x54: {  	s10 =	sadd.s32 $0xA10, s15  }
0x55: {  	[tilespmem:s28], [sflag:$0x4] =	stream.linear.gather [hbm4b:s10+s4], $0x80, $0x38;
	[tilespmem:$0x1FB80] =	vst v63  }
0x56: {  	_ =	swait.ge [sflag:s22], $0x80  }
0x57: {  	[sflag:s22] =	ssyncset.done $0x0  }
0x58: {  	[sflag:s22] =	ssyncadd.s32 $0xFFFFFF80  }
0x59: {  	[spmem:s2] =	stream.indirect.scatter.add.f32 [tilespmem:s23], [sflag:$0x3], $0x80, s28, s25, $0xb8;
	[tilespmem:$0x1FB80] =	vst v63  }
0x5a: {  	_ =	swait.ge [sflag:s29], $0x4000  }
0x5b: {  	[sflag:s29] =	ssyncset.done $0x0  }
0x5c: {  	[sflag:s29] =	ssyncadd.s32 $0xFFFFC000  }
.Ltmp0:
0x5d: {  	_ =	swait.ge [sflag:s30], $0x4000;
	(pc) =	sbr.rel @p2 .LBB2_2-.Ltmp0, $4  }
0x5e: {  	[sflag:s30] =	ssyncset.done $0x0  }
0x5f: {  	[sflag:s30] =	ssyncadd.s32 $0xFFFFC000  }
0x60: {  	_ =	swait.ge [sflag:s31], $0x4000  }
0x61: {  	s16 =	smov.u32 s7;
	s15 =	sadd.s32 s1, s17;
	[sflag:s31] =	ssyncset.done $0x0  }
0x62: {  	s1 =	sadd.s32 $0x9D0, s15;
	[sflag:s31] =	ssyncadd.s32 $0xFFFFC000  }
0x63: {  	[tilespmem:s24], [sflag:$0x4] =	stream.linear.gather [hbm4b:s1+s4], $0x80, $0x38;
	[tilespmem:$0x1FB80] =	vst v63  }
0x64: {  	_ =	swait.ge [sflag:s22], $0x80  }
0x65: {  	[sflag:s22] =	ssyncset.done $0x0  }
0x66: {  	[sflag:s22] =	ssyncadd.s32 $0xFFFFFF80  }
0x67: {  	[spmem:s2] =	stream.indirect.scatter.add.f32 [tilespmem:s23], [sflag:$0x1], $0x80, s24, s25, $0xb8;
	[tilespmem:$0x1FB80] =	vst v63  }
0x68: {  	s7 =	sadd.s32 $0x9F0, s15  }
0x69: {  	[tilespmem:s26], [sflag:$0x4] =	stream.linear.gather [hbm4b:s7+s4], $0x80, $0x38;
	[tilespmem:$0x1FB80] =	vst v63  }
0x6a: {  	_ =	swait.ge [sflag:s22], $0x80  }
0x6b: {  	[sflag:s22] =	ssyncset.done $0x0  }
0x6c: {  	[sflag:s22] =	ssyncadd.s32 $0xFFFFFF80  }
0x6d: {  	[spmem:s2] =	stream.indirect.scatter.add.f32 [tilespmem:s23], [sflag:$0x2], $0x80, s26, s25, $0xb8;
	[tilespmem:$0x1FB80] =	vst v63  }
0x6e: {  	s10 =	sadd.s32 $0xA10, s15  }
0x6f: {  	[tilespmem:s28], [sflag:$0x4] =	stream.linear.gather [hbm4b:s10+s4], $0x80, $0x38;
	[tilespmem:$0x1FB80] =	vst v63  }
0x70: {  	_ =	swait.ge [sflag:s22], $0x80  }
0x71: {  	[sflag:s22] =	ssyncset.done $0x0  }
0x72: {  	[sflag:s22] =	ssyncadd.s32 $0xFFFFFF80  }
0x73: {  	[spmem:s2] =	stream.indirect.scatter.add.f32 [tilespmem:s23], [sflag:$0x3], $0x80, s28, s25, $0xb8;
	[tilespmem:$0x1FB80] =	vst v63  }
0x74: {  	_ =	swait.ge [sflag:s29], $0x4000  }
0x75: {  	[sflag:s29] =	ssyncset.done $0x0  }
0x76: {  	[sflag:s29] =	ssyncadd.s32 $0xFFFFC000  }
0x77: {  	_ =	swait.ge [sflag:s30], $0x4000  }
0x78: {  	[sflag:s30] =	ssyncset.done $0x0  }
0x79: {  	[sflag:s30] =	ssyncadd.s32 $0xFFFFC000  }
0x7a: {  	_ =	swait.ge [sflag:s31], $0x4000  }
0x7b: {  	s1 =	simm.s32 @!p1 $0x0;
	[sflag:s31] =	ssyncset.done $0x0  }
0x7c: {  	s7 =	simm.s32 @!p1 $0x13900;
	s10 =	rddreg [dreg:$0x8];
	[sflag:s31] =	ssyncadd.s32 $0xFFFFC000  }
0x7d: {  	[tilespmem:s7], [sflag:$0x4] =	stream.linear.gather @!p1 [hbm4b:s10+s1], $0x80, $0x38;
	[tilespmem:$0x1FB80] =	vst v63  }
0x7e: {  	s1 =	simm.s32 @!p1 $0x4  }
0x7f: {  	_ =	swait.ge @!p1 [sflag:s1], $0x80  }
0x80: {  	[sflag:s1] =	ssyncset.done @!p1 $0x0  }
0x81: {  	s15 =	simm.s32 @!p1 $0x13980;
	s10 =	simm.s32 @!p1 $0x80;
	[sflag:s1] =	ssyncadd.s32 @!p1 $0xFFFFFF80  }
0x82: {  	[spmem:s2] =	stream.indirect.scatter.add.f32 @!p1 [tilespmem:s15], [sflag:$0x4], $0x80, s7, s10, $0xb8;
	[tilespmem:$0x1FB80] =	vst v63  }
0x83: {  	_ =	swait.ge @!p1 [sflag:s1], $0x4000  }
0x84: {  	[sflag:s1] =	ssyncset.done @!p1 $0x0  }
0x85: {  	[sflag:s1] =	ssyncadd.s32 @!p1 $0xFFFFC000  }
0x86: {  	[bflag:$0x0] =	sbarrier.arrive $0xFFFF  }
0x87: {  	s15 =	rddreg [dreg:$0x9]  }
0x88: {  	[hbm:s15], [sflag:s8] =	dma.local [spmem:s13], $0x2700  }
0x89: {  	_ =	swait.ge [sflag:s22], $0x2700  }
0x8a: {  	[sflag:s22] =	ssyncset.done $0x0  }
0x8b: {  	s15 =	rddreg [dreg:$0x6];
	[sflag:s22] =	ssyncadd.s32 $0xFFFFD900  }
0x8c: {  	s1 =	sshrl.u32 @p0 s15, $0x3;
	s10 =	rddreg [dreg:$0x2]  }
0x8d: {  	[spmem:s1], [sflag:s8] =	dma.local @p0 [hbm:s10], $0x2700  }
0x8e: {  	s1 =	simm.s32 @p0 $0x4  }
0x8f: {  	_ =	swait.ge @p0 [sflag:s1], $0x2700  }
0x90: {  	[sflag:s1] =	ssyncset.done @p0 $0x0  }
0x91: {  	[sflag:s1] =	ssyncadd.s32 @p0 $0xFFFFD900;
	s1 =	rddreg [dreg:$0xa]  }
0x92: {  	[hbm:s1], [sflag:s8] =	dma.local @!p0 [spmem:s14], $0x100  }
0x93: {  	s1 =	simm.s32 @!p0 $0x4  }
0x94: {  	_ =	swait.ge @!p0 [sflag:s1], $0x100  }
0x95: {  	[sflag:s1] =	ssyncset.done @!p0 $0x0  }
0x96: {  	s7 =	sshrl.u32 @!p0 s15, $0x3;
	[sflag:s1] =	ssyncadd.s32 @!p0 $0xFFFFFF00  }
0x97: {  	[spmem:s7], [sflag:s8] =	dma.local @!p0 [hbm:s10], $0x2700  }
0x98: {  	_ =	swait.ge @!p0 [sflag:s1], $0x2700  }
0x99: {  	[sflag:s1] =	ssyncset.done @!p0 $0x0  }
0x9a: {  	[sflag:s1] =	ssyncadd.s32 @!p0 $0xFFFFD900  }
0x9b: {  	[spmem:s14], [sflag:s8] =	dma.local @!p0 [hbm:s10], $0x100  }
0x9c: {  	_ =	swait.ge @!p0 [sflag:s1], $0x100  }
0x9d: {  	[sflag:s1] =	ssyncset.done @!p0 $0x0  }
0x9e: {  	[sflag:s1] =	ssyncadd.s32 @!p0 $0xFFFFFF00  }
0x9f: {  	s16 =	sadd.s32 $0x0, s17;
	[bflag:$0x0] =	sbarrier.arrive $0xFFFF  }
0xa0: {  	[tilespmem:s0], [sflag:$0x4] =	stream.linear.gather [hbm4b:s16+s4], $0x80, $0x38;
	[tilespmem:$0x1FB80] =	vst v63  }
0xa1: {  	_ =	swait.ge [sflag:s22], $0x80  }
0xa2: {  	[sflag:s22] =	ssyncset.done $0x0  }
0xa3: {  	s1 =	sadd.s32 $0x10, s16;
	[sflag:s22] =	ssyncadd.s32 $0xFFFFFF80  }
0xa4: {  	[tilespmem:s24], [sflag:$0x4] =	stream.linear.gather [hbm4b:s1+s4], $0x80, $0x38;
	[tilespmem:$0x1FB80] =	vst v63  }
0xa5: {  	_ =	swait.ge [sflag:s22], $0x80  }
0xa6: {  	[sflag:s22] =	ssyncset.done $0x0  }
0xa7: {  	[sflag:s22] =	ssyncadd.s32 $0xFFFFFF80  }
0xa8: {  	[tilespmem:s23], [sflag:$0x1] =	stream.indirect.gather [hbm4b:s5+s25], $0x80, s0, s25, $0xb8;
	[tilespmem:$0x1FB80] =	vst v63  }
0xa9: {  	s7 =	sadd.s32 $0x0, s21  }
0xaa: {  	[tilespmem:s3], [sflag:$0x4] =	stream.linear.gather [hbm4b:s7+s4], $0x80, $0x38;
	[tilespmem:$0x1FB80] =	vst v63  }
0xab: {  	_ =	swait.ge [sflag:s22], $0x80  }
0xac: {  	[sflag:s22] =	ssyncset.done $0x0  }
0xad: {  	s10 =	sadd.s32 $0x0, s20;
	[sflag:s22] =	ssyncadd.s32 $0xFFFFFF80  }
0xae: {  	[tilespmem:s26], [sflag:$0x4] =	stream.linear.gather [hbm4b:s10+s4], $0x80, $0x38;
	[tilespmem:$0x1FB80] =	vst v63  }
0xaf: {  	_ =	swait.ge [sflag:s22], $0x80  }
0xb0: {  	[sflag:s22] =	ssyncset.done $0x0  }
0xb1: {  	[sflag:s22] =	ssyncadd.s32 $0xFFFFFF80  }
0xb2: {  	[tilespmem:s6], [sflag:$0x2] =	stream.indirect.gather [hbm4b:s5+s25], $0x80, s3, s25, $0xb8;
	[tilespmem:$0x1FB80] =	vst v63  }
0xb3: {  	s15 =	sadd.s32 $0x0, s18  }
0xb4: {  	[tilespmem:s9], [sflag:$0x4] =	stream.linear.gather [hbm4b:s15+s4], $0x80, $0x38;
	[tilespmem:$0x1FB80] =	vst v63  }
0xb5: {  	_ =	swait.ge [sflag:s22], $0x80  }
0xb6: {  	[sflag:s22] =	ssyncset.done $0x0  }
0xb7: {  	s16 =	sadd.s32 $0x0, s19;
	[sflag:s22] =	ssyncadd.s32 $0xFFFFFF80  }
0xb8: {  	[tilespmem:s28], [sflag:$0x4] =	stream.linear.gather [hbm4b:s16+s4], $0x80, $0x38;
	[tilespmem:$0x1FB80] =	vst v63  }
0xb9: {  	_ =	swait.ge [sflag:s22], $0x80  }
0xba: {  	[sflag:s22] =	ssyncset.done $0x0  }
0xbb: {  	[sflag:s22] =	ssyncadd.s32 $0xFFFFFF80  }
0xbc: {  	[tilespmem:s11], [sflag:$0x3] =	stream.indirect.gather [hbm4b:s5+s25], $0x80, s9, s25, $0xb8;
	[tilespmem:$0x1FB80] =	vst v63  }
0xbd: {  	_ =	swait.ge [sflag:s29], $0x4000  }
0xbe: {  	[sflag:s29] =	ssyncset.done $0x0  }
0xbf: {  	[sflag:s29] =	ssyncadd.s32 $0xFFFFC000  }
0xc0: {  	[spmem:s2] =	stream.indirect.scatter.add.f32 [tilespmem:s23], [sflag:$0x4], $0x80, s24, s25, $0xb8;
	[tilespmem:$0x1FB80] =	vst v63  }
0xc1: {  	_ =	swait.ge [sflag:s22], $0x4000  }
0xc2: {  	[sflag:s22] =	ssyncset.done $0x0  }
0xc3: {  	[sflag:s22] =	ssyncadd.s32 $0xFFFFC000  }
0xc4: {  	_ =	swait.ge [sflag:s30], $0x4000  }
0xc5: {  	[sflag:s30] =	ssyncset.done $0x0  }
0xc6: {  	[sflag:s30] =	ssyncadd.s32 $0xFFFFC000  }
0xc7: {  	[spmem:s2] =	stream.indirect.scatter.add.f32 [tilespmem:s6], [sflag:$0x4], $0x80, s26, s25, $0xb8;
	[tilespmem:$0x1FB80] =	vst v63  }
0xc8: {  	_ =	swait.ge [sflag:s22], $0x4000  }
0xc9: {  	[sflag:s22] =	ssyncset.done $0x0  }
0xca: {  	[sflag:s22] =	ssyncadd.s32 $0xFFFFC000  }
0xcb: {  	_ =	swait.ge [sflag:s31], $0x4000  }
0xcc: {  	[sflag:s31] =	ssyncset.done $0x0  }
0xcd: {  	[sflag:s31] =	ssyncadd.s32 $0xFFFFC000  }
0xce: {  	[spmem:s2] =	stream.indirect.scatter.add.f32 [tilespmem:s11], [sflag:$0x4], $0x80, s28, s25, $0xb8;
	[tilespmem:$0x1FB80] =	vst v63  }
0xcf: {  	_ =	swait.ge [sflag:s22], $0x4000  }
0xd0: {  	s15 =	simm.s32 $0x60;
	s16 =	simm.s32 $0xC0;
	[sflag:s22] =	ssyncset.done $0x0  }
.LBB2_4:
0xd1: {  	s1 =	sadd.s32 s15, s17  }
0xd2: {  	[sflag:s22] =	ssyncadd.s32 $0xFFFFC000;
	s7 =	smov.u32 s16;
	s10 =	sadd.s32 $0x60, s16  }
0xd3: {  	[tilespmem:s0], [sflag:$0x4] =	stream.linear.gather [hbm4b:s1+s4], $0x80, $0x38;
	[tilespmem:$0x1FB80] =	vst v63  }
0xd4: {  	p2 =	sne.s32 s16, $0x960;
	_ =	swait.ge [sflag:s22], $0x80  }
0xd5: {  	[sflag:s22] =	ssyncset.done $0x0  }
0xd6: {  	s1 =	sadd.s32 $0x10, s1;
	[sflag:s22] =	ssyncadd.s32 $0xFFFFFF80  }
0xd7: {  	[tilespmem:s24], [sflag:$0x4] =	stream.linear.gather [hbm4b:s1+s4], $0x80, $0x38;
	[tilespmem:$0x1FB80] =	vst v63  }
0xd8: {  	_ =	swait.ge [sflag:s22], $0x80  }
0xd9: {  	[sflag:s22] =	ssyncset.done $0x0  }
0xda: {  	[sflag:s22] =	ssyncadd.s32 $0xFFFFFF80  }
0xdb: {  	[tilespmem:s23], [sflag:$0x1] =	stream.indirect.gather [hbm4b:s5+s25], $0x80, s0, s25, $0xb8;
	[tilespmem:$0x1FB80] =	vst v63  }
0xdc: {  	s1 =	sadd.s32 s15, s21  }
0xdd: {  	[tilespmem:s3], [sflag:$0x4] =	stream.linear.gather [hbm4b:s1+s4], $0x80, $0x38;
	[tilespmem:$0x1FB80] =	vst v63  }
0xde: {  	_ =	swait.ge [sflag:s22], $0x80  }
0xdf: {  	[sflag:s22] =	ssyncset.done $0x0  }
0xe0: {  	s1 =	sadd.s32 s15, s20;
	[sflag:s22] =	ssyncadd.s32 $0xFFFFFF80  }
0xe1: {  	[tilespmem:s26], [sflag:$0x4] =	stream.linear.gather [hbm4b:s1+s4], $0x80, $0x38;
	[tilespmem:$0x1FB80] =	vst v63  }
0xe2: {  	_ =	swait.ge [sflag:s22], $0x80  }
0xe3: {  	[sflag:s22] =	ssyncset.done $0x0  }
0xe4: {  	[sflag:s22] =	ssyncadd.s32 $0xFFFFFF80  }
0xe5: {  	[tilespmem:s6], [sflag:$0x2] =	stream.indirect.gather [hbm4b:s5+s25], $0x80, s3, s25, $0xb8;
	[tilespmem:$0x1FB80] =	vst v63  }
0xe6: {  	s1 =	sadd.s32 s15, s18  }
0xe7: {  	[tilespmem:s9], [sflag:$0x4] =	stream.linear.gather [hbm4b:s1+s4], $0x80, $0x38;
	[tilespmem:$0x1FB80] =	vst v63  }
0xe8: {  	_ =	swait.ge [sflag:s22], $0x80  }
0xe9: {  	[sflag:s22] =	ssyncset.done $0x0  }
0xea: {  	s1 =	sadd.s32 s15, s19;
	s15 =	smov.u32 s7;
	[sflag:s22] =	ssyncadd.s32 $0xFFFFFF80  }
0xeb: {  	[tilespmem:s28], [sflag:$0x4] =	stream.linear.gather [hbm4b:s1+s4], $0x80, $0x38;
	[tilespmem:$0x1FB80] =	vst v63  }
0xec: {  	_ =	swait.ge [sflag:s22], $0x80  }
0xed: {  	[sflag:s22] =	ssyncset.done $0x0  }
0xee: {  	[sflag:s22] =	ssyncadd.s32 $0xFFFFFF80  }
0xef: {  	[tilespmem:s11], [sflag:$0x3] =	stream.indirect.gather [hbm4b:s5+s25], $0x80, s9, s25, $0xb8;
	[tilespmem:$0x1FB80] =	vst v63  }
0xf0: {  	_ =	swait.ge [sflag:s29], $0x4000  }
0xf1: {  	[sflag:s29] =	ssyncset.done $0x0  }
0xf2: {  	[sflag:s29] =	ssyncadd.s32 $0xFFFFC000  }
0xf3: {  	[spmem:s2] =	stream.indirect.scatter.add.f32 [tilespmem:s23], [sflag:$0x4], $0x80, s24, s25, $0xb8;
	[tilespmem:$0x1FB80] =	vst v63  }
0xf4: {  	_ =	swait.ge [sflag:s22], $0x4000  }
0xf5: {  	[sflag:s22] =	ssyncset.done $0x0  }
0xf6: {  	[sflag:s22] =	ssyncadd.s32 $0xFFFFC000  }
0xf7: {  	_ =	swait.ge [sflag:s30], $0x4000  }
0xf8: {  	[sflag:s30] =	ssyncset.done $0x0  }
0xf9: {  	[sflag:s30] =	ssyncadd.s32 $0xFFFFC000  }
0xfa: {  	[spmem:s2] =	stream.indirect.scatter.add.f32 [tilespmem:s6], [sflag:$0x4], $0x80, s26, s25, $0xb8;
	[tilespmem:$0x1FB80] =	vst v63  }
0xfb: {  	_ =	swait.ge [sflag:s22], $0x4000  }
0xfc: {  	[sflag:s22] =	ssyncset.done $0x0  }
0xfd: {  	[sflag:s22] =	ssyncadd.s32 $0xFFFFC000  }
0xfe: {  	_ =	swait.ge [sflag:s31], $0x4000  }
.Ltmp1:
0xff: {  	[sflag:s31] =	ssyncset.done $0x0;
	(pc) =	sbr.rel @p2 .LBB2_4-.Ltmp1, $4  }
0x100: {  	[sflag:s31] =	ssyncadd.s32 $0xFFFFC000  }
0x101: {  	[spmem:s2] =	stream.indirect.scatter.add.f32 [tilespmem:s11], [sflag:$0x4], $0x80, s28, s25, $0xb8;
	[tilespmem:$0x1FB80] =	vst v63  }
0x102: {  	_ =	swait.ge [sflag:s22], $0x4000  }
0x103: {  	s16 =	smov.u32 s10;
	[sflag:s22] =	ssyncset.done $0x0  }
0x104: {  	s1 =	sadd.s32 s15, s17;
	[sflag:s22] =	ssyncadd.s32 $0xFFFFC000  }
0x105: {  	[tilespmem:s0], [sflag:$0x4] =	stream.linear.gather [hbm4b:s1+s4], $0x80, $0x38;
	[tilespmem:$0x1FB80] =	vst v63  }
0x106: {  	_ =	swait.ge [sflag:s22], $0x80  }
0x107: {  	[sflag:s22] =	ssyncset.done $0x0  }
0x108: {  	s1 =	sadd.s32 $0x10, s1;
	[sflag:s22] =	ssyncadd.s32 $0xFFFFFF80  }
0x109: {  	[tilespmem:s24], [sflag:$0x4] =	stream.linear.gather [hbm4b:s1+s4], $0x80, $0x38;
	[tilespmem:$0x1FB80] =	vst v63  }
0x10a: {  	_ =	swait.ge [sflag:s22], $0x80  }
0x10b: {  	[sflag:s22] =	ssyncset.done $0x0  }
0x10c: {  	[sflag:s22] =	ssyncadd.s32 $0xFFFFFF80  }
0x10d: {  	[tilespmem:s23], [sflag:$0x1] =	stream.indirect.gather [hbm4b:s5+s25], $0x80, s0, s25, $0xb8;
	[tilespmem:$0x1FB80] =	vst v63  }
0x10e: {  	s10 =	sadd.s32 s15, s21  }
0x10f: {  	[tilespmem:s3], [sflag:$0x4] =	stream.linear.gather [hbm4b:s10+s4], $0x80, $0x38;
	[tilespmem:$0x1FB80] =	vst v63  }
0x110: {  	_ =	swait.ge [sflag:s22], $0x80  }
0x111: {  	[sflag:s22] =	ssyncset.done $0x0  }
0x112: {  	s16 =	sadd.s32 s15, s20;
	[sflag:s22] =	ssyncadd.s32 $0xFFFFFF80  }
0x113: {  	[tilespmem:s26], [sflag:$0x4] =	stream.linear.gather [hbm4b:s16+s4], $0x80, $0x38;
	[tilespmem:$0x1FB80] =	vst v63  }
0x114: {  	_ =	swait.ge [sflag:s22], $0x80  }
0x115: {  	[sflag:s22] =	ssyncset.done $0x0  }
0x116: {  	[sflag:s22] =	ssyncadd.s32 $0xFFFFFF80  }
0x117: {  	[tilespmem:s6], [sflag:$0x2] =	stream.indirect.gather [hbm4b:s5+s25], $0x80, s3, s25, $0xb8;
	[tilespmem:$0x1FB80] =	vst v63  }
0x118: {  	s7 =	sadd.s32 s15, s18  }
0x119: {  	[tilespmem:s9], [sflag:$0x4] =	stream.linear.gather [hbm4b:s7+s4], $0x80, $0x38;
	[tilespmem:$0x1FB80] =	vst v63  }
0x11a: {  	_ =	swait.ge [sflag:s22], $0x80  }
0x11b: {  	[sflag:s22] =	ssyncset.done $0x0  }
0x11c: {  	s10 =	sadd.s32 s15, s19;
	[sflag:s22] =	ssyncadd.s32 $0xFFFFFF80  }
0x11d: {  	[tilespmem:s28], [sflag:$0x4] =	stream.linear.gather [hbm4b:s10+s4], $0x80, $0x38;
	[tilespmem:$0x1FB80] =	vst v63  }
0x11e: {  	_ =	swait.ge [sflag:s22], $0x80  }
0x11f: {  	[sflag:s22] =	ssyncset.done $0x0  }
0x120: {  	[sflag:s22] =	ssyncadd.s32 $0xFFFFFF80  }
0x121: {  	[tilespmem:s11], [sflag:$0x3] =	stream.indirect.gather [hbm4b:s5+s25], $0x80, s9, s25, $0xb8;
	[tilespmem:$0x1FB80] =	vst v63  }
0x122: {  	_ =	swait.ge [sflag:s29], $0x4000  }
0x123: {  	[sflag:s29] =	ssyncset.done $0x0  }
0x124: {  	[sflag:s29] =	ssyncadd.s32 $0xFFFFC000  }
0x125: {  	[spmem:s2] =	stream.indirect.scatter.add.f32 [tilespmem:s23], [sflag:$0x4], $0x80, s24, s25, $0xb8;
	[tilespmem:$0x1FB80] =	vst v63  }
0x126: {  	_ =	swait.ge [sflag:s22], $0x4000  }
0x127: {  	[sflag:s22] =	ssyncset.done $0x0  }
0x128: {  	[sflag:s22] =	ssyncadd.s32 $0xFFFFC000  }
0x129: {  	_ =	swait.ge [sflag:s30], $0x4000  }
0x12a: {  	[sflag:s30] =	ssyncset.done $0x0  }
0x12b: {  	[sflag:s30] =	ssyncadd.s32 $0xFFFFC000  }
0x12c: {  	[spmem:s2] =	stream.indirect.scatter.add.f32 [tilespmem:s6], [sflag:$0x4], $0x80, s26, s25, $0xb8;
	[tilespmem:$0x1FB80] =	vst v63  }
0x12d: {  	_ =	swait.ge [sflag:s22], $0x4000  }
0x12e: {  	[sflag:s22] =	ssyncset.done $0x0  }
0x12f: {  	[sflag:s22] =	ssyncadd.s32 $0xFFFFC000  }
0x130: {  	_ =	swait.ge [sflag:s31], $0x4000  }
0x131: {  	[sflag:s31] =	ssyncset.done $0x0  }
0x132: {  	[sflag:s31] =	ssyncadd.s32 $0xFFFFC000  }
0x133: {  	[spmem:s2] =	stream.indirect.scatter.add.f32 [tilespmem:s11], [sflag:$0x4], $0x80, s28, s25, $0xb8;
	[tilespmem:$0x1FB80] =	vst v63  }
0x134: {  	_ =	swait.ge [sflag:s22], $0x4000  }
0x135: {  	s1 =	simm.s32 @!p1 $0x0;
	[sflag:s22] =	ssyncset.done $0x0  }
0x136: {  	s7 =	simm.s32 @!p1 $0x13880;
	s10 =	rddreg [dreg:$0xb];
	[sflag:s22] =	ssyncadd.s32 $0xFFFFC000  }
0x137: {  	[tilespmem:s7], [sflag:$0x4] =	stream.linear.gather @!p1 [hbm4b:s10+s1], $0x80, $0x38;
	[tilespmem:$0x1FB80] =	vst v63  }
0x138: {  	s10 =	simm.s32 @!p1 $0x4  }
0x139: {  	_ =	swait.ge @!p1 [sflag:s10], $0x80  }
0x13a: {  	[sflag:s10] =	ssyncset.done @!p1 $0x0  }
0x13b: {  	s15 =	simm.s32 @!p1 $0x13900;
	s16 =	rddreg [dreg:$0x8];
	[sflag:s10] =	ssyncadd.s32 @!p1 $0xFFFFFF80  }
0x13c: {  	[tilespmem:s15], [sflag:$0x4] =	stream.linear.gather @!p1 [hbm4b:s16+s1], $0x80, $0x38;
	[tilespmem:$0x1FB80] =	vst v63  }
0x13d: {  	_ =	swait.ge @!p1 [sflag:s10], $0x80  }
0x13e: {  	[sflag:s10] =	ssyncset.done @!p1 $0x0  }
0x13f: {  	s1 =	simm.s32 @!p1 $0x80;
	s16 =	simm.s32 @!p1 $0x13980;
	[sflag:s10] =	ssyncadd.s32 @!p1 $0xFFFFFF80  }
0x140: {  	[tilespmem:s16], [sflag:$0x1] =	stream.indirect.gather @!p1 [hbm4b:s5+s1], $0x80, s7, s1, $0xb8;
	[tilespmem:$0x1FB80] =	vst v63  }
0x141: {  	s7 =	simm.s32 @!p1 $0x1  }
0x142: {  	_ =	swait.ge @!p1 [sflag:s7], $0x4000  }
0x143: {  	[sflag:s7] =	ssyncset.done @!p1 $0x0  }
0x144: {  	[sflag:s7] =	ssyncadd.s32 @!p1 $0xFFFFC000  }
0x145: {  	[spmem:s2] =	stream.indirect.scatter.add.f32 @!p1 [tilespmem:s16], [sflag:$0x4], $0x80, s15, s1, $0xb8;
	[tilespmem:$0x1FB80] =	vst v63  }
0x146: {  	_ =	swait.ge @!p1 [sflag:s10], $0x4000  }
0x147: {  	[sflag:s10] =	ssyncset.done @!p1 $0x0  }
0x148: {  	[sflag:s10] =	ssyncadd.s32 @!p1 $0xFFFFC000  }
0x149: {  	[bflag:$0x0] =	sbarrier.arrive $0xFFFF  }
0x14a: {  	s15 =	rddreg [dreg:$0xc]  }
0x14b: {  	[hbm:s15], [sflag:s8] =	dma.local [spmem:s13], $0x2700  }
0x14c: {  	_ =	swait.ge [sflag:s22], $0x2700  }
0x14d: {  	[sflag:s22] =	ssyncset.done $0x0  }
0x14e: {  	s1 =	rddreg [dreg:$0xd];
	[sflag:s22] =	ssyncadd.s32 $0xFFFFD900  }
0x14f: {  	[hbm:s1], [sflag:s8] =	dma.local @!p0 [spmem:s14], $0x100  }
0x150: {  	s1 =	simm.s32 @!p0 $0x4  }
0x151: {  	_ =	swait.ge @!p0 [sflag:s1], $0x100  }
0x152: {  	s12 =	sadd.s32 $0x1, s12;
	s16 =	rddreg [dreg:$0xe]  }
0x153: {  	p2 =	sne.s32 s12, s16  }
.Ltmp2:
0x154: {  	_ = 	snop;
	(pc) =	sbr.rel @p2 .LBB2_1-.Ltmp2, $3  }
0x155: {  	_ =	sdelay $0x1  }
0x156: {  	[sflag:s1] =	ssyncset.done @!p0 $0x0  }
0x157: {  	[sflag:s1] =	ssyncadd.s32 @!p0 $0xFFFFFF00  }
0x158: {  	_ =	sfence.sel $0x180000  }
0x159: {  	[bflag:$0x0] =	sbarrier.arrive $0xFFFF  }
0x15a: {  	_ =	strace $0x90000047  }
0x15b: {  	s0 =	stileid.u32;
	[bflag:$0x2] =	sbarrier.arrive $0xFFFF  }
0x15c: {  	p0 =	sne.s32 s0, $0x0;
	s0 =	rddreg [dreg:$0x4]  }
0x15d: {  	s0 =	sadd.s32 @!p0 $0x100000, s0  }
0x15e: {  	[sflag:s0] =	ssyncadd.tile.s32 @!p0 $0x1;
	_ =	shalt  }
.Lfunc_end2:
_tile_overlayer_lowered:
.L_overlay_start_2:
0x15f: {  	(tag) =	ssettag $0x2  }
0x160: {  	s0 =	rddreg [dreg:$0x0];
	s2 =	stileid.u32  }
0x161: {  	s1 =	rddreg [dreg:$0x1];
	p0 =	sne.s32 s2, $0x0  }
0x162: {  	s3 =	rddreg [dreg:$0x2];
	[bflag:$0x3] =	sbarrier.arrive $0xFFFF;
	s2 =	simm.s32 @!p0 $0x1C04  }
0x163: {  	[timem:s3], [sflag:s2] =	dma.local @!p0 [hbm:s0], s1  }
0x164: {  	s0 =	simm.s32 @!p0 $0x4  }
0x165: {  	_ =	swait.ge @!p0 [sflag:s0], s1  }
0x166: {  	s1 =	ssub.s32 @!p0 $0x0, s1;
	[sflag:s0] =	ssyncset.done @!p0 $0x0  }
0x167: {  	[sflag:s0] =	ssyncadd.s32 @!p0 s1  }
0x168: {  	[bflag:$0x3] =	sbarrier.arrive $0xFFFF  }
0x169: {  	_ =	shalt  }

</sc_bundles>
